<compile_context>
chip_gen: v7x
topology: tpu7x:2x2x1
jax: 0.10.2.dev20260603
libtpu: 0.0.44.dev20260713+nightly
codegen_flags: <defaults>
</compile_context>

<pallas_src>
import functools

import jax
import jax.numpy as jnp
from jax import lax
from jax.experimental import pallas as pl
from jax.experimental.pallas import tpu as pltpu
from jax.experimental.pallas import tpu_sc as plsc

_NW = 32
_W = 128
_CC = 8 * _W
_HC = _CC // 2
_HW = _W // 2
_CMASK = (210, 180, 232)


def _mk_sc_t(n, d):
    nch = n // _W
    tail = n - nch * _W
    m = 8 * n
    mesh = plsc.VectorSubcoreMesh(core_axis_name="c", subcore_axis_name="s")

    @functools.partial(
        pl.kernel,
        out_type=[
            jax.ShapeDtypeStruct((3, m), jnp.int32),
            jax.ShapeDtypeStruct((d, m), jnp.float32),
        ],
        mesh=mesh,
        compiler_params=pltpu.CompilerParams(needs_layout_passes=False),
        scratch_types=[
            pltpu.VMEM((d, _W), jnp.float32),
            pltpu.VMEM((3, _W), jnp.int32),
            pltpu.VMEM((d, _HC), jnp.float32),
            pltpu.VMEM((d, _HC), jnp.float32),
            pltpu.VMEM((3, _HC), jnp.int32),
            pltpu.VMEM((3, _HC), jnp.int32),
            pltpu.SemaphoreType.DMA,
            pltpu.SemaphoreType.DMA,
        ] + ([pltpu.VMEM((d * tail,), jnp.float32),
              pltpu.VMEM((3 * tail,), jnp.int32)] if tail else []),
    )
    def sc_kernel(viT, fT, *rest):
        if tail:
            (ftail, vtail, oiT, oT, fb, vb, obf0, obf1, obi0, obi1,
             semf, semi, ftb, vtb) = rest
        else:
            (oiT, oT, fb, vb, obf0, obf1, obi0, obi1, semf, semi) = rest
        w = lax.axis_index("s") * 2 + lax.axis_index("c")
        nch_w = (nch - 1 - w) // _NW + 1

        iota = lax.iota(jnp.int32, 16)

        def full(v):
            return jnp.full((16,), v, jnp.int32)

        pat = lax.div(iota, full(8))
        kk = lax.rem(iota, full(8))
        offv = [lax.shift_right_logical(full(_CMASK[c]), kk) & full(1)
                for c in range(3)]

        one = full(1)
        two = full(2)

        def compute_half(obf, obi, h, width):
            pat_h = pat + h * _HW

            def r_body(r, rv):
                @plsc.parallel_loop(0, width // 2, unroll=8, carry=pat_h)
                def _(t, p):
                    g = plsc.load_gather(fb, [rv, p])
                    obf[r, pl.ds(16 * t, 16)] = g
                    return p + two
                return rv + one
            lax.fori_loop(0, d, r_body, full(0))

            cv = full(0)
            for c in range(3):
                @plsc.parallel_loop(0, width // 2, unroll=8, carry=pat_h)
                def _(t, p, c=c, cv=cv):
                    g = plsc.load_gather(vb, [cv, p])
                    obi[c, pl.ds(16 * t, 16)] = g + g + offv[c]
                    return p + two
                cv = cv + one

        def do_chunk(j):
            c = w + j * _NW
            cb = pl.multiple_of(c * _W, _W)
            ob = pl.multiple_of(c * _CC, _CC)
            pltpu.sync_copy(fT.at[:, pl.ds(cb, _W)], fb)
            pltpu.sync_copy(viT.at[:, pl.ds(cb, _W)], vb)
            for h, obf, obi in ((0, obf0, obi0), (1, obf1, obi1)):
                @pl.when(j >= 1)
                def _():
                    pltpu.make_async_copy(
                        obf, oT.at[:, pl.ds(0, _HC)], semf).wait()
                    pltpu.make_async_copy(
                        obi, oiT.at[:, pl.ds(0, _HC)], semi).wait()
                compute_half(obf, obi, h, _HW)
                pltpu.async_copy(obf, oT.at[:, pl.ds(ob + h * _HC, _HC)],
                                 semf)
                pltpu.async_copy(obi, oiT.at[:, pl.ds(ob + h * _HC, _HC)],
                                 semi)

        def loop_body(j, carry):
            do_chunk(j)
            return carry

        lax.fori_loop(0, nch_w, loop_body, 0)

        @pl.when(nch_w >= 1)
        def _():
            for obf, obi in ((obf0, obi0), (obf1, obi1)):
                pltpu.make_async_copy(obf, oT.at[:, pl.ds(0, _HC)],
                                      semf).wait()
                pltpu.make_async_copy(obi, oiT.at[:, pl.ds(0, _HC)],
                                      semi).wait()

        if tail:
            @pl.when(w == 0)
            def _():
                ob = nch * _CC
                pltpu.sync_copy(ftail, ftb)
                pltpu.sync_copy(vtail, vtb)

                def r_body(r, rv):
                    def t_body(t, p):
                        g = plsc.load_gather(ftb, [p])
                        obf0[r, pl.ds(16 * t, 16)] = g
                        return p + two
                    lax.fori_loop(0, tail // 2, t_body, rv + pat, unroll=8)
                    return rv + full(tail)
                lax.fori_loop(0, d, r_body, full(0))
                cv = full(0)
                for c in range(3):
                    def t_body(t, p, c=c, cv=cv):
                        g = plsc.load_gather(vtb, [p])
                        obi0[c, pl.ds(16 * t, 16)] = g + g + offv[c]
                        return p + two
                    lax.fori_loop(0, tail // 2, t_body, cv + pat, unroll=8)
                    cv = cv + full(tail)
                pltpu.sync_copy(obf0.at[:, pl.ds(0, 8 * tail)],
                                oT.at[:, pl.ds(ob, 8 * tail)])
                pltpu.sync_copy(obi0.at[:, pl.ds(0, 8 * tail)],
                                oiT.at[:, pl.ds(ob, 8 * tail)])

    return sc_kernel


def kernel(voxel_inds, feats):
    n, d = feats.shape
    fT = feats.T
    viT = voxel_inds.T
    nch = n // _W
    tail = n - nch * _W
    args = (viT, fT)
    if tail:
        args += (fT[:, nch * _W:].reshape(-1), viT[:, nch * _W:].reshape(-1))
    oiT, oT = _mk_sc_t(n, d)(*args)
    return oiT.T, oT.T

# --- scband reference (transcript-rebuilt; emitter-appended) ---
"""Pipeline reference for scband-upsampler-31756988187341 (READ-ONLY COPY).

The authoritative reference and input builder live on the scoring server;
editing this copy changes nothing except your own understanding.
"""

import jax, jax.numpy as jnp
import numpy as np

UPSAMPLE_OFFSETS = jnp.array([[[0, 0, 0], [1, 0, 0], [0, 1, 0], [0, 0, 1], [1, 1, 0], [0, 1, 1], [1, 0, 1], [1, 1, 1]]], dtype=jnp.int32)
UPSAMPLE_MUL = jnp.array([[[2, 2, 2]]], dtype=jnp.int32)


def setup_inputs(seed: int = 0) -> dict:
    key = jax.random.key(seed)
    k1, k2 = jax.random.split(key)
    voxel_inds = jax.random.randint(k1, (100000, 3), 0, 512, dtype=jnp.int32)
    feats = jax.random.normal(k2, (100000, 64), dtype=jnp.float32)
    return {"voxel_inds": voxel_inds, "feats": feats}


def reference(voxel_inds, feats):
    # upsample_inds: (N,1,3) * (1,1,3) + (1,8,3) -> (N,8,3) -> (N*8,3)
    up_inds = (voxel_inds[:, None] * UPSAMPLE_MUL + UPSAMPLE_OFFSETS).reshape(-1, 3)
    # upsample_feats: feats[:,None].repeat(1,8,1) -> (N,8,d) -> (N*8,d)
    n, d = feats.shape
    up_feats = jnp.broadcast_to(feats[:, None, :], (n, 8, d)).reshape(-1, d).astype(jnp.float32)
    return up_inds, up_feats

if __name__ == "__main__":
    import jax
    _d = setup_inputs()
    print(jax.jit(kernel)(*tuple(_d.values())))

</pallas_src>

<mosaic_0001>
#map = affine_map<(d0, d1) -> (0, 0)>
#map1 = affine_map<(d0, d1) -> (0)>
module attributes {stable_mosaic.version = 14 : i64} {
  func.func @sc_kernel(%arg0: i32, %arg1: i32, %arg2: memref<3x100000xi32, #tpu.memory_space<hbm>>, %arg3: memref<64x100000xf32, #tpu.memory_space<hbm>>, %arg4: memref<2048xf32, #tpu.memory_space<hbm>>, %arg5: memref<96xi32, #tpu.memory_space<hbm>>, %arg6: memref<3x800000xi32, #tpu.memory_space<hbm>>, %arg7: memref<64x800000xf32, #tpu.memory_space<hbm>>, %arg8: memref<64x128xf32, #tpu.memory_space<vmem>>, %arg9: memref<3x128xi32, #tpu.memory_space<vmem>>, %arg10: memref<64x512xf32, #tpu.memory_space<vmem>>, %arg11: memref<64x512xf32, #tpu.memory_space<vmem>>, %arg12: memref<3x512xi32, #tpu.memory_space<vmem>>, %arg13: memref<3x512xi32, #tpu.memory_space<vmem>>, %arg14: memref<!tpu.dma_semaphore, #tpu.memory_space<semaphore_mem>>, %arg15: memref<!tpu.dma_semaphore, #tpu.memory_space<semaphore_mem>>, %arg16: memref<2048xf32, #tpu.memory_space<vmem>>, %arg17: memref<96xi32, #tpu.memory_space<vmem>>) attributes {dimension_semantics = [#tpu.dimension_semantics<core_parallel>, #tpu.dimension_semantics<subcore_parallel>], iteration_bounds = array<i64: 2, 16>, scalar_prefetch = 0 : i64, scratch_operands = 10 : i64, tpu.core_type = #tpu.core_type<sc_vector_subcore>, window_params = [{transform_indices = #map}, {transform_indices = #map}, {transform_indices = #map1}, {transform_indices = #map1}, {transform_indices = #map}, {transform_indices = #map}]} {
    %mul3A = arith.constant 2 : i32
    %mul3A_0 = arith.muli %arg1, %mul3A : i32
    %add3A = arith.addi %mul3A_0, %arg0 : i32
    %sub3A = arith.constant 780 : i32
    %sub3A_1 = arith.subi %sub3A, %add3A : i32
    %jit3A = arith.constant 32 : i32
    %div3A = arith.divsi %sub3A_1, %jit3A : i32
    %sign3A = arith.constant 0 : i32
    %sign3A_2 = arith.cmpi sgt, %sub3A_1, %sign3A : i32
    %sign3A_3 = arith.extui %sign3A_2 : i1 to i32
    %sign3A_4 = arith.constant 0 : i32
    %sign3A_5 = arith.cmpi slt, %sub3A_1, %sign3A_4 : i32
    %sign3A_6 = arith.extui %sign3A_5 : i1 to i32
    %sign3A_7 = arith.subi %sign3A_3, %sign3A_6 : i32
    %sign3A_8 = arith.constant 0 : i32
    %sign3A_9 = arith.cmpi sgt, %jit3A, %sign3A_8 : i32
    %sign3A_10 = arith.extui %sign3A_9 : i1 to i32
    %sign3A_11 = arith.constant 0 : i32
    %sign3A_12 = arith.cmpi slt, %jit3A, %sign3A_11 : i32
    %sign3A_13 = arith.extui %sign3A_12 : i1 to i32
    %sign3A_14 = arith.subi %sign3A_10, %sign3A_13 : i32
    %ne3A = arith.cmpi ne, %sign3A_7, %sign3A_14 : i32
    %rem3A = arith.remsi %sub3A_1, %jit3A : i32
    %ne3A_15 = arith.constant 0 : i32
    %ne3A_16 = arith.cmpi ne, %rem3A, %ne3A_15 : i32
    %and3A = arith.andi %ne3A, %ne3A_16 : i1
    %sub3A_17 = arith.constant 1 : i32
    %sub3A_18 = arith.subi %div3A, %sub3A_17 : i32
    %select_n3A = arith.select %and3A, %sub3A_18, %div3A : i32
    %add3A_19 = arith.constant 1 : i32
    %add3A_20 = arith.addi %select_n3A, %add3A_19 : i32
    %iota3A = tpu.iota {dimensions = array<i32: 0>} : vector<16xi32>
    %broadcast_in_dim3A = arith.constant 8 : i32
    %broadcast_in_dim3A_21 = vector.broadcast %broadcast_in_dim3A : i32 to vector<16xi32>
    %div3A_22 = arith.divsi %iota3A, %broadcast_in_dim3A_21 : vector<16xi32>
    %broadcast_in_dim3A_23 = arith.constant 8 : i32
    %broadcast_in_dim3A_24 = vector.broadcast %broadcast_in_dim3A_23 : i32 to vector<16xi32>
    %rem3A_25 = arith.remsi %iota3A, %broadcast_in_dim3A_24 : vector<16xi32>
    %broadcast_in_dim3A_26 = arith.constant 210 : i32
    %broadcast_in_dim3A_27 = vector.broadcast %broadcast_in_dim3A_26 : i32 to vector<16xi32>
    %shift_right_logical3A = arith.shrui %broadcast_in_dim3A_27, %rem3A_25 : vector<16xi32>
    %broadcast_in_dim3A_28 = arith.constant 1 : i32
    %broadcast_in_dim3A_29 = vector.broadcast %broadcast_in_dim3A_28 : i32 to vector<16xi32>
    %and3A_30 = arith.andi %shift_right_logical3A, %broadcast_in_dim3A_29 : vector<16xi32>
    %broadcast_in_dim3A_31 = arith.constant 180 : i32
    %broadcast_in_dim3A_32 = vector.broadcast %broadcast_in_dim3A_31 : i32 to vector<16xi32>
    %shift_right_logical3A_33 = arith.shrui %broadcast_in_dim3A_32, %rem3A_25 : vector<16xi32>
    %broadcast_in_dim3A_34 = arith.constant 1 : i32
    %broadcast_in_dim3A_35 = vector.broadcast %broadcast_in_dim3A_34 : i32 to vector<16xi32>
    %and3A_36 = arith.andi %shift_right_logical3A_33, %broadcast_in_dim3A_35 : vector<16xi32>
    %broadcast_in_dim3A_37 = arith.constant 232 : i32
    %broadcast_in_dim3A_38 = vector.broadcast %broadcast_in_dim3A_37 : i32 to vector<16xi32>
    %shift_right_logical3A_39 = arith.shrui %broadcast_in_dim3A_38, %rem3A_25 : vector<16xi32>
    %broadcast_in_dim3A_40 = arith.constant 1 : i32
    %broadcast_in_dim3A_41 = vector.broadcast %broadcast_in_dim3A_40 : i32 to vector<16xi32>
    %and3A_42 = arith.andi %shift_right_logical3A_39, %broadcast_in_dim3A_41 : vector<16xi32>
    %broadcast_in_dim3A_43 = arith.constant 1 : i32
    %broadcast_in_dim3A_44 = vector.broadcast %broadcast_in_dim3A_43 : i32 to vector<16xi32>
    %broadcast_in_dim3A_45 = arith.constant 2 : i32
    %broadcast_in_dim3A_46 = vector.broadcast %broadcast_in_dim3A_45 : i32 to vector<16xi32>
    %while3A = arith.constant 0 : i32
    %while3A_47 = arith.constant 0 : i32
    %while3A_48 = arith.subi %add3A_20, %while3A_47 : i32
    %while3A_49 = arith.addi %while3A_47, %while3A_48 : i32
    %while3A_50 = arith.constant 1 : i32
    %while3A_51 = arith.divsi %while3A_48, %while3A_50 : i32
    %while3A_52 = arith.muli %while3A_51, %while3A_50 : i32
    %while3A_53 = arith.addi %while3A_47, %while3A_52 : i32
    %while3A_54 = arith.constant 1 : i32
    scf.for %while3A_62 = %while3A_47 to %while3A_53 step %while3A_54  : i32 {
      %mul3A_63 = arith.constant 32 : i32
      %mul3A_64 = arith.muli %while3A_62, %mul3A_63 : i32
      %add3A_65 = arith.addi %add3A, %mul3A_64 : i32
      %mul3A_66 = arith.constant 128 : i32
      %mul3A_67 = arith.muli %add3A_65, %mul3A_66 : i32
      %multiple_of3A = tpu.assume_multiple %mul3A_67, 128 : i32
      %mul3A_68 = arith.constant 1024 : i32
      %mul3A_69 = arith.muli %add3A_65, %mul3A_68 : i32
      %multiple_of3A_70 = tpu.assume_multiple %mul3A_69, 1024 : i32
      "tpu.region"() ({
        %run_scoped3A = tpu.sem_alloc : memref<!tpu.dma_semaphore, #tpu.memory_space<semaphore_mem>>
        %dma_start3A_158 = arith.constant 0 : i32
        %dma_start3A_159 = tpu.memref_slice %arg3[%dma_start3A_158, %multiple_of3A] : memref<64x100000xf32, #tpu.memory_space<hbm>> -> memref<64x128xf32, #tpu.memory_space<hbm>>
        %dma_start3A_160 = arith.constant 0 : i32
        %dma_start3A_161 = tpu.memref_slice %arg3[%dma_start3A_160, %multiple_of3A] : memref<64x100000xf32, #tpu.memory_space<hbm>> -> memref<64x128xf32, #tpu.memory_space<hbm>>
        tpu.enqueue_dma source(%dma_start3A_161 : memref<64x128xf32, #tpu.memory_space<hbm>>) target(%arg8 : memref<64x128xf32, #tpu.memory_space<vmem>>) target_semaphore(%run_scoped3A : memref<!tpu.dma_semaphore, #tpu.memory_space<semaphore_mem>>)
        %dma_wait3A = arith.constant 0 : i32
        %dma_wait3A_162 = tpu.memref_slice %arg3[%dma_wait3A, %multiple_of3A] : memref<64x100000xf32, #tpu.memory_space<hbm>> -> memref<64x128xf32, #tpu.memory_space<hbm>>
        %dma_wait3A_163 = arith.constant 0 : i32
        %dma_wait3A_164 = tpu.memref_slice %arg3[%dma_wait3A_163, %multiple_of3A] : memref<64x100000xf32, #tpu.memory_space<hbm>> -> memref<64x128xf32, #tpu.memory_space<hbm>>
        tpu.wait_dma2 semaphore(%run_scoped3A : memref<!tpu.dma_semaphore, #tpu.memory_space<semaphore_mem>>) src(%dma_wait3A_164 : memref<64x128xf32, #tpu.memory_space<hbm>>) dst(%arg8 : memref<64x128xf32, #tpu.memory_space<vmem>>)
        tpu.yield
      }) : () -> ()
      "tpu.region"() ({
        %run_scoped3A = tpu.sem_alloc : memref<!tpu.dma_semaphore, #tpu.memory_space<semaphore_mem>>
        %dma_start3A_158 = arith.constant 0 : i32
        %dma_start3A_159 = tpu.memref_slice %arg2[%dma_start3A_158, %multiple_of3A] : memref<3x100000xi32, #tpu.memory_space<hbm>> -> memref<3x128xi32, #tpu.memory_space<hbm>>
        %dma_start3A_160 = arith.constant 0 : i32
        %dma_start3A_161 = tpu.memref_slice %arg2[%dma_start3A_160, %multiple_of3A] : memref<3x100000xi32, #tpu.memory_space<hbm>> -> memref<3x128xi32, #tpu.memory_space<hbm>>
        tpu.enqueue_dma source(%dma_start3A_161 : memref<3x128xi32, #tpu.memory_space<hbm>>) target(%arg9 : memref<3x128xi32, #tpu.memory_space<vmem>>) target_semaphore(%run_scoped3A : memref<!tpu.dma_semaphore, #tpu.memory_space<semaphore_mem>>)
        %dma_wait3A = arith.constant 0 : i32
        %dma_wait3A_162 = tpu.memref_slice %arg2[%dma_wait3A, %multiple_of3A] : memref<3x100000xi32, #tpu.memory_space<hbm>> -> memref<3x128xi32, #tpu.memory_space<hbm>>
        %dma_wait3A_163 = arith.constant 0 : i32
        %dma_wait3A_164 = tpu.memref_slice %arg2[%dma_wait3A_163, %multiple_of3A] : memref<3x100000xi32, #tpu.memory_space<hbm>> -> memref<3x128xi32, #tpu.memory_space<hbm>>
        tpu.wait_dma2 semaphore(%run_scoped3A : memref<!tpu.dma_semaphore, #tpu.memory_space<semaphore_mem>>) src(%dma_wait3A_164 : memref<3x128xi32, #tpu.memory_space<hbm>>) dst(%arg9 : memref<3x128xi32, #tpu.memory_space<vmem>>)
        tpu.yield
      }) : () -> ()
      %ge3A_71 = arith.constant 1 : i32
      %ge3A_72 = arith.cmpi sge, %while3A_62, %ge3A_71 : i32
      %convert_element_type3A_73 = arith.extui %ge3A_72 : i1 to i32
      %cond3A_74 = arith.constant 0 : i32
      %cond3A_75 = arith.cmpi ne, %convert_element_type3A_73, %cond3A_74 : i32
      scf.if %cond3A_75 {
        %dma_wait3A = arith.constant 0 : i32
        %dma_wait3A_158 = arith.constant 0 : i32
        %dma_wait3A_159 = tpu.memref_slice %arg7[%dma_wait3A, %dma_wait3A_158] : memref<64x800000xf32, #tpu.memory_space<hbm>> -> memref<64x512xf32, #tpu.memory_space<hbm>>
        %dma_wait3A_160 = arith.constant 0 : i32
        %dma_wait3A_161 = arith.constant 0 : i32
        %dma_wait3A_162 = tpu.memref_slice %arg7[%dma_wait3A_160, %dma_wait3A_161] : memref<64x800000xf32, #tpu.memory_space<hbm>> -> memref<64x512xf32, #tpu.memory_space<hbm>>
        tpu.wait_dma2 semaphore(%arg14 : memref<!tpu.dma_semaphore, #tpu.memory_space<semaphore_mem>>) src(%arg10 : memref<64x512xf32, #tpu.memory_space<vmem>>) dst(%dma_wait3A_162 : memref<64x512xf32, #tpu.memory_space<hbm>>)
        %dma_wait3A_163 = arith.constant 0 : i32
        %dma_wait3A_164 = arith.constant 0 : i32
        %dma_wait3A_165 = tpu.memref_slice %arg6[%dma_wait3A_163, %dma_wait3A_164] : memref<3x800000xi32, #tpu.memory_space<hbm>> -> memref<3x512xi32, #tpu.memory_space<hbm>>
        %dma_wait3A_166 = arith.constant 0 : i32
        %dma_wait3A_167 = arith.constant 0 : i32
        %dma_wait3A_168 = tpu.memref_slice %arg6[%dma_wait3A_166, %dma_wait3A_167] : memref<3x800000xi32, #tpu.memory_space<hbm>> -> memref<3x512xi32, #tpu.memory_space<hbm>>
        tpu.wait_dma2 semaphore(%arg15 : memref<!tpu.dma_semaphore, #tpu.memory_space<semaphore_mem>>) src(%arg12 : memref<3x512xi32, #tpu.memory_space<vmem>>) dst(%dma_wait3A_168 : memref<3x512xi32, #tpu.memory_space<hbm>>)
      } else {
      }
      %add3A_76 = arith.constant 0 : i32
      %add3A_77 = vector.broadcast %add3A_76 : i32 to vector<16xi32>
      %add3A_78 = arith.addi %div3A_22, %add3A_77 : vector<16xi32>
      %broadcast_in_dim3A_79 = arith.constant 0 : i32
      %broadcast_in_dim3A_80 = vector.broadcast %broadcast_in_dim3A_79 : i32 to vector<16xi32>
      %scan3A = arith.constant 0 : i32
      %scan3A_81 = arith.constant 64 : i32
      %scan3A_82 = arith.addi %scan3A, %scan3A_81 : i32
      %scan3A_83 = arith.constant 1 : i32
      %scan3A_84 = scf.for %scan3A_158 = %scan3A to %scan3A_82 step %scan3A_83 iter_args(%scan3A_159 = %broadcast_in_dim3A_80) -> (vector<16xi32>)  : i32 {
        %parallel_loop3A_160 = arith.constant 0 : i32
        %parallel_loop3A_161 = arith.constant 32 : i32
        %parallel_loop3A_162 = arith.constant 1 : i32
        %parallel_loop3A_163 = scf.for %parallel_loop3A_165 = %parallel_loop3A_160 to %parallel_loop3A_161 step %parallel_loop3A_162 iter_args(%parallel_loop3A_166 = %add3A_78) -> (vector<16xi32>)  : i32 {
          %parallel_loop3A_167 = tpu.vector_load_idx %arg8[%scan3A_159, %parallel_loop3A_166] : memref<64x128xf32, #tpu.memory_space<vmem>>[vector<16xi32>, vector<16xi32>], vector<16xf32>,
          %parallel_loop3A_168 = arith.constant 16 : i32
          %parallel_loop3A_169 = arith.muli %parallel_loop3A_168, %parallel_loop3A_165 : i32
          %parallel_loop3A_170 = arith.index_cast %scan3A_158 : i32 to index
          %parallel_loop3A_171 = arith.index_cast %parallel_loop3A_169 : i32 to index
          %parallel_loop3A_172 = tpu.vector_load %arg10[%parallel_loop3A_170, %parallel_loop3A_171] {strides = array<i32>} : memref<64x512xf32, #tpu.memory_space<vmem>>, vector<16xf32>,
          tpu.vector_store %arg10[%parallel_loop3A_170, %parallel_loop3A_171], %parallel_loop3A_167 {strides = array<i32>} : memref<64x512xf32, #tpu.memory_space<vmem>>, vector<16xf32>,
          %parallel_loop3A_173 = arith.addi %parallel_loop3A_166, %broadcast_in_dim3A_46 : vector<16xi32>
          scf.yield %parallel_loop3A_173 : vector<16xi32>
        } {sc.loop_unroll_factor = 8 : i64, sc.parallel_access}
        %add3A_164 = arith.addi %scan3A_159, %broadcast_in_dim3A_44 : vector<16xi32>
        scf.yield %add3A_164 : vector<16xi32>
      }
      %scan3A_85 = arith.constant 64 : i32
      %broadcast_in_dim3A_86 = arith.constant 0 : i32
      %broadcast_in_dim3A_87 = vector.broadcast %broadcast_in_dim3A_86 : i32 to vector<16xi32>
      %parallel_loop3A = arith.constant 0 : i32
      %parallel_loop3A_88 = arith.constant 32 : i32
      %parallel_loop3A_89 = arith.constant 1 : i32
      %parallel_loop3A_90 = scf.for %parallel_loop3A_158 = %parallel_loop3A to %parallel_loop3A_88 step %parallel_loop3A_89 iter_args(%parallel_loop3A_159 = %add3A_78) -> (vector<16xi32>)  : i32 {
        %parallel_loop3A_160 = tpu.vector_load_idx %arg9[%broadcast_in_dim3A_87, %parallel_loop3A_159] : memref<3x128xi32, #tpu.memory_space<vmem>>[vector<16xi32>, vector<16xi32>], vector<16xi32>,
        %parallel_loop3A_161 = arith.addi %parallel_loop3A_160, %parallel_loop3A_160 : vector<16xi32>
        %parallel_loop3A_162 = arith.addi %parallel_loop3A_161, %and3A_30 : vector<16xi32>
        %parallel_loop3A_163 = arith.constant 16 : i32
        %parallel_loop3A_164 = arith.muli %parallel_loop3A_163, %parallel_loop3A_158 : i32
        %parallel_loop3A_165 = arith.constant 0 : i32
        %parallel_loop3A_166 = arith.index_cast %parallel_loop3A_165 : i32 to index
        %parallel_loop3A_167 = arith.index_cast %parallel_loop3A_164 : i32 to index
        %parallel_loop3A_168 = tpu.vector_load %arg12[%parallel_loop3A_166, %parallel_loop3A_167] {strides = array<i32>} : memref<3x512xi32, #tpu.memory_space<vmem>>, vector<16xi32>,
        tpu.vector_store %arg12[%parallel_loop3A_166, %parallel_loop3A_167], %parallel_loop3A_162 {strides = array<i32>} : memref<3x512xi32, #tpu.memory_space<vmem>>, vector<16xi32>,
        %parallel_loop3A_169 = arith.addi %parallel_loop3A_159, %broadcast_in_dim3A_46 : vector<16xi32>
        scf.yield %parallel_loop3A_169 : vector<16xi32>
      } {sc.loop_unroll_factor = 8 : i64, sc.parallel_access}
      %add3A_91 = arith.addi %broadcast_in_dim3A_87, %broadcast_in_dim3A_44 : vector<16xi32>
      %parallel_loop3A_92 = arith.constant 0 : i32
      %parallel_loop3A_93 = arith.constant 32 : i32
      %parallel_loop3A_94 = arith.constant 1 : i32
      %parallel_loop3A_95 = scf.for %parallel_loop3A_158 = %parallel_loop3A_92 to %parallel_loop3A_93 step %parallel_loop3A_94 iter_args(%parallel_loop3A_159 = %add3A_78) -> (vector<16xi32>)  : i32 {
        %parallel_loop3A_160 = tpu.vector_load_idx %arg9[%add3A_91, %parallel_loop3A_159] : memref<3x128xi32, #tpu.memory_space<vmem>>[vector<16xi32>, vector<16xi32>], vector<16xi32>,
        %parallel_loop3A_161 = arith.addi %parallel_loop3A_160, %parallel_loop3A_160 : vector<16xi32>
        %parallel_loop3A_162 = arith.addi %parallel_loop3A_161, %and3A_36 : vector<16xi32>
        %parallel_loop3A_163 = arith.constant 16 : i32
        %parallel_loop3A_164 = arith.muli %parallel_loop3A_163, %parallel_loop3A_158 : i32
        %parallel_loop3A_165 = arith.constant 1 : i32
        %parallel_loop3A_166 = arith.index_cast %parallel_loop3A_165 : i32 to index
        %parallel_loop3A_167 = arith.index_cast %parallel_loop3A_164 : i32 to index
        %parallel_loop3A_168 = tpu.vector_load %arg12[%parallel_loop3A_166, %parallel_loop3A_167] {strides = array<i32>} : memref<3x512xi32, #tpu.memory_space<vmem>>, vector<16xi32>,
        tpu.vector_store %arg12[%parallel_loop3A_166, %parallel_loop3A_167], %parallel_loop3A_162 {strides = array<i32>} : memref<3x512xi32, #tpu.memory_space<vmem>>, vector<16xi32>,
        %parallel_loop3A_169 = arith.addi %parallel_loop3A_159, %broadcast_in_dim3A_46 : vector<16xi32>
        scf.yield %parallel_loop3A_169 : vector<16xi32>
      } {sc.loop_unroll_factor = 8 : i64, sc.parallel_access}
      %add3A_96 = arith.addi %add3A_91, %broadcast_in_dim3A_44 : vector<16xi32>
      %parallel_loop3A_97 = arith.constant 0 : i32
      %parallel_loop3A_98 = arith.constant 32 : i32
      %parallel_loop3A_99 = arith.constant 1 : i32
      %parallel_loop3A_100 = scf.for %parallel_loop3A_158 = %parallel_loop3A_97 to %parallel_loop3A_98 step %parallel_loop3A_99 iter_args(%parallel_loop3A_159 = %add3A_78) -> (vector<16xi32>)  : i32 {
        %parallel_loop3A_160 = tpu.vector_load_idx %arg9[%add3A_96, %parallel_loop3A_159] : memref<3x128xi32, #tpu.memory_space<vmem>>[vector<16xi32>, vector<16xi32>], vector<16xi32>,
        %parallel_loop3A_161 = arith.addi %parallel_loop3A_160, %parallel_loop3A_160 : vector<16xi32>
        %parallel_loop3A_162 = arith.addi %parallel_loop3A_161, %and3A_42 : vector<16xi32>
        %parallel_loop3A_163 = arith.constant 16 : i32
        %parallel_loop3A_164 = arith.muli %parallel_loop3A_163, %parallel_loop3A_158 : i32
        %parallel_loop3A_165 = arith.constant 2 : i32
        %parallel_loop3A_166 = arith.index_cast %parallel_loop3A_165 : i32 to index
        %parallel_loop3A_167 = arith.index_cast %parallel_loop3A_164 : i32 to index
        %parallel_loop3A_168 = tpu.vector_load %arg12[%parallel_loop3A_166, %parallel_loop3A_167] {strides = array<i32>} : memref<3x512xi32, #tpu.memory_space<vmem>>, vector<16xi32>,
        tpu.vector_store %arg12[%parallel_loop3A_166, %parallel_loop3A_167], %parallel_loop3A_162 {strides = array<i32>} : memref<3x512xi32, #tpu.memory_space<vmem>>, vector<16xi32>,
        %parallel_loop3A_169 = arith.addi %parallel_loop3A_159, %broadcast_in_dim3A_46 : vector<16xi32>
        scf.yield %parallel_loop3A_169 : vector<16xi32>
      } {sc.loop_unroll_factor = 8 : i64, sc.parallel_access}
      %add3A_101 = arith.addi %add3A_96, %broadcast_in_dim3A_44 : vector<16xi32>
      %add3A_102 = arith.constant 0 : i32
      %add3A_103 = arith.addi %multiple_of3A_70, %add3A_102 : i32
      %dma_start3A = arith.constant 0 : i32
      %dma_start3A_104 = tpu.memref_slice %arg7[%dma_start3A, %add3A_103] : memref<64x800000xf32, #tpu.memory_space<hbm>> -> memref<64x512xf32, #tpu.memory_space<hbm>>
      %dma_start3A_105 = arith.constant 0 : i32
      %dma_start3A_106 = tpu.memref_slice %arg7[%dma_start3A_105, %add3A_103] : memref<64x800000xf32, #tpu.memory_space<hbm>> -> memref<64x512xf32, #tpu.memory_space<hbm>>
      tpu.enqueue_dma source(%arg10 : memref<64x512xf32, #tpu.memory_space<vmem>>) target(%dma_start3A_106 : memref<64x512xf32, #tpu.memory_space<hbm>>) target_semaphore(%arg14 : memref<!tpu.dma_semaphore, #tpu.memory_space<semaphore_mem>>)
      %add3A_107 = arith.constant 0 : i32
      %add3A_108 = arith.addi %multiple_of3A_70, %add3A_107 : i32
      %dma_start3A_109 = arith.constant 0 : i32
      %dma_start3A_110 = tpu.memref_slice %arg6[%dma_start3A_109, %add3A_108] : memref<3x800000xi32, #tpu.memory_space<hbm>> -> memref<3x512xi32, #tpu.memory_space<hbm>>
      %dma_start3A_111 = arith.constant 0 : i32
      %dma_start3A_112 = tpu.memref_slice %arg6[%dma_start3A_111, %add3A_108] : memref<3x800000xi32, #tpu.memory_space<hbm>> -> memref<3x512xi32, #tpu.memory_space<hbm>>
      tpu.enqueue_dma source(%arg12 : memref<3x512xi32, #tpu.memory_space<vmem>>) target(%dma_start3A_112 : memref<3x512xi32, #tpu.memory_space<hbm>>) target_semaphore(%arg15 : memref<!tpu.dma_semaphore, #tpu.memory_space<semaphore_mem>>)
      %ge3A_113 = arith.constant 1 : i32
      %ge3A_114 = arith.cmpi sge, %while3A_62, %ge3A_113 : i32
      %convert_element_type3A_115 = arith.extui %ge3A_114 : i1 to i32
      %cond3A_116 = arith.constant 0 : i32
      %cond3A_117 = arith.cmpi ne, %convert_element_type3A_115, %cond3A_116 : i32
      scf.if %cond3A_117 {
        %dma_wait3A = arith.constant 0 : i32
        %dma_wait3A_158 = arith.constant 0 : i32
        %dma_wait3A_159 = tpu.memref_slice %arg7[%dma_wait3A, %dma_wait3A_158] : memref<64x800000xf32, #tpu.memory_space<hbm>> -> memref<64x512xf32, #tpu.memory_space<hbm>>
        %dma_wait3A_160 = arith.constant 0 : i32
        %dma_wait3A_161 = arith.constant 0 : i32
        %dma_wait3A_162 = tpu.memref_slice %arg7[%dma_wait3A_160, %dma_wait3A_161] : memref<64x800000xf32, #tpu.memory_space<hbm>> -> memref<64x512xf32, #tpu.memory_space<hbm>>
        tpu.wait_dma2 semaphore(%arg14 : memref<!tpu.dma_semaphore, #tpu.memory_space<semaphore_mem>>) src(%arg11 : memref<64x512xf32, #tpu.memory_space<vmem>>) dst(%dma_wait3A_162 : memref<64x512xf32, #tpu.memory_space<hbm>>)
        %dma_wait3A_163 = arith.constant 0 : i32
        %dma_wait3A_164 = arith.constant 0 : i32
        %dma_wait3A_165 = tpu.memref_slice %arg6[%dma_wait3A_163, %dma_wait3A_164] : memref<3x800000xi32, #tpu.memory_space<hbm>> -> memref<3x512xi32, #tpu.memory_space<hbm>>
        %dma_wait3A_166 = arith.constant 0 : i32
        %dma_wait3A_167 = arith.constant 0 : i32
        %dma_wait3A_168 = tpu.memref_slice %arg6[%dma_wait3A_166, %dma_wait3A_167] : memref<3x800000xi32, #tpu.memory_space<hbm>> -> memref<3x512xi32, #tpu.memory_space<hbm>>
        tpu.wait_dma2 semaphore(%arg15 : memref<!tpu.dma_semaphore, #tpu.memory_space<semaphore_mem>>) src(%arg13 : memref<3x512xi32, #tpu.memory_space<vmem>>) dst(%dma_wait3A_168 : memref<3x512xi32, #tpu.memory_space<hbm>>)
      } else {
      }
      %add3A_118 = arith.constant 64 : i32
      %add3A_119 = vector.broadcast %add3A_118 : i32 to vector<16xi32>
      %add3A_120 = arith.addi %div3A_22, %add3A_119 : vector<16xi32>
      %broadcast_in_dim3A_121 = arith.constant 0 : i32
      %broadcast_in_dim3A_122 = vector.broadcast %broadcast_in_dim3A_121 : i32 to vector<16xi32>
      %scan3A_123 = arith.constant 0 : i32
      %scan3A_124 = arith.constant 64 : i32
      %scan3A_125 = arith.addi %scan3A_123, %scan3A_124 : i32
      %scan3A_126 = arith.constant 1 : i32
      %scan3A_127 = scf.for %scan3A_158 = %scan3A_123 to %scan3A_125 step %scan3A_126 iter_args(%scan3A_159 = %broadcast_in_dim3A_122) -> (vector<16xi32>)  : i32 {
        %parallel_loop3A_160 = arith.constant 0 : i32
        %parallel_loop3A_161 = arith.constant 32 : i32
        %parallel_loop3A_162 = arith.constant 1 : i32
        %parallel_loop3A_163 = scf.for %parallel_loop3A_165 = %parallel_loop3A_160 to %parallel_loop3A_161 step %parallel_loop3A_162 iter_args(%parallel_loop3A_166 = %add3A_120) -> (vector<16xi32>)  : i32 {
          %parallel_loop3A_167 = tpu.vector_load_idx %arg8[%scan3A_159, %parallel_loop3A_166] : memref<64x128xf32, #tpu.memory_space<vmem>>[vector<16xi32>, vector<16xi32>], vector<16xf32>,
          %parallel_loop3A_168 = arith.constant 16 : i32
          %parallel_loop3A_169 = arith.muli %parallel_loop3A_168, %parallel_loop3A_165 : i32
          %parallel_loop3A_170 = arith.index_cast %scan3A_158 : i32 to index
          %parallel_loop3A_171 = arith.index_cast %parallel_loop3A_169 : i32 to index
          %parallel_loop3A_172 = tpu.vector_load %arg11[%parallel_loop3A_170, %parallel_loop3A_171] {strides = array<i32>} : memref<64x512xf32, #tpu.memory_space<vmem>>, vector<16xf32>,
          tpu.vector_store %arg11[%parallel_loop3A_170, %parallel_loop3A_171], %parallel_loop3A_167 {strides = array<i32>} : memref<64x512xf32, #tpu.memory_space<vmem>>, vector<16xf32>,
          %parallel_loop3A_173 = arith.addi %parallel_loop3A_166, %broadcast_in_dim3A_46 : vector<16xi32>
          scf.yield %parallel_loop3A_173 : vector<16xi32>
        } {sc.loop_unroll_factor = 8 : i64, sc.parallel_access}
        %add3A_164 = arith.addi %scan3A_159, %broadcast_in_dim3A_44 : vector<16xi32>
        scf.yield %add3A_164 : vector<16xi32>
      }
      %scan3A_128 = arith.constant 64 : i32
      %broadcast_in_dim3A_129 = arith.constant 0 : i32
      %broadcast_in_dim3A_130 = vector.broadcast %broadcast_in_dim3A_129 : i32 to vector<16xi32>
      %parallel_loop3A_131 = arith.constant 0 : i32
      %parallel_loop3A_132 = arith.constant 32 : i32
      %parallel_loop3A_133 = arith.constant 1 : i32
      %parallel_loop3A_134 = scf.for %parallel_loop3A_158 = %parallel_loop3A_131 to %parallel_loop3A_132 step %parallel_loop3A_133 iter_args(%parallel_loop3A_159 = %add3A_120) -> (vector<16xi32>)  : i32 {
        %parallel_loop3A_160 = tpu.vector_load_idx %arg9[%broadcast_in_dim3A_130, %parallel_loop3A_159] : memref<3x128xi32, #tpu.memory_space<vmem>>[vector<16xi32>, vector<16xi32>], vector<16xi32>,
        %parallel_loop3A_161 = arith.addi %parallel_loop3A_160, %parallel_loop3A_160 : vector<16xi32>
        %parallel_loop3A_162 = arith.addi %parallel_loop3A_161, %and3A_30 : vector<16xi32>
        %parallel_loop3A_163 = arith.constant 16 : i32
        %parallel_loop3A_164 = arith.muli %parallel_loop3A_163, %parallel_loop3A_158 : i32
        %parallel_loop3A_165 = arith.constant 0 : i32
        %parallel_loop3A_166 = arith.index_cast %parallel_loop3A_165 : i32 to index
        %parallel_loop3A_167 = arith.index_cast %parallel_loop3A_164 : i32 to index
        %parallel_loop3A_168 = tpu.vector_load %arg13[%parallel_loop3A_166, %parallel_loop3A_167] {strides = array<i32>} : memref<3x512xi32, #tpu.memory_space<vmem>>, vector<16xi32>,
        tpu.vector_store %arg13[%parallel_loop3A_166, %parallel_loop3A_167], %parallel_loop3A_162 {strides = array<i32>} : memref<3x512xi32, #tpu.memory_space<vmem>>, vector<16xi32>,
        %parallel_loop3A_169 = arith.addi %parallel_loop3A_159, %broadcast_in_dim3A_46 : vector<16xi32>
        scf.yield %parallel_loop3A_169 : vector<16xi32>
      } {sc.loop_unroll_factor = 8 : i64, sc.parallel_access}
      %add3A_135 = arith.addi %broadcast_in_dim3A_130, %broadcast_in_dim3A_44 : vector<16xi32>
      %parallel_loop3A_136 = arith.constant 0 : i32
      %parallel_loop3A_137 = arith.constant 32 : i32
      %parallel_loop3A_138 = arith.constant 1 : i32
      %parallel_loop3A_139 = scf.for %parallel_loop3A_158 = %parallel_loop3A_136 to %parallel_loop3A_137 step %parallel_loop3A_138 iter_args(%parallel_loop3A_159 = %add3A_120) -> (vector<16xi32>)  : i32 {
        %parallel_loop3A_160 = tpu.vector_load_idx %arg9[%add3A_135, %parallel_loop3A_159] : memref<3x128xi32, #tpu.memory_space<vmem>>[vector<16xi32>, vector<16xi32>], vector<16xi32>,
        %parallel_loop3A_161 = arith.addi %parallel_loop3A_160, %parallel_loop3A_160 : vector<16xi32>
        %parallel_loop3A_162 = arith.addi %parallel_loop3A_161, %and3A_36 : vector<16xi32>
        %parallel_loop3A_163 = arith.constant 16 : i32
        %parallel_loop3A_164 = arith.muli %parallel_loop3A_163, %parallel_loop3A_158 : i32
        %parallel_loop3A_165 = arith.constant 1 : i32
        %parallel_loop3A_166 = arith.index_cast %parallel_loop3A_165 : i32 to index
        %parallel_loop3A_167 = arith.index_cast %parallel_loop3A_164 : i32 to index
        %parallel_loop3A_168 = tpu.vector_load %arg13[%parallel_loop3A_166, %parallel_loop3A_167] {strides = array<i32>} : memref<3x512xi32, #tpu.memory_space<vmem>>, vector<16xi32>,
        tpu.vector_store %arg13[%parallel_loop3A_166, %parallel_loop3A_167], %parallel_loop3A_162 {strides = array<i32>} : memref<3x512xi32, #tpu.memory_space<vmem>>, vector<16xi32>,
        %parallel_loop3A_169 = arith.addi %parallel_loop3A_159, %broadcast_in_dim3A_46 : vector<16xi32>
        scf.yield %parallel_loop3A_169 : vector<16xi32>
      } {sc.loop_unroll_factor = 8 : i64, sc.parallel_access}
      %add3A_140 = arith.addi %add3A_135, %broadcast_in_dim3A_44 : vector<16xi32>
      %parallel_loop3A_141 = arith.constant 0 : i32
      %parallel_loop3A_142 = arith.constant 32 : i32
      %parallel_loop3A_143 = arith.constant 1 : i32
      %parallel_loop3A_144 = scf.for %parallel_loop3A_158 = %parallel_loop3A_141 to %parallel_loop3A_142 step %parallel_loop3A_143 iter_args(%parallel_loop3A_159 = %add3A_120) -> (vector<16xi32>)  : i32 {
        %parallel_loop3A_160 = tpu.vector_load_idx %arg9[%add3A_140, %parallel_loop3A_159] : memref<3x128xi32, #tpu.memory_space<vmem>>[vector<16xi32>, vector<16xi32>], vector<16xi32>,
        %parallel_loop3A_161 = arith.addi %parallel_loop3A_160, %parallel_loop3A_160 : vector<16xi32>
        %parallel_loop3A_162 = arith.addi %parallel_loop3A_161, %and3A_42 : vector<16xi32>
        %parallel_loop3A_163 = arith.constant 16 : i32
        %parallel_loop3A_164 = arith.muli %parallel_loop3A_163, %parallel_loop3A_158 : i32
        %parallel_loop3A_165 = arith.constant 2 : i32
        %parallel_loop3A_166 = arith.index_cast %parallel_loop3A_165 : i32 to index
        %parallel_loop3A_167 = arith.index_cast %parallel_loop3A_164 : i32 to index
        %parallel_loop3A_168 = tpu.vector_load %arg13[%parallel_loop3A_166, %parallel_loop3A_167] {strides = array<i32>} : memref<3x512xi32, #tpu.memory_space<vmem>>, vector<16xi32>,
        tpu.vector_store %arg13[%parallel_loop3A_166, %parallel_loop3A_167], %parallel_loop3A_162 {strides = array<i32>} : memref<3x512xi32, #tpu.memory_space<vmem>>, vector<16xi32>,
        %parallel_loop3A_169 = arith.addi %parallel_loop3A_159, %broadcast_in_dim3A_46 : vector<16xi32>
        scf.yield %parallel_loop3A_169 : vector<16xi32>
      } {sc.loop_unroll_factor = 8 : i64, sc.parallel_access}
      %add3A_145 = arith.addi %add3A_140, %broadcast_in_dim3A_44 : vector<16xi32>
      %add3A_146 = arith.constant 512 : i32
      %add3A_147 = arith.addi %multiple_of3A_70, %add3A_146 : i32
      %dma_start3A_148 = arith.constant 0 : i32
      %dma_start3A_149 = tpu.memref_slice %arg7[%dma_start3A_148, %add3A_147] : memref<64x800000xf32, #tpu.memory_space<hbm>> -> memref<64x512xf32, #tpu.memory_space<hbm>>
      %dma_start3A_150 = arith.constant 0 : i32
      %dma_start3A_151 = tpu.memref_slice %arg7[%dma_start3A_150, %add3A_147] : memref<64x800000xf32, #tpu.memory_space<hbm>> -> memref<64x512xf32, #tpu.memory_space<hbm>>
      tpu.enqueue_dma source(%arg11 : memref<64x512xf32, #tpu.memory_space<vmem>>) target(%dma_start3A_151 : memref<64x512xf32, #tpu.memory_space<hbm>>) target_semaphore(%arg14 : memref<!tpu.dma_semaphore, #tpu.memory_space<semaphore_mem>>)
      %add3A_152 = arith.constant 512 : i32
      %add3A_153 = arith.addi %multiple_of3A_70, %add3A_152 : i32
      %dma_start3A_154 = arith.constant 0 : i32
      %dma_start3A_155 = tpu.memref_slice %arg6[%dma_start3A_154, %add3A_153] : memref<3x800000xi32, #tpu.memory_space<hbm>> -> memref<3x512xi32, #tpu.memory_space<hbm>>
      %dma_start3A_156 = arith.constant 0 : i32
      %dma_start3A_157 = tpu.memref_slice %arg6[%dma_start3A_156, %add3A_153] : memref<3x800000xi32, #tpu.memory_space<hbm>> -> memref<3x512xi32, #tpu.memory_space<hbm>>
      tpu.enqueue_dma source(%arg13 : memref<3x512xi32, #tpu.memory_space<vmem>>) target(%dma_start3A_157 : memref<3x512xi32, #tpu.memory_space<hbm>>) target_semaphore(%arg15 : memref<!tpu.dma_semaphore, #tpu.memory_space<semaphore_mem>>)
    }
    %while3A_55 = arith.constant 1 : i32
    scf.for %while3A_62 = %while3A_53 to %while3A_49 step %while3A_55  : i32 {
      %mul3A_63 = arith.constant 32 : i32
      %mul3A_64 = arith.muli %while3A_62, %mul3A_63 : i32
      %add3A_65 = arith.addi %add3A, %mul3A_64 : i32
      %mul3A_66 = arith.constant 128 : i32
      %mul3A_67 = arith.muli %add3A_65, %mul3A_66 : i32
      %multiple_of3A = tpu.assume_multiple %mul3A_67, 128 : i32
      %mul3A_68 = arith.constant 1024 : i32
      %mul3A_69 = arith.muli %add3A_65, %mul3A_68 : i32
      %multiple_of3A_70 = tpu.assume_multiple %mul3A_69, 1024 : i32
      "tpu.region"() ({
        %run_scoped3A = tpu.sem_alloc : memref<!tpu.dma_semaphore, #tpu.memory_space<semaphore_mem>>
        %dma_start3A_158 = arith.constant 0 : i32
        %dma_start3A_159 = tpu.memref_slice %arg3[%dma_start3A_158, %multiple_of3A] : memref<64x100000xf32, #tpu.memory_space<hbm>> -> memref<64x128xf32, #tpu.memory_space<hbm>>
        %dma_start3A_160 = arith.constant 0 : i32
        %dma_start3A_161 = tpu.memref_slice %arg3[%dma_start3A_160, %multiple_of3A] : memref<64x100000xf32, #tpu.memory_space<hbm>> -> memref<64x128xf32, #tpu.memory_space<hbm>>
        tpu.enqueue_dma source(%dma_start3A_161 : memref<64x128xf32, #tpu.memory_space<hbm>>) target(%arg8 : memref<64x128xf32, #tpu.memory_space<vmem>>) target_semaphore(%run_scoped3A : memref<!tpu.dma_semaphore, #tpu.memory_space<semaphore_mem>>)
        %dma_wait3A = arith.constant 0 : i32
        %dma_wait3A_162 = tpu.memref_slice %arg3[%dma_wait3A, %multiple_of3A] : memref<64x100000xf32, #tpu.memory_space<hbm>> -> memref<64x128xf32, #tpu.memory_space<hbm>>
        %dma_wait3A_163 = arith.constant 0 : i32
        %dma_wait3A_164 = tpu.memref_slice %arg3[%dma_wait3A_163, %multiple_of3A] : memref<64x100000xf32, #tpu.memory_space<hbm>> -> memref<64x128xf32, #tpu.memory_space<hbm>>
        tpu.wait_dma2 semaphore(%run_scoped3A : memref<!tpu.dma_semaphore, #tpu.memory_space<semaphore_mem>>) src(%dma_wait3A_164 : memref<64x128xf32, #tpu.memory_space<hbm>>) dst(%arg8 : memref<64x128xf32, #tpu.memory_space<vmem>>)
        tpu.yield
      }) : () -> ()
      "tpu.region"() ({
        %run_scoped3A = tpu.sem_alloc : memref<!tpu.dma_semaphore, #tpu.memory_space<semaphore_mem>>
        %dma_start3A_158 = arith.constant 0 : i32
        %dma_start3A_159 = tpu.memref_slice %arg2[%dma_start3A_158, %multiple_of3A] : memref<3x100000xi32, #tpu.memory_space<hbm>> -> memref<3x128xi32, #tpu.memory_space<hbm>>
        %dma_start3A_160 = arith.constant 0 : i32
        %dma_start3A_161 = tpu.memref_slice %arg2[%dma_start3A_160, %multiple_of3A] : memref<3x100000xi32, #tpu.memory_space<hbm>> -> memref<3x128xi32, #tpu.memory_space<hbm>>
        tpu.enqueue_dma source(%dma_start3A_161 : memref<3x128xi32, #tpu.memory_space<hbm>>) target(%arg9 : memref<3x128xi32, #tpu.memory_space<vmem>>) target_semaphore(%run_scoped3A : memref<!tpu.dma_semaphore, #tpu.memory_space<semaphore_mem>>)
        %dma_wait3A = arith.constant 0 : i32
        %dma_wait3A_162 = tpu.memref_slice %arg2[%dma_wait3A, %multiple_of3A] : memref<3x100000xi32, #tpu.memory_space<hbm>> -> memref<3x128xi32, #tpu.memory_space<hbm>>
        %dma_wait3A_163 = arith.constant 0 : i32
        %dma_wait3A_164 = tpu.memref_slice %arg2[%dma_wait3A_163, %multiple_of3A] : memref<3x100000xi32, #tpu.memory_space<hbm>> -> memref<3x128xi32, #tpu.memory_space<hbm>>
        tpu.wait_dma2 semaphore(%run_scoped3A : memref<!tpu.dma_semaphore, #tpu.memory_space<semaphore_mem>>) src(%dma_wait3A_164 : memref<3x128xi32, #tpu.memory_space<hbm>>) dst(%arg9 : memref<3x128xi32, #tpu.memory_space<vmem>>)
        tpu.yield
      }) : () -> ()
      %ge3A_71 = arith.constant 1 : i32
      %ge3A_72 = arith.cmpi sge, %while3A_62, %ge3A_71 : i32
      %convert_element_type3A_73 = arith.extui %ge3A_72 : i1 to i32
      %cond3A_74 = arith.constant 0 : i32
      %cond3A_75 = arith.cmpi ne, %convert_element_type3A_73, %cond3A_74 : i32
      scf.if %cond3A_75 {
        %dma_wait3A = arith.constant 0 : i32
        %dma_wait3A_158 = arith.constant 0 : i32
        %dma_wait3A_159 = tpu.memref_slice %arg7[%dma_wait3A, %dma_wait3A_158] : memref<64x800000xf32, #tpu.memory_space<hbm>> -> memref<64x512xf32, #tpu.memory_space<hbm>>
        %dma_wait3A_160 = arith.constant 0 : i32
        %dma_wait3A_161 = arith.constant 0 : i32
        %dma_wait3A_162 = tpu.memref_slice %arg7[%dma_wait3A_160, %dma_wait3A_161] : memref<64x800000xf32, #tpu.memory_space<hbm>> -> memref<64x512xf32, #tpu.memory_space<hbm>>
        tpu.wait_dma2 semaphore(%arg14 : memref<!tpu.dma_semaphore, #tpu.memory_space<semaphore_mem>>) src(%arg10 : memref<64x512xf32, #tpu.memory_space<vmem>>) dst(%dma_wait3A_162 : memref<64x512xf32, #tpu.memory_space<hbm>>)
        %dma_wait3A_163 = arith.constant 0 : i32
        %dma_wait3A_164 = arith.constant 0 : i32
        %dma_wait3A_165 = tpu.memref_slice %arg6[%dma_wait3A_163, %dma_wait3A_164] : memref<3x800000xi32, #tpu.memory_space<hbm>> -> memref<3x512xi32, #tpu.memory_space<hbm>>
        %dma_wait3A_166 = arith.constant 0 : i32
        %dma_wait3A_167 = arith.constant 0 : i32
        %dma_wait3A_168 = tpu.memref_slice %arg6[%dma_wait3A_166, %dma_wait3A_167] : memref<3x800000xi32, #tpu.memory_space<hbm>> -> memref<3x512xi32, #tpu.memory_space<hbm>>
        tpu.wait_dma2 semaphore(%arg15 : memref<!tpu.dma_semaphore, #tpu.memory_space<semaphore_mem>>) src(%arg12 : memref<3x512xi32, #tpu.memory_space<vmem>>) dst(%dma_wait3A_168 : memref<3x512xi32, #tpu.memory_space<hbm>>)
      } else {
      }
      %add3A_76 = arith.constant 0 : i32
      %add3A_77 = vector.broadcast %add3A_76 : i32 to vector<16xi32>
      %add3A_78 = arith.addi %div3A_22, %add3A_77 : vector<16xi32>
      %broadcast_in_dim3A_79 = arith.constant 0 : i32
      %broadcast_in_dim3A_80 = vector.broadcast %broadcast_in_dim3A_79 : i32 to vector<16xi32>
      %scan3A = arith.constant 0 : i32
      %scan3A_81 = arith.constant 64 : i32
      %scan3A_82 = arith.addi %scan3A, %scan3A_81 : i32
      %scan3A_83 = arith.constant 1 : i32
      %scan3A_84 = scf.for %scan3A_158 = %scan3A to %scan3A_82 step %scan3A_83 iter_args(%scan3A_159 = %broadcast_in_dim3A_80) -> (vector<16xi32>)  : i32 {
        %parallel_loop3A_160 = arith.constant 0 : i32
        %parallel_loop3A_161 = arith.constant 32 : i32
        %parallel_loop3A_162 = arith.constant 1 : i32
        %parallel_loop3A_163 = scf.for %parallel_loop3A_165 = %parallel_loop3A_160 to %parallel_loop3A_161 step %parallel_loop3A_162 iter_args(%parallel_loop3A_166 = %add3A_78) -> (vector<16xi32>)  : i32 {
          %parallel_loop3A_167 = tpu.vector_load_idx %arg8[%scan3A_159, %parallel_loop3A_166] : memref<64x128xf32, #tpu.memory_space<vmem>>[vector<16xi32>, vector<16xi32>], vector<16xf32>,
          %parallel_loop3A_168 = arith.constant 16 : i32
          %parallel_loop3A_169 = arith.muli %parallel_loop3A_168, %parallel_loop3A_165 : i32
          %parallel_loop3A_170 = arith.index_cast %scan3A_158 : i32 to index
          %parallel_loop3A_171 = arith.index_cast %parallel_loop3A_169 : i32 to index
          %parallel_loop3A_172 = tpu.vector_load %arg10[%parallel_loop3A_170, %parallel_loop3A_171] {strides = array<i32>} : memref<64x512xf32, #tpu.memory_space<vmem>>, vector<16xf32>,
          tpu.vector_store %arg10[%parallel_loop3A_170, %parallel_loop3A_171], %parallel_loop3A_167 {strides = array<i32>} : memref<64x512xf32, #tpu.memory_space<vmem>>, vector<16xf32>,
          %parallel_loop3A_173 = arith.addi %parallel_loop3A_166, %broadcast_in_dim3A_46 : vector<16xi32>
          scf.yield %parallel_loop3A_173 : vector<16xi32>
        } {sc.loop_unroll_factor = 8 : i64, sc.parallel_access}
        %add3A_164 = arith.addi %scan3A_159, %broadcast_in_dim3A_44 : vector<16xi32>
        scf.yield %add3A_164 : vector<16xi32>
      }
      %scan3A_85 = arith.constant 64 : i32
      %broadcast_in_dim3A_86 = arith.constant 0 : i32
      %broadcast_in_dim3A_87 = vector.broadcast %broadcast_in_dim3A_86 : i32 to vector<16xi32>
      %parallel_loop3A = arith.constant 0 : i32
      %parallel_loop3A_88 = arith.constant 32 : i32
      %parallel_loop3A_89 = arith.constant 1 : i32
      %parallel_loop3A_90 = scf.for %parallel_loop3A_158 = %parallel_loop3A to %parallel_loop3A_88 step %parallel_loop3A_89 iter_args(%parallel_loop3A_159 = %add3A_78) -> (vector<16xi32>)  : i32 {
        %parallel_loop3A_160 = tpu.vector_load_idx %arg9[%broadcast_in_dim3A_87, %parallel_loop3A_159] : memref<3x128xi32, #tpu.memory_space<vmem>>[vector<16xi32>, vector<16xi32>], vector<16xi32>,
        %parallel_loop3A_161 = arith.addi %parallel_loop3A_160, %parallel_loop3A_160 : vector<16xi32>
        %parallel_loop3A_162 = arith.addi %parallel_loop3A_161, %and3A_30 : vector<16xi32>
        %parallel_loop3A_163 = arith.constant 16 : i32
        %parallel_loop3A_164 = arith.muli %parallel_loop3A_163, %parallel_loop3A_158 : i32
        %parallel_loop3A_165 = arith.constant 0 : i32
        %parallel_loop3A_166 = arith.index_cast %parallel_loop3A_165 : i32 to index
        %parallel_loop3A_167 = arith.index_cast %parallel_loop3A_164 : i32 to index
        %parallel_loop3A_168 = tpu.vector_load %arg12[%parallel_loop3A_166, %parallel_loop3A_167] {strides = array<i32>} : memref<3x512xi32, #tpu.memory_space<vmem>>, vector<16xi32>,
        tpu.vector_store %arg12[%parallel_loop3A_166, %parallel_loop3A_167], %parallel_loop3A_162 {strides = array<i32>} : memref<3x512xi32, #tpu.memory_space<vmem>>, vector<16xi32>,
        %parallel_loop3A_169 = arith.addi %parallel_loop3A_159, %broadcast_in_dim3A_46 : vector<16xi32>
        scf.yield %parallel_loop3A_169 : vector<16xi32>
      } {sc.loop_unroll_factor = 8 : i64, sc.parallel_access}
      %add3A_91 = arith.addi %broadcast_in_dim3A_87, %broadcast_in_dim3A_44 : vector<16xi32>
      %parallel_loop3A_92 = arith.constant 0 : i32
      %parallel_loop3A_93 = arith.constant 32 : i32
      %parallel_loop3A_94 = arith.constant 1 : i32
      %parallel_loop3A_95 = scf.for %parallel_loop3A_158 = %parallel_loop3A_92 to %parallel_loop3A_93 step %parallel_loop3A_94 iter_args(%parallel_loop3A_159 = %add3A_78) -> (vector<16xi32>)  : i32 {
        %parallel_loop3A_160 = tpu.vector_load_idx %arg9[%add3A_91, %parallel_loop3A_159] : memref<3x128xi32, #tpu.memory_space<vmem>>[vector<16xi32>, vector<16xi32>], vector<16xi32>,
        %parallel_loop3A_161 = arith.addi %parallel_loop3A_160, %parallel_loop3A_160 : vector<16xi32>
        %parallel_loop3A_162 = arith.addi %parallel_loop3A_161, %and3A_36 : vector<16xi32>
        %parallel_loop3A_163 = arith.constant 16 : i32
        %parallel_loop3A_164 = arith.muli %parallel_loop3A_163, %parallel_loop3A_158 : i32
        %parallel_loop3A_165 = arith.constant 1 : i32
        %parallel_loop3A_166 = arith.index_cast %parallel_loop3A_165 : i32 to index
        %parallel_loop3A_167 = arith.index_cast %parallel_loop3A_164 : i32 to index
        %parallel_loop3A_168 = tpu.vector_load %arg12[%parallel_loop3A_166, %parallel_loop3A_167] {strides = array<i32>} : memref<3x512xi32, #tpu.memory_space<vmem>>, vector<16xi32>,
        tpu.vector_store %arg12[%parallel_loop3A_166, %parallel_loop3A_167], %parallel_loop3A_162 {strides = array<i32>} : memref<3x512xi32, #tpu.memory_space<vmem>>, vector<16xi32>,
        %parallel_loop3A_169 = arith.addi %parallel_loop3A_159, %broadcast_in_dim3A_46 : vector<16xi32>
        scf.yield %parallel_loop3A_169 : vector<16xi32>
      } {sc.loop_unroll_factor = 8 : i64, sc.parallel_access}
      %add3A_96 = arith.addi %add3A_91, %broadcast_in_dim3A_44 : vector<16xi32>
      %parallel_loop3A_97 = arith.constant 0 : i32
      %parallel_loop3A_98 = arith.constant 32 : i32
      %parallel_loop3A_99 = arith.constant 1 : i32
      %parallel_loop3A_100 = scf.for %parallel_loop3A_158 = %parallel_loop3A_97 to %parallel_loop3A_98 step %parallel_loop3A_99 iter_args(%parallel_loop3A_159 = %add3A_78) -> (vector<16xi32>)  : i32 {
        %parallel_loop3A_160 = tpu.vector_load_idx %arg9[%add3A_96, %parallel_loop3A_159] : memref<3x128xi32, #tpu.memory_space<vmem>>[vector<16xi32>, vector<16xi32>], vector<16xi32>,
        %parallel_loop3A_161 = arith.addi %parallel_loop3A_160, %parallel_loop3A_160 : vector<16xi32>
        %parallel_loop3A_162 = arith.addi %parallel_loop3A_161, %and3A_42 : vector<16xi32>
        %parallel_loop3A_163 = arith.constant 16 : i32
        %parallel_loop3A_164 = arith.muli %parallel_loop3A_163, %parallel_loop3A_158 : i32
        %parallel_loop3A_165 = arith.constant 2 : i32
        %parallel_loop3A_166 = arith.index_cast %parallel_loop3A_165 : i32 to index
        %parallel_loop3A_167 = arith.index_cast %parallel_loop3A_164 : i32 to index
        %parallel_loop3A_168 = tpu.vector_load %arg12[%parallel_loop3A_166, %parallel_loop3A_167] {strides = array<i32>} : memref<3x512xi32, #tpu.memory_space<vmem>>, vector<16xi32>,
        tpu.vector_store %arg12[%parallel_loop3A_166, %parallel_loop3A_167], %parallel_loop3A_162 {strides = array<i32>} : memref<3x512xi32, #tpu.memory_space<vmem>>, vector<16xi32>,
        %parallel_loop3A_169 = arith.addi %parallel_loop3A_159, %broadcast_in_dim3A_46 : vector<16xi32>
        scf.yield %parallel_loop3A_169 : vector<16xi32>
      } {sc.loop_unroll_factor = 8 : i64, sc.parallel_access}
      %add3A_101 = arith.addi %add3A_96, %broadcast_in_dim3A_44 : vector<16xi32>
      %add3A_102 = arith.constant 0 : i32
      %add3A_103 = arith.addi %multiple_of3A_70, %add3A_102 : i32
      %dma_start3A = arith.constant 0 : i32
      %dma_start3A_104 = tpu.memref_slice %arg7[%dma_start3A, %add3A_103] : memref<64x800000xf32, #tpu.memory_space<hbm>> -> memref<64x512xf32, #tpu.memory_space<hbm>>
      %dma_start3A_105 = arith.constant 0 : i32
      %dma_start3A_106 = tpu.memref_slice %arg7[%dma_start3A_105, %add3A_103] : memref<64x800000xf32, #tpu.memory_space<hbm>> -> memref<64x512xf32, #tpu.memory_space<hbm>>
      tpu.enqueue_dma source(%arg10 : memref<64x512xf32, #tpu.memory_space<vmem>>) target(%dma_start3A_106 : memref<64x512xf32, #tpu.memory_space<hbm>>) target_semaphore(%arg14 : memref<!tpu.dma_semaphore, #tpu.memory_space<semaphore_mem>>)
      %add3A_107 = arith.constant 0 : i32
      %add3A_108 = arith.addi %multiple_of3A_70, %add3A_107 : i32
      %dma_start3A_109 = arith.constant 0 : i32
      %dma_start3A_110 = tpu.memref_slice %arg6[%dma_start3A_109, %add3A_108] : memref<3x800000xi32, #tpu.memory_space<hbm>> -> memref<3x512xi32, #tpu.memory_space<hbm>>
      %dma_start3A_111 = arith.constant 0 : i32
      %dma_start3A_112 = tpu.memref_slice %arg6[%dma_start3A_111, %add3A_108] : memref<3x800000xi32, #tpu.memory_space<hbm>> -> memref<3x512xi32, #tpu.memory_space<hbm>>
      tpu.enqueue_dma source(%arg12 : memref<3x512xi32, #tpu.memory_space<vmem>>) target(%dma_start3A_112 : memref<3x512xi32, #tpu.memory_space<hbm>>) target_semaphore(%arg15 : memref<!tpu.dma_semaphore, #tpu.memory_space<semaphore_mem>>)
      %ge3A_113 = arith.constant 1 : i32
      %ge3A_114 = arith.cmpi sge, %while3A_62, %ge3A_113 : i32
      %convert_element_type3A_115 = arith.extui %ge3A_114 : i1 to i32
      %cond3A_116 = arith.constant 0 : i32
      %cond3A_117 = arith.cmpi ne, %convert_element_type3A_115, %cond3A_116 : i32
      scf.if %cond3A_117 {
        %dma_wait3A = arith.constant 0 : i32
        %dma_wait3A_158 = arith.constant 0 : i32
        %dma_wait3A_159 = tpu.memref_slice %arg7[%dma_wait3A, %dma_wait3A_158] : memref<64x800000xf32, #tpu.memory_space<hbm>> -> memref<64x512xf32, #tpu.memory_space<hbm>>
        %dma_wait3A_160 = arith.constant 0 : i32
        %dma_wait3A_161 = arith.constant 0 : i32
        %dma_wait3A_162 = tpu.memref_slice %arg7[%dma_wait3A_160, %dma_wait3A_161] : memref<64x800000xf32, #tpu.memory_space<hbm>> -> memref<64x512xf32, #tpu.memory_space<hbm>>
        tpu.wait_dma2 semaphore(%arg14 : memref<!tpu.dma_semaphore, #tpu.memory_space<semaphore_mem>>) src(%arg11 : memref<64x512xf32, #tpu.memory_space<vmem>>) dst(%dma_wait3A_162 : memref<64x512xf32, #tpu.memory_space<hbm>>)
        %dma_wait3A_163 = arith.constant 0 : i32
        %dma_wait3A_164 = arith.constant 0 : i32
        %dma_wait3A_165 = tpu.memref_slice %arg6[%dma_wait3A_163, %dma_wait3A_164] : memref<3x800000xi32, #tpu.memory_space<hbm>> -> memref<3x512xi32, #tpu.memory_space<hbm>>
        %dma_wait3A_166 = arith.constant 0 : i32
        %dma_wait3A_167 = arith.constant 0 : i32
        %dma_wait3A_168 = tpu.memref_slice %arg6[%dma_wait3A_166, %dma_wait3A_167] : memref<3x800000xi32, #tpu.memory_space<hbm>> -> memref<3x512xi32, #tpu.memory_space<hbm>>
        tpu.wait_dma2 semaphore(%arg15 : memref<!tpu.dma_semaphore, #tpu.memory_space<semaphore_mem>>) src(%arg13 : memref<3x512xi32, #tpu.memory_space<vmem>>) dst(%dma_wait3A_168 : memref<3x512xi32, #tpu.memory_space<hbm>>)
      } else {
      }
      %add3A_118 = arith.constant 64 : i32
      %add3A_119 = vector.broadcast %add3A_118 : i32 to vector<16xi32>
      %add3A_120 = arith.addi %div3A_22, %add3A_119 : vector<16xi32>
      %broadcast_in_dim3A_121 = arith.constant 0 : i32
      %broadcast_in_dim3A_122 = vector.broadcast %broadcast_in_dim3A_121 : i32 to vector<16xi32>
      %scan3A_123 = arith.constant 0 : i32
      %scan3A_124 = arith.constant 64 : i32
      %scan3A_125 = arith.addi %scan3A_123, %scan3A_124 : i32
      %scan3A_126 = arith.constant 1 : i32
      %scan3A_127 = scf.for %scan3A_158 = %scan3A_123 to %scan3A_125 step %scan3A_126 iter_args(%scan3A_159 = %broadcast_in_dim3A_122) -> (vector<16xi32>)  : i32 {
        %parallel_loop3A_160 = arith.constant 0 : i32
        %parallel_loop3A_161 = arith.constant 32 : i32
        %parallel_loop3A_162 = arith.constant 1 : i32
        %parallel_loop3A_163 = scf.for %parallel_loop3A_165 = %parallel_loop3A_160 to %parallel_loop3A_161 step %parallel_loop3A_162 iter_args(%parallel_loop3A_166 = %add3A_120) -> (vector<16xi32>)  : i32 {
          %parallel_loop3A_167 = tpu.vector_load_idx %arg8[%scan3A_159, %parallel_loop3A_166] : memref<64x128xf32, #tpu.memory_space<vmem>>[vector<16xi32>, vector<16xi32>], vector<16xf32>,
          %parallel_loop3A_168 = arith.constant 16 : i32
          %parallel_loop3A_169 = arith.muli %parallel_loop3A_168, %parallel_loop3A_165 : i32
          %parallel_loop3A_170 = arith.index_cast %scan3A_158 : i32 to index
          %parallel_loop3A_171 = arith.index_cast %parallel_loop3A_169 : i32 to index
          %parallel_loop3A_172 = tpu.vector_load %arg11[%parallel_loop3A_170, %parallel_loop3A_171] {strides = array<i32>} : memref<64x512xf32, #tpu.memory_space<vmem>>, vector<16xf32>,
          tpu.vector_store %arg11[%parallel_loop3A_170, %parallel_loop3A_171], %parallel_loop3A_167 {strides = array<i32>} : memref<64x512xf32, #tpu.memory_space<vmem>>, vector<16xf32>,
          %parallel_loop3A_173 = arith.addi %parallel_loop3A_166, %broadcast_in_dim3A_46 : vector<16xi32>
          scf.yield %parallel_loop3A_173 : vector<16xi32>
        } {sc.loop_unroll_factor = 8 : i64, sc.parallel_access}
        %add3A_164 = arith.addi %scan3A_159, %broadcast_in_dim3A_44 : vector<16xi32>
        scf.yield %add3A_164 : vector<16xi32>
      }
      %scan3A_128 = arith.constant 64 : i32
      %broadcast_in_dim3A_129 = arith.constant 0 : i32
      %broadcast_in_dim3A_130 = vector.broadcast %broadcast_in_dim3A_129 : i32 to vector<16xi32>
      %parallel_loop3A_131 = arith.constant 0 : i32
      %parallel_loop3A_132 = arith.constant 32 : i32
      %parallel_loop3A_133 = arith.constant 1 : i32
      %parallel_loop3A_134 = scf.for %parallel_loop3A_158 = %parallel_loop3A_131 to %parallel_loop3A_132 step %parallel_loop3A_133 iter_args(%parallel_loop3A_159 = %add3A_120) -> (vector<16xi32>)  : i32 {
        %parallel_loop3A_160 = tpu.vector_load_idx %arg9[%broadcast_in_dim3A_130, %parallel_loop3A_159] : memref<3x128xi32, #tpu.memory_space<vmem>>[vector<16xi32>, vector<16xi32>], vector<16xi32>,
        %parallel_loop3A_161 = arith.addi %parallel_loop3A_160, %parallel_loop3A_160 : vector<16xi32>
        %parallel_loop3A_162 = arith.addi %parallel_loop3A_161, %and3A_30 : vector<16xi32>
        %parallel_loop3A_163 = arith.constant 16 : i32
        %parallel_loop3A_164 = arith.muli %parallel_loop3A_163, %parallel_loop3A_158 : i32
        %parallel_loop3A_165 = arith.constant 0 : i32
        %parallel_loop3A_166 = arith.index_cast %parallel_loop3A_165 : i32 to index
        %parallel_loop3A_167 = arith.index_cast %parallel_loop3A_164 : i32 to index
        %parallel_loop3A_168 = tpu.vector_load %arg13[%parallel_loop3A_166, %parallel_loop3A_167] {strides = array<i32>} : memref<3x512xi32, #tpu.memory_space<vmem>>, vector<16xi32>,
        tpu.vector_store %arg13[%parallel_loop3A_166, %parallel_loop3A_167], %parallel_loop3A_162 {strides = array<i32>} : memref<3x512xi32, #tpu.memory_space<vmem>>, vector<16xi32>,
        %parallel_loop3A_169 = arith.addi %parallel_loop3A_159, %broadcast_in_dim3A_46 : vector<16xi32>
        scf.yield %parallel_loop3A_169 : vector<16xi32>
      } {sc.loop_unroll_factor = 8 : i64, sc.parallel_access}
      %add3A_135 = arith.addi %broadcast_in_dim3A_130, %broadcast_in_dim3A_44 : vector<16xi32>
      %parallel_loop3A_136 = arith.constant 0 : i32
      %parallel_loop3A_137 = arith.constant 32 : i32
      %parallel_loop3A_138 = arith.constant 1 : i32
      %parallel_loop3A_139 = scf.for %parallel_loop3A_158 = %parallel_loop3A_136 to %parallel_loop3A_137 step %parallel_loop3A_138 iter_args(%parallel_loop3A_159 = %add3A_120) -> (vector<16xi32>)  : i32 {
        %parallel_loop3A_160 = tpu.vector_load_idx %arg9[%add3A_135, %parallel_loop3A_159] : memref<3x128xi32, #tpu.memory_space<vmem>>[vector<16xi32>, vector<16xi32>], vector<16xi32>,
        %parallel_loop3A_161 = arith.addi %parallel_loop3A_160, %parallel_loop3A_160 : vector<16xi32>
        %parallel_loop3A_162 = arith.addi %parallel_loop3A_161, %and3A_36 : vector<16xi32>
        %parallel_loop3A_163 = arith.constant 16 : i32
        %parallel_loop3A_164 = arith.muli %parallel_loop3A_163, %parallel_loop3A_158 : i32
        %parallel_loop3A_165 = arith.constant 1 : i32
        %parallel_loop3A_166 = arith.index_cast %parallel_loop3A_165 : i32 to index
        %parallel_loop3A_167 = arith.index_cast %parallel_loop3A_164 : i32 to index
        %parallel_loop3A_168 = tpu.vector_load %arg13[%parallel_loop3A_166, %parallel_loop3A_167] {strides = array<i32>} : memref<3x512xi32, #tpu.memory_space<vmem>>, vector<16xi32>,
        tpu.vector_store %arg13[%parallel_loop3A_166, %parallel_loop3A_167], %parallel_loop3A_162 {strides = array<i32>} : memref<3x512xi32, #tpu.memory_space<vmem>>, vector<16xi32>,
        %parallel_loop3A_169 = arith.addi %parallel_loop3A_159, %broadcast_in_dim3A_46 : vector<16xi32>
        scf.yield %parallel_loop3A_169 : vector<16xi32>
      } {sc.loop_unroll_factor = 8 : i64, sc.parallel_access}
      %add3A_140 = arith.addi %add3A_135, %broadcast_in_dim3A_44 : vector<16xi32>
      %parallel_loop3A_141 = arith.constant 0 : i32
      %parallel_loop3A_142 = arith.constant 32 : i32
      %parallel_loop3A_143 = arith.constant 1 : i32
      %parallel_loop3A_144 = scf.for %parallel_loop3A_158 = %parallel_loop3A_141 to %parallel_loop3A_142 step %parallel_loop3A_143 iter_args(%parallel_loop3A_159 = %add3A_120) -> (vector<16xi32>)  : i32 {
        %parallel_loop3A_160 = tpu.vector_load_idx %arg9[%add3A_140, %parallel_loop3A_159] : memref<3x128xi32, #tpu.memory_space<vmem>>[vector<16xi32>, vector<16xi32>], vector<16xi32>,
        %parallel_loop3A_161 = arith.addi %parallel_loop3A_160, %parallel_loop3A_160 : vector<16xi32>
        %parallel_loop3A_162 = arith.addi %parallel_loop3A_161, %and3A_42 : vector<16xi32>
        %parallel_loop3A_163 = arith.constant 16 : i32
        %parallel_loop3A_164 = arith.muli %parallel_loop3A_163, %parallel_loop3A_158 : i32
        %parallel_loop3A_165 = arith.constant 2 : i32
        %parallel_loop3A_166 = arith.index_cast %parallel_loop3A_165 : i32 to index
        %parallel_loop3A_167 = arith.index_cast %parallel_loop3A_164 : i32 to index
        %parallel_loop3A_168 = tpu.vector_load %arg13[%parallel_loop3A_166, %parallel_loop3A_167] {strides = array<i32>} : memref<3x512xi32, #tpu.memory_space<vmem>>, vector<16xi32>,
        tpu.vector_store %arg13[%parallel_loop3A_166, %parallel_loop3A_167], %parallel_loop3A_162 {strides = array<i32>} : memref<3x512xi32, #tpu.memory_space<vmem>>, vector<16xi32>,
        %parallel_loop3A_169 = arith.addi %parallel_loop3A_159, %broadcast_in_dim3A_46 : vector<16xi32>
        scf.yield %parallel_loop3A_169 : vector<16xi32>
      } {sc.loop_unroll_factor = 8 : i64, sc.parallel_access}
      %add3A_145 = arith.addi %add3A_140, %broadcast_in_dim3A_44 : vector<16xi32>
      %add3A_146 = arith.constant 512 : i32
      %add3A_147 = arith.addi %multiple_of3A_70, %add3A_146 : i32
      %dma_start3A_148 = arith.constant 0 : i32
      %dma_start3A_149 = tpu.memref_slice %arg7[%dma_start3A_148, %add3A_147] : memref<64x800000xf32, #tpu.memory_space<hbm>> -> memref<64x512xf32, #tpu.memory_space<hbm>>
      %dma_start3A_150 = arith.constant 0 : i32
      %dma_start3A_151 = tpu.memref_slice %arg7[%dma_start3A_150, %add3A_147] : memref<64x800000xf32, #tpu.memory_space<hbm>> -> memref<64x512xf32, #tpu.memory_space<hbm>>
      tpu.enqueue_dma source(%arg11 : memref<64x512xf32, #tpu.memory_space<vmem>>) target(%dma_start3A_151 : memref<64x512xf32, #tpu.memory_space<hbm>>) target_semaphore(%arg14 : memref<!tpu.dma_semaphore, #tpu.memory_space<semaphore_mem>>)
      %add3A_152 = arith.constant 512 : i32
      %add3A_153 = arith.addi %multiple_of3A_70, %add3A_152 : i32
      %dma_start3A_154 = arith.constant 0 : i32
      %dma_start3A_155 = tpu.memref_slice %arg6[%dma_start3A_154, %add3A_153] : memref<3x800000xi32, #tpu.memory_space<hbm>> -> memref<3x512xi32, #tpu.memory_space<hbm>>
      %dma_start3A_156 = arith.constant 0 : i32
      %dma_start3A_157 = tpu.memref_slice %arg6[%dma_start3A_156, %add3A_153] : memref<3x800000xi32, #tpu.memory_space<hbm>> -> memref<3x512xi32, #tpu.memory_space<hbm>>
      tpu.enqueue_dma source(%arg13 : memref<3x512xi32, #tpu.memory_space<vmem>>) target(%dma_start3A_157 : memref<3x512xi32, #tpu.memory_space<hbm>>) target_semaphore(%arg15 : memref<!tpu.dma_semaphore, #tpu.memory_space<semaphore_mem>>)
    }
    %ge3A = arith.constant 1 : i32
    %ge3A_56 = arith.cmpi sge, %add3A_20, %ge3A : i32
    %convert_element_type3A = arith.extui %ge3A_56 : i1 to i32
    %cond3A = arith.constant 0 : i32
    %cond3A_57 = arith.cmpi ne, %convert_element_type3A, %cond3A : i32
    scf.if %cond3A_57 {
      %dma_wait3A = arith.constant 0 : i32
      %dma_wait3A_62 = arith.constant 0 : i32
      %dma_wait3A_63 = tpu.memref_slice %arg7[%dma_wait3A, %dma_wait3A_62] : memref<64x800000xf32, #tpu.memory_space<hbm>> -> memref<64x512xf32, #tpu.memory_space<hbm>>
      %dma_wait3A_64 = arith.constant 0 : i32
      %dma_wait3A_65 = arith.constant 0 : i32
      %dma_wait3A_66 = tpu.memref_slice %arg7[%dma_wait3A_64, %dma_wait3A_65] : memref<64x800000xf32, #tpu.memory_space<hbm>> -> memref<64x512xf32, #tpu.memory_space<hbm>>
      tpu.wait_dma2 semaphore(%arg14 : memref<!tpu.dma_semaphore, #tpu.memory_space<semaphore_mem>>) src(%arg10 : memref<64x512xf32, #tpu.memory_space<vmem>>) dst(%dma_wait3A_66 : memref<64x512xf32, #tpu.memory_space<hbm>>)
      %dma_wait3A_67 = arith.constant 0 : i32
      %dma_wait3A_68 = arith.constant 0 : i32
      %dma_wait3A_69 = tpu.memref_slice %arg6[%dma_wait3A_67, %dma_wait3A_68] : memref<3x800000xi32, #tpu.memory_space<hbm>> -> memref<3x512xi32, #tpu.memory_space<hbm>>
      %dma_wait3A_70 = arith.constant 0 : i32
      %dma_wait3A_71 = arith.constant 0 : i32
      %dma_wait3A_72 = tpu.memref_slice %arg6[%dma_wait3A_70, %dma_wait3A_71] : memref<3x800000xi32, #tpu.memory_space<hbm>> -> memref<3x512xi32, #tpu.memory_space<hbm>>
      tpu.wait_dma2 semaphore(%arg15 : memref<!tpu.dma_semaphore, #tpu.memory_space<semaphore_mem>>) src(%arg12 : memref<3x512xi32, #tpu.memory_space<vmem>>) dst(%dma_wait3A_72 : memref<3x512xi32, #tpu.memory_space<hbm>>)
      %dma_wait3A_73 = arith.constant 0 : i32
      %dma_wait3A_74 = arith.constant 0 : i32
      %dma_wait3A_75 = tpu.memref_slice %arg7[%dma_wait3A_73, %dma_wait3A_74] : memref<64x800000xf32, #tpu.memory_space<hbm>> -> memref<64x512xf32, #tpu.memory_space<hbm>>
      %dma_wait3A_76 = arith.constant 0 : i32
      %dma_wait3A_77 = arith.constant 0 : i32
      %dma_wait3A_78 = tpu.memref_slice %arg7[%dma_wait3A_76, %dma_wait3A_77] : memref<64x800000xf32, #tpu.memory_space<hbm>> -> memref<64x512xf32, #tpu.memory_space<hbm>>
      tpu.wait_dma2 semaphore(%arg14 : memref<!tpu.dma_semaphore, #tpu.memory_space<semaphore_mem>>) src(%arg11 : memref<64x512xf32, #tpu.memory_space<vmem>>) dst(%dma_wait3A_78 : memref<64x512xf32, #tpu.memory_space<hbm>>)
      %dma_wait3A_79 = arith.constant 0 : i32
      %dma_wait3A_80 = arith.constant 0 : i32
      %dma_wait3A_81 = tpu.memref_slice %arg6[%dma_wait3A_79, %dma_wait3A_80] : memref<3x800000xi32, #tpu.memory_space<hbm>> -> memref<3x512xi32, #tpu.memory_space<hbm>>
      %dma_wait3A_82 = arith.constant 0 : i32
      %dma_wait3A_83 = arith.constant 0 : i32
      %dma_wait3A_84 = tpu.memref_slice %arg6[%dma_wait3A_82, %dma_wait3A_83] : memref<3x800000xi32, #tpu.memory_space<hbm>> -> memref<3x512xi32, #tpu.memory_space<hbm>>
      tpu.wait_dma2 semaphore(%arg15 : memref<!tpu.dma_semaphore, #tpu.memory_space<semaphore_mem>>) src(%arg13 : memref<3x512xi32, #tpu.memory_space<vmem>>) dst(%dma_wait3A_84 : memref<3x512xi32, #tpu.memory_space<hbm>>)
    } else {
    }
    %eq3A = arith.constant 0 : i32
    %eq3A_58 = arith.cmpi eq, %add3A, %eq3A : i32
    %convert_element_type3A_59 = arith.extui %eq3A_58 : i1 to i32
    %cond3A_60 = arith.constant 0 : i32
    %cond3A_61 = arith.cmpi ne, %convert_element_type3A_59, %cond3A_60 : i32
    scf.if %cond3A_61 {
      "tpu.region"() ({
        %run_scoped3A = tpu.sem_alloc : memref<!tpu.dma_semaphore, #tpu.memory_space<semaphore_mem>>
        tpu.enqueue_dma source(%arg4 : memref<2048xf32, #tpu.memory_space<hbm>>) target(%arg16 : memref<2048xf32, #tpu.memory_space<vmem>>) target_semaphore(%run_scoped3A : memref<!tpu.dma_semaphore, #tpu.memory_space<semaphore_mem>>)
        tpu.wait_dma2 semaphore(%run_scoped3A : memref<!tpu.dma_semaphore, #tpu.memory_space<semaphore_mem>>) src(%arg4 : memref<2048xf32, #tpu.memory_space<hbm>>) dst(%arg16 : memref<2048xf32, #tpu.memory_space<vmem>>)
        tpu.yield
      }) : () -> ()
      "tpu.region"() ({
        %run_scoped3A = tpu.sem_alloc : memref<!tpu.dma_semaphore, #tpu.memory_space<semaphore_mem>>
        tpu.enqueue_dma source(%arg5 : memref<96xi32, #tpu.memory_space<hbm>>) target(%arg17 : memref<96xi32, #tpu.memory_space<vmem>>) target_semaphore(%run_scoped3A : memref<!tpu.dma_semaphore, #tpu.memory_space<semaphore_mem>>)
        tpu.wait_dma2 semaphore(%run_scoped3A : memref<!tpu.dma_semaphore, #tpu.memory_space<semaphore_mem>>) src(%arg5 : memref<96xi32, #tpu.memory_space<hbm>>) dst(%arg17 : memref<96xi32, #tpu.memory_space<vmem>>)
        tpu.yield
      }) : () -> ()
      %broadcast_in_dim3A_62 = arith.constant 0 : i32
      %broadcast_in_dim3A_63 = vector.broadcast %broadcast_in_dim3A_62 : i32 to vector<16xi32>
      %scan3A = arith.constant 0 : i32
      %scan3A_64 = arith.constant 64 : i32
      %scan3A_65 = arith.addi %scan3A, %scan3A_64 : i32
      %scan3A_66 = arith.constant 1 : i32
      %scan3A_67 = scf.for %scan3A_101 = %scan3A to %scan3A_65 step %scan3A_66 iter_args(%scan3A_102 = %broadcast_in_dim3A_63) -> (vector<16xi32>)  : i32 {
        %add3A_103 = arith.addi %scan3A_102, %div3A_22 : vector<16xi32>
        %scan3A_104 = arith.constant 0 : i32
        %scan3A_105 = arith.constant 16 : i32
        %scan3A_106 = arith.addi %scan3A_104, %scan3A_105 : i32
        %scan3A_107 = arith.constant 8 : i32
        %scan3A_108 = scf.for %scan3A_113 = %scan3A_104 to %scan3A_106 step %scan3A_107 iter_args(%scan3A_114 = %add3A_103) -> (vector<16xi32>)  : i32 {
          %gather3A = tpu.vector_load_idx %arg16[%scan3A_114] : memref<2048xf32, #tpu.memory_space<vmem>>[vector<16xi32>], vector<16xf32>,
          %mul3A_115 = arith.constant 16 : i32
          %mul3A_116 = arith.muli %mul3A_115, %scan3A_113 : i32
          %swap3A = arith.index_cast %scan3A_101 : i32 to index
          %swap3A_117 = arith.index_cast %mul3A_116 : i32 to index
          %swap3A_118 = tpu.vector_load %arg10[%swap3A, %swap3A_117] {strides = array<i32>} : memref<64x512xf32, #tpu.memory_space<vmem>>, vector<16xf32>,
          tpu.vector_store %arg10[%swap3A, %swap3A_117], %gather3A {strides = array<i32>} : memref<64x512xf32, #tpu.memory_space<vmem>>, vector<16xf32>,
          %add3A_119 = arith.addi %scan3A_114, %broadcast_in_dim3A_46 : vector<16xi32>
          %scan3A_120 = arith.constant 1 : i32
          %scan3A_121 = arith.addi %scan3A_113, %scan3A_120 : i32
          %gather3A_122 = tpu.vector_load_idx %arg16[%add3A_119] : memref<2048xf32, #tpu.memory_space<vmem>>[vector<16xi32>], vector<16xf32>,
          %mul3A_123 = arith.constant 16 : i32
          %mul3A_124 = arith.muli %mul3A_123, %scan3A_121 : i32
          %swap3A_125 = arith.index_cast %scan3A_101 : i32 to index
          %swap3A_126 = arith.index_cast %mul3A_124 : i32 to index
          %swap3A_127 = tpu.vector_load %arg10[%swap3A_125, %swap3A_126] {strides = array<i32>} : memref<64x512xf32, #tpu.memory_space<vmem>>, vector<16xf32>,
          tpu.vector_store %arg10[%swap3A_125, %swap3A_126], %gather3A_122 {strides = array<i32>} : memref<64x512xf32, #tpu.memory_space<vmem>>, vector<16xf32>,
          %add3A_128 = arith.addi %add3A_119, %broadcast_in_dim3A_46 : vector<16xi32>
          %scan3A_129 = arith.constant 2 : i32
          %scan3A_130 = arith.addi %scan3A_113, %scan3A_129 : i32
          %gather3A_131 = tpu.vector_load_idx %arg16[%add3A_128] : memref<2048xf32, #tpu.memory_space<vmem>>[vector<16xi32>], vector<16xf32>,
          %mul3A_132 = arith.constant 16 : i32
          %mul3A_133 = arith.muli %mul3A_132, %scan3A_130 : i32
          %swap3A_134 = arith.index_cast %scan3A_101 : i32 to index
          %swap3A_135 = arith.index_cast %mul3A_133 : i32 to index
          %swap3A_136 = tpu.vector_load %arg10[%swap3A_134, %swap3A_135] {strides = array<i32>} : memref<64x512xf32, #tpu.memory_space<vmem>>, vector<16xf32>,
          tpu.vector_store %arg10[%swap3A_134, %swap3A_135], %gather3A_131 {strides = array<i32>} : memref<64x512xf32, #tpu.memory_space<vmem>>, vector<16xf32>,
          %add3A_137 = arith.addi %add3A_128, %broadcast_in_dim3A_46 : vector<16xi32>
          %scan3A_138 = arith.constant 3 : i32
          %scan3A_139 = arith.addi %scan3A_113, %scan3A_138 : i32
          %gather3A_140 = tpu.vector_load_idx %arg16[%add3A_137] : memref<2048xf32, #tpu.memory_space<vmem>>[vector<16xi32>], vector<16xf32>,
          %mul3A_141 = arith.constant 16 : i32
          %mul3A_142 = arith.muli %mul3A_141, %scan3A_139 : i32
          %swap3A_143 = arith.index_cast %scan3A_101 : i32 to index
          %swap3A_144 = arith.index_cast %mul3A_142 : i32 to index
          %swap3A_145 = tpu.vector_load %arg10[%swap3A_143, %swap3A_144] {strides = array<i32>} : memref<64x512xf32, #tpu.memory_space<vmem>>, vector<16xf32>,
          tpu.vector_store %arg10[%swap3A_143, %swap3A_144], %gather3A_140 {strides = array<i32>} : memref<64x512xf32, #tpu.memory_space<vmem>>, vector<16xf32>,
          %add3A_146 = arith.addi %add3A_137, %broadcast_in_dim3A_46 : vector<16xi32>
          %scan3A_147 = arith.constant 4 : i32
          %scan3A_148 = arith.addi %scan3A_113, %scan3A_147 : i32
          %gather3A_149 = tpu.vector_load_idx %arg16[%add3A_146] : memref<2048xf32, #tpu.memory_space<vmem>>[vector<16xi32>], vector<16xf32>,
          %mul3A_150 = arith.constant 16 : i32
          %mul3A_151 = arith.muli %mul3A_150, %scan3A_148 : i32
          %swap3A_152 = arith.index_cast %scan3A_101 : i32 to index
          %swap3A_153 = arith.index_cast %mul3A_151 : i32 to index
          %swap3A_154 = tpu.vector_load %arg10[%swap3A_152, %swap3A_153] {strides = array<i32>} : memref<64x512xf32, #tpu.memory_space<vmem>>, vector<16xf32>,
          tpu.vector_store %arg10[%swap3A_152, %swap3A_153], %gather3A_149 {strides = array<i32>} : memref<64x512xf32, #tpu.memory_space<vmem>>, vector<16xf32>,
          %add3A_155 = arith.addi %add3A_146, %broadcast_in_dim3A_46 : vector<16xi32>
          %scan3A_156 = arith.constant 5 : i32
          %scan3A_157 = arith.addi %scan3A_113, %scan3A_156 : i32
          %gather3A_158 = tpu.vector_load_idx %arg16[%add3A_155] : memref<2048xf32, #tpu.memory_space<vmem>>[vector<16xi32>], vector<16xf32>,
          %mul3A_159 = arith.constant 16 : i32
          %mul3A_160 = arith.muli %mul3A_159, %scan3A_157 : i32
          %swap3A_161 = arith.index_cast %scan3A_101 : i32 to index
          %swap3A_162 = arith.index_cast %mul3A_160 : i32 to index
          %swap3A_163 = tpu.vector_load %arg10[%swap3A_161, %swap3A_162] {strides = array<i32>} : memref<64x512xf32, #tpu.memory_space<vmem>>, vector<16xf32>,
          tpu.vector_store %arg10[%swap3A_161, %swap3A_162], %gather3A_158 {strides = array<i32>} : memref<64x512xf32, #tpu.memory_space<vmem>>, vector<16xf32>,
          %add3A_164 = arith.addi %add3A_155, %broadcast_in_dim3A_46 : vector<16xi32>
          %scan3A_165 = arith.constant 6 : i32
          %scan3A_166 = arith.addi %scan3A_113, %scan3A_165 : i32
          %gather3A_167 = tpu.vector_load_idx %arg16[%add3A_164] : memref<2048xf32, #tpu.memory_space<vmem>>[vector<16xi32>], vector<16xf32>,
          %mul3A_168 = arith.constant 16 : i32
          %mul3A_169 = arith.muli %mul3A_168, %scan3A_166 : i32
          %swap3A_170 = arith.index_cast %scan3A_101 : i32 to index
          %swap3A_171 = arith.index_cast %mul3A_169 : i32 to index
          %swap3A_172 = tpu.vector_load %arg10[%swap3A_170, %swap3A_171] {strides = array<i32>} : memref<64x512xf32, #tpu.memory_space<vmem>>, vector<16xf32>,
          tpu.vector_store %arg10[%swap3A_170, %swap3A_171], %gather3A_167 {strides = array<i32>} : memref<64x512xf32, #tpu.memory_space<vmem>>, vector<16xf32>,
          %add3A_173 = arith.addi %add3A_164, %broadcast_in_dim3A_46 : vector<16xi32>
          %scan3A_174 = arith.constant 7 : i32
          %scan3A_175 = arith.addi %scan3A_113, %scan3A_174 : i32
          %gather3A_176 = tpu.vector_load_idx %arg16[%add3A_173] : memref<2048xf32, #tpu.memory_space<vmem>>[vector<16xi32>], vector<16xf32>,
          %mul3A_177 = arith.constant 16 : i32
          %mul3A_178 = arith.muli %mul3A_177, %scan3A_175 : i32
          %swap3A_179 = arith.index_cast %scan3A_101 : i32 to index
          %swap3A_180 = arith.index_cast %mul3A_178 : i32 to index
          %swap3A_181 = tpu.vector_load %arg10[%swap3A_179, %swap3A_180] {strides = array<i32>} : memref<64x512xf32, #tpu.memory_space<vmem>>, vector<16xf32>,
          tpu.vector_store %arg10[%swap3A_179, %swap3A_180], %gather3A_176 {strides = array<i32>} : memref<64x512xf32, #tpu.memory_space<vmem>>, vector<16xf32>,
          %add3A_182 = arith.addi %add3A_173, %broadcast_in_dim3A_46 : vector<16xi32>
          scf.yield %add3A_182 : vector<16xi32>
        }
        %scan3A_109 = arith.constant 16 : i32
        %broadcast_in_dim3A_110 = arith.constant 32 : i32
        %broadcast_in_dim3A_111 = vector.broadcast %broadcast_in_dim3A_110 : i32 to vector<16xi32>
        %add3A_112 = arith.addi %scan3A_102, %broadcast_in_dim3A_111 : vector<16xi32>
        scf.yield %add3A_112 : vector<16xi32>
      }
      %scan3A_68 = arith.constant 64 : i32
      %broadcast_in_dim3A_69 = arith.constant 0 : i32
      %broadcast_in_dim3A_70 = vector.broadcast %broadcast_in_dim3A_69 : i32 to vector<16xi32>
      %add3A_71 = arith.addi %broadcast_in_dim3A_70, %div3A_22 : vector<16xi32>
      %scan3A_72 = arith.constant 0 : i32
      %scan3A_73 = arith.constant 16 : i32
      %scan3A_74 = arith.addi %scan3A_72, %scan3A_73 : i32
      %scan3A_75 = arith.constant 8 : i32
      %scan3A_76 = scf.for %scan3A_101 = %scan3A_72 to %scan3A_74 step %scan3A_75 iter_args(%scan3A_102 = %add3A_71) -> (vector<16xi32>)  : i32 {
        %gather3A = tpu.vector_load_idx %arg17[%scan3A_102] : memref<96xi32, #tpu.memory_space<vmem>>[vector<16xi32>], vector<16xi32>,
        %add3A_103 = arith.addi %gather3A, %gather3A : vector<16xi32>
        %add3A_104 = arith.addi %add3A_103, %and3A_30 : vector<16xi32>
        %mul3A_105 = arith.constant 16 : i32
        %mul3A_106 = arith.muli %mul3A_105, %scan3A_101 : i32
        %swap3A = arith.constant 0 : i32
        %swap3A_107 = arith.index_cast %swap3A : i32 to index
        %swap3A_108 = arith.index_cast %mul3A_106 : i32 to index
        %swap3A_109 = tpu.vector_load %arg12[%swap3A_107, %swap3A_108] {strides = array<i32>} : memref<3x512xi32, #tpu.memory_space<vmem>>, vector<16xi32>,
        tpu.vector_store %arg12[%swap3A_107, %swap3A_108], %add3A_104 {strides = array<i32>} : memref<3x512xi32, #tpu.memory_space<vmem>>, vector<16xi32>,
        %add3A_110 = arith.addi %scan3A_102, %broadcast_in_dim3A_46 : vector<16xi32>
        %scan3A_111 = arith.constant 1 : i32
        %scan3A_112 = arith.addi %scan3A_101, %scan3A_111 : i32
        %gather3A_113 = tpu.vector_load_idx %arg17[%add3A_110] : memref<96xi32, #tpu.memory_space<vmem>>[vector<16xi32>], vector<16xi32>,
        %add3A_114 = arith.addi %gather3A_113, %gather3A_113 : vector<16xi32>
        %add3A_115 = arith.addi %add3A_114, %and3A_30 : vector<16xi32>
        %mul3A_116 = arith.constant 16 : i32
        %mul3A_117 = arith.muli %mul3A_116, %scan3A_112 : i32
        %swap3A_118 = arith.constant 0 : i32
        %swap3A_119 = arith.index_cast %swap3A_118 : i32 to index
        %swap3A_120 = arith.index_cast %mul3A_117 : i32 to index
        %swap3A_121 = tpu.vector_load %arg12[%swap3A_119, %swap3A_120] {strides = array<i32>} : memref<3x512xi32, #tpu.memory_space<vmem>>, vector<16xi32>,
        tpu.vector_store %arg12[%swap3A_119, %swap3A_120], %add3A_115 {strides = array<i32>} : memref<3x512xi32, #tpu.memory_space<vmem>>, vector<16xi32>,
        %add3A_122 = arith.addi %add3A_110, %broadcast_in_dim3A_46 : vector<16xi32>
        %scan3A_123 = arith.constant 2 : i32
        %scan3A_124 = arith.addi %scan3A_101, %scan3A_123 : i32
        %gather3A_125 = tpu.vector_load_idx %arg17[%add3A_122] : memref<96xi32, #tpu.memory_space<vmem>>[vector<16xi32>], vector<16xi32>,
        %add3A_126 = arith.addi %gather3A_125, %gather3A_125 : vector<16xi32>
        %add3A_127 = arith.addi %add3A_126, %and3A_30 : vector<16xi32>
        %mul3A_128 = arith.constant 16 : i32
        %mul3A_129 = arith.muli %mul3A_128, %scan3A_124 : i32
        %swap3A_130 = arith.constant 0 : i32
        %swap3A_131 = arith.index_cast %swap3A_130 : i32 to index
        %swap3A_132 = arith.index_cast %mul3A_129 : i32 to index
        %swap3A_133 = tpu.vector_load %arg12[%swap3A_131, %swap3A_132] {strides = array<i32>} : memref<3x512xi32, #tpu.memory_space<vmem>>, vector<16xi32>,
        tpu.vector_store %arg12[%swap3A_131, %swap3A_132], %add3A_127 {strides = array<i32>} : memref<3x512xi32, #tpu.memory_space<vmem>>, vector<16xi32>,
        %add3A_134 = arith.addi %add3A_122, %broadcast_in_dim3A_46 : vector<16xi32>
        %scan3A_135 = arith.constant 3 : i32
        %scan3A_136 = arith.addi %scan3A_101, %scan3A_135 : i32
        %gather3A_137 = tpu.vector_load_idx %arg17[%add3A_134] : memref<96xi32, #tpu.memory_space<vmem>>[vector<16xi32>], vector<16xi32>,
        %add3A_138 = arith.addi %gather3A_137, %gather3A_137 : vector<16xi32>
        %add3A_139 = arith.addi %add3A_138, %and3A_30 : vector<16xi32>
        %mul3A_140 = arith.constant 16 : i32
        %mul3A_141 = arith.muli %mul3A_140, %scan3A_136 : i32
        %swap3A_142 = arith.constant 0 : i32
        %swap3A_143 = arith.index_cast %swap3A_142 : i32 to index
        %swap3A_144 = arith.index_cast %mul3A_141 : i32 to index
        %swap3A_145 = tpu.vector_load %arg12[%swap3A_143, %swap3A_144] {strides = array<i32>} : memref<3x512xi32, #tpu.memory_space<vmem>>, vector<16xi32>,
        tpu.vector_store %arg12[%swap3A_143, %swap3A_144], %add3A_139 {strides = array<i32>} : memref<3x512xi32, #tpu.memory_space<vmem>>, vector<16xi32>,
        %add3A_146 = arith.addi %add3A_134, %broadcast_in_dim3A_46 : vector<16xi32>
        %scan3A_147 = arith.constant 4 : i32
        %scan3A_148 = arith.addi %scan3A_101, %scan3A_147 : i32
        %gather3A_149 = tpu.vector_load_idx %arg17[%add3A_146] : memref<96xi32, #tpu.memory_space<vmem>>[vector<16xi32>], vector<16xi32>,
        %add3A_150 = arith.addi %gather3A_149, %gather3A_149 : vector<16xi32>
        %add3A_151 = arith.addi %add3A_150, %and3A_30 : vector<16xi32>
        %mul3A_152 = arith.constant 16 : i32
        %mul3A_153 = arith.muli %mul3A_152, %scan3A_148 : i32
        %swap3A_154 = arith.constant 0 : i32
        %swap3A_155 = arith.index_cast %swap3A_154 : i32 to index
        %swap3A_156 = arith.index_cast %mul3A_153 : i32 to index
        %swap3A_157 = tpu.vector_load %arg12[%swap3A_155, %swap3A_156] {strides = array<i32>} : memref<3x512xi32, #tpu.memory_space<vmem>>, vector<16xi32>,
        tpu.vector_store %arg12[%swap3A_155, %swap3A_156], %add3A_151 {strides = array<i32>} : memref<3x512xi32, #tpu.memory_space<vmem>>, vector<16xi32>,
        %add3A_158 = arith.addi %add3A_146, %broadcast_in_dim3A_46 : vector<16xi32>
        %scan3A_159 = arith.constant 5 : i32
        %scan3A_160 = arith.addi %scan3A_101, %scan3A_159 : i32
        %gather3A_161 = tpu.vector_load_idx %arg17[%add3A_158] : memref<96xi32, #tpu.memory_space<vmem>>[vector<16xi32>], vector<16xi32>,
        %add3A_162 = arith.addi %gather3A_161, %gather3A_161 : vector<16xi32>
        %add3A_163 = arith.addi %add3A_162, %and3A_30 : vector<16xi32>
        %mul3A_164 = arith.constant 16 : i32
        %mul3A_165 = arith.muli %mul3A_164, %scan3A_160 : i32
        %swap3A_166 = arith.constant 0 : i32
        %swap3A_167 = arith.index_cast %swap3A_166 : i32 to index
        %swap3A_168 = arith.index_cast %mul3A_165 : i32 to index
        %swap3A_169 = tpu.vector_load %arg12[%swap3A_167, %swap3A_168] {strides = array<i32>} : memref<3x512xi32, #tpu.memory_space<vmem>>, vector<16xi32>,
        tpu.vector_store %arg12[%swap3A_167, %swap3A_168], %add3A_163 {strides = array<i32>} : memref<3x512xi32, #tpu.memory_space<vmem>>, vector<16xi32>,
        %add3A_170 = arith.addi %add3A_158, %broadcast_in_dim3A_46 : vector<16xi32>
        %scan3A_171 = arith.constant 6 : i32
        %scan3A_172 = arith.addi %scan3A_101, %scan3A_171 : i32
        %gather3A_173 = tpu.vector_load_idx %arg17[%add3A_170] : memref<96xi32, #tpu.memory_space<vmem>>[vector<16xi32>], vector<16xi32>,
        %add3A_174 = arith.addi %gather3A_173, %gather3A_173 : vector<16xi32>
        %add3A_175 = arith.addi %add3A_174, %and3A_30 : vector<16xi32>
        %mul3A_176 = arith.constant 16 : i32
        %mul3A_177 = arith.muli %mul3A_176, %scan3A_172 : i32
        %swap3A_178 = arith.constant 0 : i32
        %swap3A_179 = arith.index_cast %swap3A_178 : i32 to index
        %swap3A_180 = arith.index_cast %mul3A_177 : i32 to index
        %swap3A_181 = tpu.vector_load %arg12[%swap3A_179, %swap3A_180] {strides = array<i32>} : memref<3x512xi32, #tpu.memory_space<vmem>>, vector<16xi32>,
        tpu.vector_store %arg12[%swap3A_179, %swap3A_180], %add3A_175 {strides = array<i32>} : memref<3x512xi32, #tpu.memory_space<vmem>>, vector<16xi32>,
        %add3A_182 = arith.addi %add3A_170, %broadcast_in_dim3A_46 : vector<16xi32>
        %scan3A_183 = arith.constant 7 : i32
        %scan3A_184 = arith.addi %scan3A_101, %scan3A_183 : i32
        %gather3A_185 = tpu.vector_load_idx %arg17[%add3A_182] : memref<96xi32, #tpu.memory_space<vmem>>[vector<16xi32>], vector<16xi32>,
        %add3A_186 = arith.addi %gather3A_185, %gather3A_185 : vector<16xi32>
        %add3A_187 = arith.addi %add3A_186, %and3A_30 : vector<16xi32>
        %mul3A_188 = arith.constant 16 : i32
        %mul3A_189 = arith.muli %mul3A_188, %scan3A_184 : i32
        %swap3A_190 = arith.constant 0 : i32
        %swap3A_191 = arith.index_cast %swap3A_190 : i32 to index
        %swap3A_192 = arith.index_cast %mul3A_189 : i32 to index
        %swap3A_193 = tpu.vector_load %arg12[%swap3A_191, %swap3A_192] {strides = array<i32>} : memref<3x512xi32, #tpu.memory_space<vmem>>, vector<16xi32>,
        tpu.vector_store %arg12[%swap3A_191, %swap3A_192], %add3A_187 {strides = array<i32>} : memref<3x512xi32, #tpu.memory_space<vmem>>, vector<16xi32>,
        %add3A_194 = arith.addi %add3A_182, %broadcast_in_dim3A_46 : vector<16xi32>
        scf.yield %add3A_194 : vector<16xi32>
      }
      %scan3A_77 = arith.constant 16 : i32
      %broadcast_in_dim3A_78 = arith.constant 32 : i32
      %broadcast_in_dim3A_79 = vector.broadcast %broadcast_in_dim3A_78 : i32 to vector<16xi32>
      %add3A_80 = arith.addi %broadcast_in_dim3A_70, %broadcast_in_dim3A_79 : vector<16xi32>
      %add3A_81 = arith.addi %add3A_80, %div3A_22 : vector<16xi32>
      %scan3A_82 = arith.constant 0 : i32
      %scan3A_83 = arith.constant 16 : i32
      %scan3A_84 = arith.addi %scan3A_82, %scan3A_83 : i32
      %scan3A_85 = arith.constant 8 : i32
      %scan3A_86 = scf.for %scan3A_101 = %scan3A_82 to %scan3A_84 step %scan3A_85 iter_args(%scan3A_102 = %add3A_81) -> (vector<16xi32>)  : i32 {
        %gather3A = tpu.vector_load_idx %arg17[%scan3A_102] : memref<96xi32, #tpu.memory_space<vmem>>[vector<16xi32>], vector<16xi32>,
        %add3A_103 = arith.addi %gather3A, %gather3A : vector<16xi32>
        %add3A_104 = arith.addi %add3A_103, %and3A_36 : vector<16xi32>
        %mul3A_105 = arith.constant 16 : i32
        %mul3A_106 = arith.muli %mul3A_105, %scan3A_101 : i32
        %swap3A = arith.constant 1 : i32
        %swap3A_107 = arith.index_cast %swap3A : i32 to index
        %swap3A_108 = arith.index_cast %mul3A_106 : i32 to index
        %swap3A_109 = tpu.vector_load %arg12[%swap3A_107, %swap3A_108] {strides = array<i32>} : memref<3x512xi32, #tpu.memory_space<vmem>>, vector<16xi32>,
        tpu.vector_store %arg12[%swap3A_107, %swap3A_108], %add3A_104 {strides = array<i32>} : memref<3x512xi32, #tpu.memory_space<vmem>>, vector<16xi32>,
        %add3A_110 = arith.addi %scan3A_102, %broadcast_in_dim3A_46 : vector<16xi32>
        %scan3A_111 = arith.constant 1 : i32
        %scan3A_112 = arith.addi %scan3A_101, %scan3A_111 : i32
        %gather3A_113 = tpu.vector_load_idx %arg17[%add3A_110] : memref<96xi32, #tpu.memory_space<vmem>>[vector<16xi32>], vector<16xi32>,
        %add3A_114 = arith.addi %gather3A_113, %gather3A_113 : vector<16xi32>
        %add3A_115 = arith.addi %add3A_114, %and3A_36 : vector<16xi32>
        %mul3A_116 = arith.constant 16 : i32
        %mul3A_117 = arith.muli %mul3A_116, %scan3A_112 : i32
        %swap3A_118 = arith.constant 1 : i32
        %swap3A_119 = arith.index_cast %swap3A_118 : i32 to index
        %swap3A_120 = arith.index_cast %mul3A_117 : i32 to index
        %swap3A_121 = tpu.vector_load %arg12[%swap3A_119, %swap3A_120] {strides = array<i32>} : memref<3x512xi32, #tpu.memory_space<vmem>>, vector<16xi32>,
        tpu.vector_store %arg12[%swap3A_119, %swap3A_120], %add3A_115 {strides = array<i32>} : memref<3x512xi32, #tpu.memory_space<vmem>>, vector<16xi32>,
        %add3A_122 = arith.addi %add3A_110, %broadcast_in_dim3A_46 : vector<16xi32>
        %scan3A_123 = arith.constant 2 : i32
        %scan3A_124 = arith.addi %scan3A_101, %scan3A_123 : i32
        %gather3A_125 = tpu.vector_load_idx %arg17[%add3A_122] : memref<96xi32, #tpu.memory_space<vmem>>[vector<16xi32>], vector<16xi32>,
        %add3A_126 = arith.addi %gather3A_125, %gather3A_125 : vector<16xi32>
        %add3A_127 = arith.addi %add3A_126, %and3A_36 : vector<16xi32>
        %mul3A_128 = arith.constant 16 : i32
        %mul3A_129 = arith.muli %mul3A_128, %scan3A_124 : i32
        %swap3A_130 = arith.constant 1 : i32
        %swap3A_131 = arith.index_cast %swap3A_130 : i32 to index
        %swap3A_132 = arith.index_cast %mul3A_129 : i32 to index
        %swap3A_133 = tpu.vector_load %arg12[%swap3A_131, %swap3A_132] {strides = array<i32>} : memref<3x512xi32, #tpu.memory_space<vmem>>, vector<16xi32>,
        tpu.vector_store %arg12[%swap3A_131, %swap3A_132], %add3A_127 {strides = array<i32>} : memref<3x512xi32, #tpu.memory_space<vmem>>, vector<16xi32>,
        %add3A_134 = arith.addi %add3A_122, %broadcast_in_dim3A_46 : vector<16xi32>
        %scan3A_135 = arith.constant 3 : i32
        %scan3A_136 = arith.addi %scan3A_101, %scan3A_135 : i32
        %gather3A_137 = tpu.vector_load_idx %arg17[%add3A_134] : memref<96xi32, #tpu.memory_space<vmem>>[vector<16xi32>], vector<16xi32>,
        %add3A_138 = arith.addi %gather3A_137, %gather3A_137 : vector<16xi32>
        %add3A_139 = arith.addi %add3A_138, %and3A_36 : vector<16xi32>
        %mul3A_140 = arith.constant 16 : i32
        %mul3A_141 = arith.muli %mul3A_140, %scan3A_136 : i32
        %swap3A_142 = arith.constant 1 : i32
        %swap3A_143 = arith.index_cast %swap3A_142 : i32 to index
        %swap3A_144 = arith.index_cast %mul3A_141 : i32 to index
        %swap3A_145 = tpu.vector_load %arg12[%swap3A_143, %swap3A_144] {strides = array<i32>} : memref<3x512xi32, #tpu.memory_space<vmem>>, vector<16xi32>,
        tpu.vector_store %arg12[%swap3A_143, %swap3A_144], %add3A_139 {strides = array<i32>} : memref<3x512xi32, #tpu.memory_space<vmem>>, vector<16xi32>,
        %add3A_146 = arith.addi %add3A_134, %broadcast_in_dim3A_46 : vector<16xi32>
        %scan3A_147 = arith.constant 4 : i32
        %scan3A_148 = arith.addi %scan3A_101, %scan3A_147 : i32
        %gather3A_149 = tpu.vector_load_idx %arg17[%add3A_146] : memref<96xi32, #tpu.memory_space<vmem>>[vector<16xi32>], vector<16xi32>,
        %add3A_150 = arith.addi %gather3A_149, %gather3A_149 : vector<16xi32>
        %add3A_151 = arith.addi %add3A_150, %and3A_36 : vector<16xi32>
        %mul3A_152 = arith.constant 16 : i32
        %mul3A_153 = arith.muli %mul3A_152, %scan3A_148 : i32
        %swap3A_154 = arith.constant 1 : i32
        %swap3A_155 = arith.index_cast %swap3A_154 : i32 to index
        %swap3A_156 = arith.index_cast %mul3A_153 : i32 to index
        %swap3A_157 = tpu.vector_load %arg12[%swap3A_155, %swap3A_156] {strides = array<i32>} : memref<3x512xi32, #tpu.memory_space<vmem>>, vector<16xi32>,
        tpu.vector_store %arg12[%swap3A_155, %swap3A_156], %add3A_151 {strides = array<i32>} : memref<3x512xi32, #tpu.memory_space<vmem>>, vector<16xi32>,
        %add3A_158 = arith.addi %add3A_146, %broadcast_in_dim3A_46 : vector<16xi32>
        %scan3A_159 = arith.constant 5 : i32
        %scan3A_160 = arith.addi %scan3A_101, %scan3A_159 : i32
        %gather3A_161 = tpu.vector_load_idx %arg17[%add3A_158] : memref<96xi32, #tpu.memory_space<vmem>>[vector<16xi32>], vector<16xi32>,
        %add3A_162 = arith.addi %gather3A_161, %gather3A_161 : vector<16xi32>
        %add3A_163 = arith.addi %add3A_162, %and3A_36 : vector<16xi32>
        %mul3A_164 = arith.constant 16 : i32
        %mul3A_165 = arith.muli %mul3A_164, %scan3A_160 : i32
        %swap3A_166 = arith.constant 1 : i32
        %swap3A_167 = arith.index_cast %swap3A_166 : i32 to index
        %swap3A_168 = arith.index_cast %mul3A_165 : i32 to index
        %swap3A_169 = tpu.vector_load %arg12[%swap3A_167, %swap3A_168] {strides = array<i32>} : memref<3x512xi32, #tpu.memory_space<vmem>>, vector<16xi32>,
        tpu.vector_store %arg12[%swap3A_167, %swap3A_168], %add3A_163 {strides = array<i32>} : memref<3x512xi32, #tpu.memory_space<vmem>>, vector<16xi32>,
        %add3A_170 = arith.addi %add3A_158, %broadcast_in_dim3A_46 : vector<16xi32>
        %scan3A_171 = arith.constant 6 : i32
        %scan3A_172 = arith.addi %scan3A_101, %scan3A_171 : i32
        %gather3A_173 = tpu.vector_load_idx %arg17[%add3A_170] : memref<96xi32, #tpu.memory_space<vmem>>[vector<16xi32>], vector<16xi32>,
        %add3A_174 = arith.addi %gather3A_173, %gather3A_173 : vector<16xi32>
        %add3A_175 = arith.addi %add3A_174, %and3A_36 : vector<16xi32>
        %mul3A_176 = arith.constant 16 : i32
        %mul3A_177 = arith.muli %mul3A_176, %scan3A_172 : i32
        %swap3A_178 = arith.constant 1 : i32
        %swap3A_179 = arith.index_cast %swap3A_178 : i32 to index
        %swap3A_180 = arith.index_cast %mul3A_177 : i32 to index
        %swap3A_181 = tpu.vector_load %arg12[%swap3A_179, %swap3A_180] {strides = array<i32>} : memref<3x512xi32, #tpu.memory_space<vmem>>, vector<16xi32>,
        tpu.vector_store %arg12[%swap3A_179, %swap3A_180], %add3A_175 {strides = array<i32>} : memref<3x512xi32, #tpu.memory_space<vmem>>, vector<16xi32>,
        %add3A_182 = arith.addi %add3A_170, %broadcast_in_dim3A_46 : vector<16xi32>
        %scan3A_183 = arith.constant 7 : i32
        %scan3A_184 = arith.addi %scan3A_101, %scan3A_183 : i32
        %gather3A_185 = tpu.vector_load_idx %arg17[%add3A_182] : memref<96xi32, #tpu.memory_space<vmem>>[vector<16xi32>], vector<16xi32>,
        %add3A_186 = arith.addi %gather3A_185, %gather3A_185 : vector<16xi32>
        %add3A_187 = arith.addi %add3A_186, %and3A_36 : vector<16xi32>
        %mul3A_188 = arith.constant 16 : i32
        %mul3A_189 = arith.muli %mul3A_188, %scan3A_184 : i32
        %swap3A_190 = arith.constant 1 : i32
        %swap3A_191 = arith.index_cast %swap3A_190 : i32 to index
        %swap3A_192 = arith.index_cast %mul3A_189 : i32 to index
        %swap3A_193 = tpu.vector_load %arg12[%swap3A_191, %swap3A_192] {strides = array<i32>} : memref<3x512xi32, #tpu.memory_space<vmem>>, vector<16xi32>,
        tpu.vector_store %arg12[%swap3A_191, %swap3A_192], %add3A_187 {strides = array<i32>} : memref<3x512xi32, #tpu.memory_space<vmem>>, vector<16xi32>,
        %add3A_194 = arith.addi %add3A_182, %broadcast_in_dim3A_46 : vector<16xi32>
        scf.yield %add3A_194 : vector<16xi32>
      }
      %scan3A_87 = arith.constant 16 : i32
      %broadcast_in_dim3A_88 = arith.constant 32 : i32
      %broadcast_in_dim3A_89 = vector.broadcast %broadcast_in_dim3A_88 : i32 to vector<16xi32>
      %add3A_90 = arith.addi %add3A_80, %broadcast_in_dim3A_89 : vector<16xi32>
      %add3A_91 = arith.addi %add3A_90, %div3A_22 : vector<16xi32>
      %scan3A_92 = arith.constant 0 : i32
      %scan3A_93 = arith.constant 16 : i32
      %scan3A_94 = arith.addi %scan3A_92, %scan3A_93 : i32
      %scan3A_95 = arith.constant 8 : i32
      %scan3A_96 = scf.for %scan3A_101 = %scan3A_92 to %scan3A_94 step %scan3A_95 iter_args(%scan3A_102 = %add3A_91) -> (vector<16xi32>)  : i32 {
        %gather3A = tpu.vector_load_idx %arg17[%scan3A_102] : memref<96xi32, #tpu.memory_space<vmem>>[vector<16xi32>], vector<16xi32>,
        %add3A_103 = arith.addi %gather3A, %gather3A : vector<16xi32>
        %add3A_104 = arith.addi %add3A_103, %and3A_42 : vector<16xi32>
        %mul3A_105 = arith.constant 16 : i32
        %mul3A_106 = arith.muli %mul3A_105, %scan3A_101 : i32
        %swap3A = arith.constant 2 : i32
        %swap3A_107 = arith.index_cast %swap3A : i32 to index
        %swap3A_108 = arith.index_cast %mul3A_106 : i32 to index
        %swap3A_109 = tpu.vector_load %arg12[%swap3A_107, %swap3A_108] {strides = array<i32>} : memref<3x512xi32, #tpu.memory_space<vmem>>, vector<16xi32>,
        tpu.vector_store %arg12[%swap3A_107, %swap3A_108], %add3A_104 {strides = array<i32>} : memref<3x512xi32, #tpu.memory_space<vmem>>, vector<16xi32>,
        %add3A_110 = arith.addi %scan3A_102, %broadcast_in_dim3A_46 : vector<16xi32>
        %scan3A_111 = arith.constant 1 : i32
        %scan3A_112 = arith.addi %scan3A_101, %scan3A_111 : i32
        %gather3A_113 = tpu.vector_load_idx %arg17[%add3A_110] : memref<96xi32, #tpu.memory_space<vmem>>[vector<16xi32>], vector<16xi32>,
        %add3A_114 = arith.addi %gather3A_113, %gather3A_113 : vector<16xi32>
        %add3A_115 = arith.addi %add3A_114, %and3A_42 : vector<16xi32>
        %mul3A_116 = arith.constant 16 : i32
        %mul3A_117 = arith.muli %mul3A_116, %scan3A_112 : i32
        %swap3A_118 = arith.constant 2 : i32
        %swap3A_119 = arith.index_cast %swap3A_118 : i32 to index
        %swap3A_120 = arith.index_cast %mul3A_117 : i32 to index
        %swap3A_121 = tpu.vector_load %arg12[%swap3A_119, %swap3A_120] {strides = array<i32>} : memref<3x512xi32, #tpu.memory_space<vmem>>, vector<16xi32>,
        tpu.vector_store %arg12[%swap3A_119, %swap3A_120], %add3A_115 {strides = array<i32>} : memref<3x512xi32, #tpu.memory_space<vmem>>, vector<16xi32>,
        %add3A_122 = arith.addi %add3A_110, %broadcast_in_dim3A_46 : vector<16xi32>
        %scan3A_123 = arith.constant 2 : i32
        %scan3A_124 = arith.addi %scan3A_101, %scan3A_123 : i32
        %gather3A_125 = tpu.vector_load_idx %arg17[%add3A_122] : memref<96xi32, #tpu.memory_space<vmem>>[vector<16xi32>], vector<16xi32>,
        %add3A_126 = arith.addi %gather3A_125, %gather3A_125 : vector<16xi32>
        %add3A_127 = arith.addi %add3A_126, %and3A_42 : vector<16xi32>
        %mul3A_128 = arith.constant 16 : i32
        %mul3A_129 = arith.muli %mul3A_128, %scan3A_124 : i32
        %swap3A_130 = arith.constant 2 : i32
        %swap3A_131 = arith.index_cast %swap3A_130 : i32 to index
        %swap3A_132 = arith.index_cast %mul3A_129 : i32 to index
        %swap3A_133 = tpu.vector_load %arg12[%swap3A_131, %swap3A_132] {strides = array<i32>} : memref<3x512xi32, #tpu.memory_space<vmem>>, vector<16xi32>,
        tpu.vector_store %arg12[%swap3A_131, %swap3A_132], %add3A_127 {strides = array<i32>} : memref<3x512xi32, #tpu.memory_space<vmem>>, vector<16xi32>,
        %add3A_134 = arith.addi %add3A_122, %broadcast_in_dim3A_46 : vector<16xi32>
        %scan3A_135 = arith.constant 3 : i32
        %scan3A_136 = arith.addi %scan3A_101, %scan3A_135 : i32
        %gather3A_137 = tpu.vector_load_idx %arg17[%add3A_134] : memref<96xi32, #tpu.memory_space<vmem>>[vector<16xi32>], vector<16xi32>,
        %add3A_138 = arith.addi %gather3A_137, %gather3A_137 : vector<16xi32>
        %add3A_139 = arith.addi %add3A_138, %and3A_42 : vector<16xi32>
        %mul3A_140 = arith.constant 16 : i32
        %mul3A_141 = arith.muli %mul3A_140, %scan3A_136 : i32
        %swap3A_142 = arith.constant 2 : i32
        %swap3A_143 = arith.index_cast %swap3A_142 : i32 to index
        %swap3A_144 = arith.index_cast %mul3A_141 : i32 to index
        %swap3A_145 = tpu.vector_load %arg12[%swap3A_143, %swap3A_144] {strides = array<i32>} : memref<3x512xi32, #tpu.memory_space<vmem>>, vector<16xi32>,
        tpu.vector_store %arg12[%swap3A_143, %swap3A_144], %add3A_139 {strides = array<i32>} : memref<3x512xi32, #tpu.memory_space<vmem>>, vector<16xi32>,
        %add3A_146 = arith.addi %add3A_134, %broadcast_in_dim3A_46 : vector<16xi32>
        %scan3A_147 = arith.constant 4 : i32
        %scan3A_148 = arith.addi %scan3A_101, %scan3A_147 : i32
        %gather3A_149 = tpu.vector_load_idx %arg17[%add3A_146] : memref<96xi32, #tpu.memory_space<vmem>>[vector<16xi32>], vector<16xi32>,
        %add3A_150 = arith.addi %gather3A_149, %gather3A_149 : vector<16xi32>
        %add3A_151 = arith.addi %add3A_150, %and3A_42 : vector<16xi32>
        %mul3A_152 = arith.constant 16 : i32
        %mul3A_153 = arith.muli %mul3A_152, %scan3A_148 : i32
        %swap3A_154 = arith.constant 2 : i32
        %swap3A_155 = arith.index_cast %swap3A_154 : i32 to index
        %swap3A_156 = arith.index_cast %mul3A_153 : i32 to index
        %swap3A_157 = tpu.vector_load %arg12[%swap3A_155, %swap3A_156] {strides = array<i32>} : memref<3x512xi32, #tpu.memory_space<vmem>>, vector<16xi32>,
        tpu.vector_store %arg12[%swap3A_155, %swap3A_156], %add3A_151 {strides = array<i32>} : memref<3x512xi32, #tpu.memory_space<vmem>>, vector<16xi32>,
        %add3A_158 = arith.addi %add3A_146, %broadcast_in_dim3A_46 : vector<16xi32>
        %scan3A_159 = arith.constant 5 : i32
        %scan3A_160 = arith.addi %scan3A_101, %scan3A_159 : i32
        %gather3A_161 = tpu.vector_load_idx %arg17[%add3A_158] : memref<96xi32, #tpu.memory_space<vmem>>[vector<16xi32>], vector<16xi32>,
        %add3A_162 = arith.addi %gather3A_161, %gather3A_161 : vector<16xi32>
        %add3A_163 = arith.addi %add3A_162, %and3A_42 : vector<16xi32>
        %mul3A_164 = arith.constant 16 : i32
        %mul3A_165 = arith.muli %mul3A_164, %scan3A_160 : i32
        %swap3A_166 = arith.constant 2 : i32
        %swap3A_167 = arith.index_cast %swap3A_166 : i32 to index
        %swap3A_168 = arith.index_cast %mul3A_165 : i32 to index
        %swap3A_169 = tpu.vector_load %arg12[%swap3A_167, %swap3A_168] {strides = array<i32>} : memref<3x512xi32, #tpu.memory_space<vmem>>, vector<16xi32>,
        tpu.vector_store %arg12[%swap3A_167, %swap3A_168], %add3A_163 {strides = array<i32>} : memref<3x512xi32, #tpu.memory_space<vmem>>, vector<16xi32>,
        %add3A_170 = arith.addi %add3A_158, %broadcast_in_dim3A_46 : vector<16xi32>
        %scan3A_171 = arith.constant 6 : i32
        %scan3A_172 = arith.addi %scan3A_101, %scan3A_171 : i32
        %gather3A_173 = tpu.vector_load_idx %arg17[%add3A_170] : memref<96xi32, #tpu.memory_space<vmem>>[vector<16xi32>], vector<16xi32>,
        %add3A_174 = arith.addi %gather3A_173, %gather3A_173 : vector<16xi32>
        %add3A_175 = arith.addi %add3A_174, %and3A_42 : vector<16xi32>
        %mul3A_176 = arith.constant 16 : i32
        %mul3A_177 = arith.muli %mul3A_176, %scan3A_172 : i32
        %swap3A_178 = arith.constant 2 : i32
        %swap3A_179 = arith.index_cast %swap3A_178 : i32 to index
        %swap3A_180 = arith.index_cast %mul3A_177 : i32 to index
        %swap3A_181 = tpu.vector_load %arg12[%swap3A_179, %swap3A_180] {strides = array<i32>} : memref<3x512xi32, #tpu.memory_space<vmem>>, vector<16xi32>,
        tpu.vector_store %arg12[%swap3A_179, %swap3A_180], %add3A_175 {strides = array<i32>} : memref<3x512xi32, #tpu.memory_space<vmem>>, vector<16xi32>,
        %add3A_182 = arith.addi %add3A_170, %broadcast_in_dim3A_46 : vector<16xi32>
        %scan3A_183 = arith.constant 7 : i32
        %scan3A_184 = arith.addi %scan3A_101, %scan3A_183 : i32
        %gather3A_185 = tpu.vector_load_idx %arg17[%add3A_182] : memref<96xi32, #tpu.memory_space<vmem>>[vector<16xi32>], vector<16xi32>,
        %add3A_186 = arith.addi %gather3A_185, %gather3A_185 : vector<16xi32>
        %add3A_187 = arith.addi %add3A_186, %and3A_42 : vector<16xi32>
        %mul3A_188 = arith.constant 16 : i32
        %mul3A_189 = arith.muli %mul3A_188, %scan3A_184 : i32
        %swap3A_190 = arith.constant 2 : i32
        %swap3A_191 = arith.index_cast %swap3A_190 : i32 to index
        %swap3A_192 = arith.index_cast %mul3A_189 : i32 to index
        %swap3A_193 = tpu.vector_load %arg12[%swap3A_191, %swap3A_192] {strides = array<i32>} : memref<3x512xi32, #tpu.memory_space<vmem>>, vector<16xi32>,
        tpu.vector_store %arg12[%swap3A_191, %swap3A_192], %add3A_187 {strides = array<i32>} : memref<3x512xi32, #tpu.memory_space<vmem>>, vector<16xi32>,
        %add3A_194 = arith.addi %add3A_182, %broadcast_in_dim3A_46 : vector<16xi32>
        scf.yield %add3A_194 : vector<16xi32>
      }
      %scan3A_97 = arith.constant 16 : i32
      %broadcast_in_dim3A_98 = arith.constant 32 : i32
      %broadcast_in_dim3A_99 = vector.broadcast %broadcast_in_dim3A_98 : i32 to vector<16xi32>
      %add3A_100 = arith.addi %add3A_90, %broadcast_in_dim3A_99 : vector<16xi32>
      "tpu.region"() ({
        %run_scoped3A = tpu.sem_alloc : memref<!tpu.dma_semaphore, #tpu.memory_space<semaphore_mem>>
        %dma_start3A = arith.constant 0 : i32
        %dma_start3A_101 = arith.constant 0 : i32
        %dma_start3A_102 = tpu.memref_slice %arg10[%dma_start3A, %dma_start3A_101] : memref<64x512xf32, #tpu.memory_space<vmem>> -> memref<64x256xf32, #tpu.memory_space<vmem>>
        %dma_start3A_103 = arith.constant 0 : i32
        %dma_start3A_104 = arith.constant 799744 : i32
        %dma_start3A_105 = tpu.memref_slice %arg7[%dma_start3A_103, %dma_start3A_104] : memref<64x800000xf32, #tpu.memory_space<hbm>> -> memref<64x256xf32, #tpu.memory_space<hbm>>
        %dma_start3A_106 = arith.constant 0 : i32
        %dma_start3A_107 = arith.constant 799744 : i32
        %dma_start3A_108 = tpu.memref_slice %arg7[%dma_start3A_106, %dma_start3A_107] : memref<64x800000xf32, #tpu.memory_space<hbm>> -> memref<64x256xf32, #tpu.memory_space<hbm>>
        %dma_start3A_109 = arith.constant 0 : i32
        %dma_start3A_110 = arith.constant 0 : i32
        %dma_start3A_111 = tpu.memref_slice %arg10[%dma_start3A_109, %dma_start3A_110] : memref<64x512xf32, #tpu.memory_space<vmem>> -> memref<64x256xf32, #tpu.memory_space<vmem>>
        tpu.enqueue_dma source(%dma_start3A_111 : memref<64x256xf32, #tpu.memory_space<vmem>>) target(%dma_start3A_108 : memref<64x256xf32, #tpu.memory_space<hbm>>) target_semaphore(%run_scoped3A : memref<!tpu.dma_semaphore, #tpu.memory_space<semaphore_mem>>)
        %dma_wait3A = arith.constant 0 : i32
        %dma_wait3A_112 = arith.constant 0 : i32
        %dma_wait3A_113 = tpu.memref_slice %arg10[%dma_wait3A, %dma_wait3A_112] : memref<64x512xf32, #tpu.memory_space<vmem>> -> memref<64x256xf32, #tpu.memory_space<vmem>>
        %dma_wait3A_114 = arith.constant 0 : i32
        %dma_wait3A_115 = arith.constant 799744 : i32
        %dma_wait3A_116 = tpu.memref_slice %arg7[%dma_wait3A_114, %dma_wait3A_115] : memref<64x800000xf32, #tpu.memory_space<hbm>> -> memref<64x256xf32, #tpu.memory_space<hbm>>
        %dma_wait3A_117 = arith.constant 0 : i32
        %dma_wait3A_118 = arith.constant 799744 : i32
        %dma_wait3A_119 = tpu.memref_slice %arg7[%dma_wait3A_117, %dma_wait3A_118] : memref<64x800000xf32, #tpu.memory_space<hbm>> -> memref<64x256xf32, #tpu.memory_space<hbm>>
        %dma_wait3A_120 = arith.constant 0 : i32
        %dma_wait3A_121 = arith.constant 0 : i32
        %dma_wait3A_122 = tpu.memref_slice %arg10[%dma_wait3A_120, %dma_wait3A_121] : memref<64x512xf32, #tpu.memory_space<vmem>> -> memref<64x256xf32, #tpu.memory_space<vmem>>
        tpu.wait_dma2 semaphore(%run_scoped3A : memref<!tpu.dma_semaphore, #tpu.memory_space<semaphore_mem>>) src(%dma_wait3A_122 : memref<64x256xf32, #tpu.memory_space<vmem>>) dst(%dma_wait3A_119 : memref<64x256xf32, #tpu.memory_space<hbm>>)
        tpu.yield
      }) : () -> ()
      "tpu.region"() ({
        %run_scoped3A = tpu.sem_alloc : memref<!tpu.dma_semaphore, #tpu.memory_space<semaphore_mem>>
        %dma_start3A = arith.constant 0 : i32
        %dma_start3A_101 = arith.constant 0 : i32
        %dma_start3A_102 = tpu.memref_slice %arg12[%dma_start3A, %dma_start3A_101] : memref<3x512xi32, #tpu.memory_space<vmem>> -> memref<3x256xi32, #tpu.memory_space<vmem>>
        %dma_start3A_103 = arith.constant 0 : i32
        %dma_start3A_104 = arith.constant 799744 : i32
        %dma_start3A_105 = tpu.memref_slice %arg6[%dma_start3A_103, %dma_start3A_104] : memref<3x800000xi32, #tpu.memory_space<hbm>> -> memref<3x256xi32, #tpu.memory_space<hbm>>
        %dma_start3A_106 = arith.constant 0 : i32
        %dma_start3A_107 = arith.constant 799744 : i32
        %dma_start3A_108 = tpu.memref_slice %arg6[%dma_start3A_106, %dma_start3A_107] : memref<3x800000xi32, #tpu.memory_space<hbm>> -> memref<3x256xi32, #tpu.memory_space<hbm>>
        %dma_start3A_109 = arith.constant 0 : i32
        %dma_start3A_110 = arith.constant 0 : i32
        %dma_start3A_111 = tpu.memref_slice %arg12[%dma_start3A_109, %dma_start3A_110] : memref<3x512xi32, #tpu.memory_space<vmem>> -> memref<3x256xi32, #tpu.memory_space<vmem>>
        tpu.enqueue_dma source(%dma_start3A_111 : memref<3x256xi32, #tpu.memory_space<vmem>>) target(%dma_start3A_108 : memref<3x256xi32, #tpu.memory_space<hbm>>) target_semaphore(%run_scoped3A : memref<!tpu.dma_semaphore, #tpu.memory_space<semaphore_mem>>)
        %dma_wait3A = arith.constant 0 : i32
        %dma_wait3A_112 = arith.constant 0 : i32
        %dma_wait3A_113 = tpu.memref_slice %arg12[%dma_wait3A, %dma_wait3A_112] : memref<3x512xi32, #tpu.memory_space<vmem>> -> memref<3x256xi32, #tpu.memory_space<vmem>>
        %dma_wait3A_114 = arith.constant 0 : i32
        %dma_wait3A_115 = arith.constant 799744 : i32
        %dma_wait3A_116 = tpu.memref_slice %arg6[%dma_wait3A_114, %dma_wait3A_115] : memref<3x800000xi32, #tpu.memory_space<hbm>> -> memref<3x256xi32, #tpu.memory_space<hbm>>
        %dma_wait3A_117 = arith.constant 0 : i32
        %dma_wait3A_118 = arith.constant 799744 : i32
        %dma_wait3A_119 = tpu.memref_slice %arg6[%dma_wait3A_117, %dma_wait3A_118] : memref<3x800000xi32, #tpu.memory_space<hbm>> -> memref<3x256xi32, #tpu.memory_space<hbm>>
        %dma_wait3A_120 = arith.constant 0 : i32
        %dma_wait3A_121 = arith.constant 0 : i32
        %dma_wait3A_122 = tpu.memref_slice %arg12[%dma_wait3A_120, %dma_wait3A_121] : memref<3x512xi32, #tpu.memory_space<vmem>> -> memref<3x256xi32, #tpu.memory_space<vmem>>
        tpu.wait_dma2 semaphore(%run_scoped3A : memref<!tpu.dma_semaphore, #tpu.memory_space<semaphore_mem>>) src(%dma_wait3A_122 : memref<3x256xi32, #tpu.memory_space<vmem>>) dst(%dma_wait3A_119 : memref<3x256xi32, #tpu.memory_space<hbm>>)
        tpu.yield
      }) : () -> ()
    } else {
    }
    return
  }
}

</mosaic_0001>

<sc_bundles>
// kernel: kernel.3.cloned.1.call-start
scs
__scs_entry_jumppad:
0x0: {  	(pc) =	sbr.rel $0x88, $3  }
0x1: {  	(tag) =	ssettag $0x0;
	lr =	simm.s32 $0x1  }
0x2: {  	[smem:$0x3F9F] =	sst lr;
	_ =	strace $0xD0000000  }
0x3: {  	_ = 	snop  }
0x4: {  	_ = 	snop  }
0x5: {  	_ = 	snop  }
0x6: {  	_ = 	snop  }
0x7: {  	_ = 	snop  }
__scs_overlays_trampoline_lowered:
0x8: {  	[smem:$0x3FAE] =	sst s0  }
0x9: {  	[smem:$0x3FAF] =	sst s1  }
0xa: {  	[smem:$0x3FB0] =	sst s2  }
0xb: {  	[smem:$0x3FB1] =	sst s3  }
0xc: {  	[smem:$0x3FB2] =	sst s4  }
0xd: {  	[smem:$0x3FB3] =	sst s5  }
0xe: {  	[smem:$0x3FB4] =	sst s6  }
0xf: {  	[smem:$0x3FB5] =	sst s7  }
0x10: {  	[smem:$0x3FB6] =	sst s8  }
0x11: {  	[smem:$0x3FB7] =	sst s9;
	s0 =	simm.s32 @!p0 $0x0  }
0x12: {  	s1 =	sld [smem:$0x3F9D];
	s0 =	simm.s32 @p0 $0x1  }
0x13: {  	[smem:$0x3FB8] =	sst s0;
	s0 =	simm.s32 @!p1 $0x0  }
0x14: {  	s2 =	sld [smem:$0x3F9C];
	s0 =	simm.s32 @p1 $0x1  }
0x15: {  	[smem:$0x3FB9] =	sst s0;
	s0 =	simm.s32 @!p2 $0x0  }
0x16: {  	s3 =	sld [smem:$0x3FDB];
	s0 =	simm.s32 @p2 $0x1  }
0x17: {  	s4 =	simm.s32 $0x1BF5;
	[smem:$0x3FBB] =	sst s0  }
0x18: {  	s0 =	sld [smem:$0x3F9E];
	_ =	swait.ge [sflag:s4], $0x0  }
0x19: {  	s7 =	sld [smem:$0x3F9F]  }
0x1a: {  	s8 =	sadd.s32 $0xFFFFE003, lr  }
0x1b: {  	s9 =	sadd.s32 $0xFFFFFEF7, lr;
	s5 =	simm.s32 $0xFFFFFFFF;
	p2 =	slt.u32 s8, $0xFFFFF086  }
0x1c: {  	p1 =	slt.u32 s9, $0xF7A;
	s5 =	simm.s32 @!p2 $0x0  }
0x1d: {  	s5 =	simm.s32 @p1 $0x1;
	p0 =	seq.s32 s7, s2  }
0x1e: {  	s7 =	smul.u32 @!p0 $0xF7A, s2;
	p2 =	seq.s32 @!p0 s5, $0x0  }
0x1f: {  	s9 =	smul.u32 $0xF7A, s1;
	s8 =	simm.s32 @!p0 $0x1BF5;
	p2 =	por !p2, p0  }
0x20: {  	[sflag:s8] =	ssyncset.s32 @!p0 $0xFFFFF086;
	s6 =	sadd.s32 @!p0 s3, s7;
	s7 =	simm.s32 @!p0 $0x108  }
0x21: {  	s3 =	sadd.s32 s3, s9;
	s6 =	sadd.s32 @!p0 $0x88, s6;
	s7 =	simm.s32 @p2 $0x1082  }
0x22: {  	[simem:s7], [sflag:s8] =	dma.local @!p0 [hbm:s6], $0xF7A  }
0x23: {  	s9 =	sor.u32 $0xD0000000, s2;
	s6 =	simm.s32 $0x108;
	_ =	swait.ge @!p0 [sflag:s8], $0x0  }
0x24: {  	s3 =	sadd.s32 $0x88, s3;
	s6 =	simm.s32 @!p1 $0x1082;
	[sflag:s4] =	ssyncset.s32 $0xFFFFF086  }
0x25: {  	[simem:s6], [sflag:s4] =	dma.local [hbm:s3], $0xF7A  }
0x26: {  	[smem:$0x3F9F] =	sst s1;
	(tag) =	ssettag s2;
	_ =	strace s9  }
0x27: {  	s1 =	sld [smem:$0x3FAF]  }
0x28: {  	s2 =	sld [smem:$0x3FB0]  }
0x29: {  	s4 =	sld [smem:$0x3FB2]  }
0x2a: {  	p0 =	seq.s32 s5, $0x0;
	s5 =	sld [smem:$0x3FB3]  }
0x2b: {  	s6 =	sld [smem:$0x3FB4]  }
0x2c: {  	s7 =	sld [smem:$0x3FB5]  }
0x2d: {  	s3 =	simm.s32 $0x108;
	s8 =	sld [smem:$0x3FB6]  }
0x2e: {  	s3 =	simm.s32 @!p0 $0x1082;
	s9 =	sld [smem:$0x3FB7]  }
0x2f: {  	lr =	sadd.s32 s0, s3;
	s0 =	sld [smem:$0x3FAE]  }
0x30: {  	s3 =	sld [smem:$0x3FB1]  }
0x31: {  	[smem:$0x3FBA] =	sst s10  }
0x32: {  	s10 =	sld [smem:$0x3FB8];
	_ =	sdelay $0x3  }
0x33: {  	p0 =	seq.s32 s10, $0x1;
	s10 =	sld [smem:$0x3FBA];
	_ =	sdelay $0x3  }
0x34: {  	[smem:$0x3FBA] =	sst s10  }
0x35: {  	s10 =	sld [smem:$0x3FB9];
	_ =	sdelay $0x3  }
0x36: {  	p1 =	seq.s32 s10, $0x1;
	s10 =	sld [smem:$0x3FBA];
	_ =	sdelay $0x3  }
0x37: {  	[smem:$0x3FBA] =	sst s10  }
0x38: {  	s10 =	sld [smem:$0x3FBB]  }
0x39: {  	_ = 	snop;
	(pc) =	sbr.ind lr, $3  }
0x3a: {  	_ = 	snop  }
0x3b: {  	_ = 	snop  }
0x3c: {  	p2 =	seq.s32 s10, $0x1;
	s10 =	sld [smem:$0x3FBA]  }
0x3d: {  	_ =	shalt  }
0x3e: {  	_ =	shalt  }
0x3f: {  	_ =	shalt  }
0x40: {  	_ =	shalt  }
0x41: {  	_ =	shalt  }
0x42: {  	_ =	shalt  }
0x43: {  	_ =	shalt  }
0x44: {  	_ =	shalt  }
0x45: {  	_ =	shalt  }
0x46: {  	_ =	shalt  }
0x47: {  	_ =	shalt  }
0x48: {  	_ =	shalt  }
0x49: {  	_ =	shalt  }
0x4a: {  	_ =	shalt  }
0x4b: {  	_ =	shalt  }
0x4c: {  	_ =	shalt  }
0x4d: {  	_ =	shalt  }
0x4e: {  	_ =	shalt  }
0x4f: {  	_ =	shalt  }
0x50: {  	_ =	shalt  }
0x51: {  	_ =	shalt  }
0x52: {  	_ =	shalt  }
0x53: {  	_ =	shalt  }
0x54: {  	_ =	shalt  }
0x55: {  	_ =	shalt  }
0x56: {  	_ =	shalt  }
0x57: {  	_ =	shalt  }
0x58: {  	_ =	shalt  }
0x59: {  	_ =	shalt  }
0x5a: {  	_ =	shalt  }
0x5b: {  	_ =	shalt  }
0x5c: {  	_ =	shalt  }
0x5d: {  	_ =	shalt  }
0x5e: {  	_ =	shalt  }
0x5f: {  	_ =	shalt  }
0x60: {  	_ =	shalt  }
0x61: {  	_ =	shalt  }
0x62: {  	_ =	shalt  }
0x63: {  	_ =	shalt  }
0x64: {  	_ =	shalt  }
0x65: {  	_ =	shalt  }
0x66: {  	_ =	shalt  }
0x67: {  	_ =	shalt  }
0x68: {  	_ =	shalt  }
0x69: {  	_ =	shalt  }
0x6a: {  	_ =	shalt  }
0x6b: {  	_ =	shalt  }
0x6c: {  	_ =	shalt  }
0x6d: {  	_ =	shalt  }
0x6e: {  	_ =	shalt  }
0x6f: {  	_ =	shalt  }
0x70: {  	_ =	shalt  }
0x71: {  	_ =	shalt  }
0x72: {  	_ =	shalt  }
0x73: {  	_ =	shalt  }
0x74: {  	_ =	shalt  }
0x75: {  	_ =	shalt  }
0x76: {  	_ =	shalt  }
0x77: {  	_ =	shalt  }
0x78: {  	_ =	shalt  }
0x79: {  	_ =	shalt  }
0x7a: {  	_ =	shalt  }
0x7b: {  	_ =	shalt  }
0x7c: {  	_ =	shalt  }
0x7d: {  	_ =	shalt  }
0x7e: {  	_ =	shalt  }
0x7f: {  	_ =	shalt  }
0x80: {  	_ =	shalt  }
0x81: {  	_ =	shalt  }
0x82: {  	_ =	shalt  }
0x83: {  	_ =	shalt  }
0x84: {  	_ =	shalt  }
0x85: {  	_ =	shalt  }
0x86: {  	_ =	shalt  }
0x87: {  	_ =	shalt  }
.Lfunc_end0:
.L_simem_size_0:
called_computation_lowered:
.L_overlay_start_0:
0x88: {  	s2 =	sld [smem:$0x3FD9]  }
0x89: {  	s3 =	sld [smem:$0x3FFE];
	_ =	sdelay $0x1  }
0x8a: {  	s1 =	srdreg.scid  }
0x8b: {  	s0 =	sand.u32 $0x1, s1  }
0x8c: {  	s14 =	sshll.u32 s0, $0xA;
	s2 =	sadd.s32 s3, s2  }
0x8d: {  	s2 =	sadd.s32 s2, s14  }
0x8e: {  	[smem:$0x3FC6] =	sst s2  }
0x8f: {  	_ = 	snop  }
0x90: {  	s2 =	sld [smem:$0x3FD0];
	_ =	sdelay $0x1  }
0x91: {  	s15 =	sld [smem:$0x3FC9]  }
0x92: {  	s5 =	simm.s32 $0xA;
	s6 =	simm.s32 $0x10;
	s4 =	sld [smem:$0x3FC8]  }
0x93: {  	[smem:s6], [sflag:s5] =	dma.local [hbm:s2], $0x1  }
0x94: {  	_ =	swait.eq [sflag:s5], $0x1  }
0x95: {  	[sflag:s5] =	ssyncset.done $0x0  }
0x96: {  	s16 =	sld [smem:$0x10];
	[sflag:s5] =	ssyncadd.s32 $0xFFFFFFFF  }
0x97: {  	s17 =	sld [smem:$0x11];
	(tm) =	ssettm $0x1  }
0x98: {  	s18 =	sld [smem:$0x3FFB];
	_ =	sdelay $0x3  }
0x99: {  	_ =	strace s18  }
0x9a: {  	s6 =	sld [smem:$0x3FFC];
	_ =	sdelay $0x3  }
0x9b: {  	_ =	strace s6  }
0x9c: {  	s6 =	sld [smem:$0x3FFD];
	_ =	sdelay $0x3  }
0x9d: {  	_ =	strace s6  }
0x9e: {  	_ =	strace $0x8FFFFFFF  }
0x9f: {  	s19 =	sld [smem:$0x3FDB];
	_ =	sdelay $0x1  }
0xa0: {  	s7 =	simm.s32 $_scs_section_size  }
0xa1: {  	s8 =	simm.s32 $_size__tile_overlayer_lowered;
	s9 =	simm.s32 $_tile_overlayer_lowered  }
0xa2: {  	s22 =	simm.s32 $0x1BFF;
	s21 =	sshll.u32 s9, $0x1;
	s6 =	sadd.s32 s7, s19  }
0xa3: {  	s10 =	simm.s32 $0x0;
	s20 =	sshll.u32 s8, $0x1;
	s8 =	sadd.s32 s21, s6  }
0xa4: {  	[timem:s10], [sflag:s22] =	dma.local [hbm:s8], s20  }
0xa5: {  	_ =	swait.ge [sflag:s22], s20  }
0xa6: {  	s7 =	ssub.s32 $0x0, s20;
	[sflag:s22] =	ssyncset.done $0x0  }
0xa7: {  	[sflag:s22] =	ssyncadd.s32 s7;
	_ =	sdelay $0x1  }
0xa8: {  	s23 =	simm.s32 $0x1B8B  }
0xa9: {  	_ =	swait.ge [sflag:s23], $0x1  }
0xaa: {  	[sflag:s23] =	ssyncset.done $0x0  }
0xab: {  	s25 =	simm.s32 $0x1B8E;
	s24 =	sld [smem:$0x3FFE];
	[sflag:s23] =	ssyncadd.s32 $0xFFFFFFFF  }
0xac: {  	s26 =	simm.s32 $execute0_lowered;
	[smem:$0x3FD2] =	sst s25  }
0xad: {  	s8 =	sshll.u32 s26, $0x1;
	_ =	strace $0x80000046;
	[dreg:$0x1] =	wrdreg $0xFFFFFFFF  }
0xae: {  	s28 =	simm.s32 $_size_execute0_lowered;
	s6 =	sadd.s32 s6, s8;
	[dreg:$0x0] =	wrdreg $0x0  }
0xaf: {  	s8 =	sshll.u32 s28, $0x1;
	[dreg:$0x2] =	wrdreg s6  }
0xb0: {  	[dreg:$0x3] =	wrdreg s8  }
0xb1: {  	[dreg:$0x4] =	wrdreg $0xC0  }
0xb2: {  	_ =	task [dreg:s10], $0x5FFFF  }
0xb3: {  	[dreg:$0x1] =	wrdreg $0xFFFFFFFF  }
0xb4: {  	[dreg:$0x0] =	wrdreg $0x60  }
0xb5: {  	[dreg:$0x2] =	wrdreg s15  }
0xb6: {  	[dreg:$0x3] =	wrdreg s4  }
0xb7: {  	[dreg:$0x4] =	wrdreg s24  }
0xb8: {  	[dreg:$0x5] =	wrdreg s16  }
0xb9: {  	[dreg:$0x6] =	wrdreg s17  }
0xba: {  	[dreg:$0x7] =	wrdreg $0x9  }
0xbb: {  	_ =	task.clear_ibuf [dreg:s10], $0x8FFFF;
	_ =	strace $0x90000046  }
0xbc: {  	s29 =	simm.s32 $0x9;
	_ =	strace $0x80000048  }
0xbd: {  	_ =	swait.ge [sflag:s29], $0x1  }
0xbe: {  	[sflag:s29] =	ssyncadd.s32 $0xFFFFFFFF  }
0xbf: {  	_ =	strace $0x90000048  }
0xc0: {  	_ =	sfence  }
0xc1: {  	s30 =	sld [smem:$0x0];
	_ =	sdelay $0x2  }
0xc2: {  	s31 =	sshll.u32 s1, $0xD;
	s1 =	sshrl.u32 s1, $0x2  }
0xc3: {  	s3 =	sand.u32 $0x4000, s31;
	s1 =	sadd.s32 s1, s30  }
0xc4: {  	s0 =	sor.u32 s3, s0;
	s1 =	sshll.u32 s1, $0x11  }
0xc5: {  	s0 =	sor.u32 s1, s0  }
0xc6: {  	s0 =	sadd.s32 $0x8F2B, s0  }
0xc7: {  	[sflag:s0] =	ssyncadd.remote.s32 $0x1  }
0xc8: {  	_ =	sfence.sel $0xFFFF  }
0xc9: {  	[dreg:$0x0] =	wrdreg $0xFFFFFFFF;
	(pc) =	sbr.abs _section_cstart, $3  }
0xca: {  	[dreg:$0x1] =	wrdreg $0xFFFFFFFF  }
0xcb: {  	_ =	task.clear_ibuf [dreg:s10], $0x2FFFF;
	_ =	strace $0x9FFFFFFF  }
0xcc: {  	(tm) =	ssettm $0x7FFFFFFF  }
0xcd: {  	_ =	shalt  }
tec
execute0_lowered:
.L_overlay_start_1:
0x0: {  	(tag) =	ssettag $0x1  }
0x1: {  	s1 =	rddreg [dreg:$0x0]  }
0x2: {  	s2 =	rddreg [dreg:$0x1]  }
0x3: {  	s0 =	rddreg [dreg:$0x2]  }
0x4: {  	s3 =	rddreg [dreg:$0x3]  }
0x5: {  	s4 =	rddreg [dreg:$0x4];
	s5 =	simm.s32 $0x0;
	s6 =	srdreg.scid  }
0x6: {  	s8 =	stileid.u32;
	s14 =	simm.s32 $0x400;
	s15 =	simm.s32 $0xC3800  }
0x7: {  	s16 =	simm.s32 $0x3;
	s17 =	simm.s32 $0x200;
	s18 =	simm.s32 $0x61C00  }
0x8: {  	v0 =	vlaneseq.u32;
	v1 =	vimm.s32 $0x11010010;
	s19 =	simm.s32 $0x2000;
	s20 =	simm.s32 $0x1000;
	s21 =	simm.s32 $0x61A800  }
0x9: {  	v2 =	vimm.s32 $0x10110100;
	v3 =	vimm.s32 $0x11101000;
	s22 =	simm.s32 $0x2200;
	s28 =	simm.s32 $0x2;
	s29 =	simm.s32 $0x13200;
	v1 =	vunpack.c.l.s4.s8 v1  }
0xa: {  	s30 =	simm.s32 $0x13A00;
	[smem:$0x7FF] =	sst s5;
	s6 =	sand.u32 $0x1, s6;
	v2 =	vunpack.c.l.s4.s8 v2;
	v3 =	vunpack.c.l.s4.s8 v3;
	v0 =	vshrl.u32 v0, $0x3  }
0xb: {  	s7 =	sadd.s32 $0xA00, s0;
	s0 =	sadd.s32 $0x800, s0;
	s8 =	sshll.u32 s8, $0x1;
	v4 =	vor.u32 $0x40, v0;
	v5 =	vor.u32 $0x2, v0;
	v6 =	vor.u32 $0x4, v0  }
0xc: {  	s25 =	sadd.s32 $0xC3400, s4;
	_ =	strace $0x80000047;
	[dreg:$0x6] =	wrdreg s7;
	v7 =	vor.u32 $0x6, v0;
	v8 =	vor.u32 $0x8, v0;
	v9 =	vor.u32 $0xA, v0  }
0xd: {  	s26 =	sadd.s32 $0x61A00, s3;
	s23 =	ssub.s32 $0x2, s6;
	[dreg:$0x7] =	wrdreg s0;
	v10 =	vor.u32 $0xC, v0;
	v11 =	vor.u32 $0xE, v0;
	v12 =	vor.u32 $0x10, v0  }
.Ltmp0:
0xe: {  	s9 =	sor.u32 s6, s8;
	[dreg:$0x8] =	wrdreg s25;
	v13 =	vor.u32 $0x12, v0;
	v14 =	vor.u32 $0x14, v0;
	v15 =	vor.u32 $0x16, v0;
	(pc) =	sbr.rel .LBB2_1-.Ltmp0, $4  }
0xf: {  	[dreg:$0x9] =	wrdreg s26;
	s25 =	simm.s32 $0x12A00;
	v16 =	vor.u32 $0x18, v0;
	v17 =	vor.u32 $0x1A, v0;
	v18 =	vor.u32 $0x1C, v0;
	s24 =	sshrl.u32 s23, $0x1  }
0x10: {  	v19 =	vor.u32 $0x1E, v0;
	v20 =	vor.u32 $0x20, v0;
	v22 =	vor.u32 $0x24, v0;
	s31 =	ssub.s32 $0x30C, s9;
	p0 =	sne.s32 s9, $0x0;
	s0 =	ssub.s32 s23, s24  }
0x11: {  	v23 =	vor.u32 $0x26, v0;
	v24 =	vor.u32 $0x28, v0;
	[tilespmem:$0x1FFE0] =	vst v20;
	v20 =	vor.u32 $0x22, v0;
	s12 =	sshrl.u32 s31, $0x5;
	s23 =	simm.s32 $0x12200;
	s0 =	smax.u32 s0, $0x1  }
0x12: {  	v1 =	vunpack.c.0.s8.s32 v1;
	v2 =	vunpack.c.0.s8.s32 v2;
	v3 =	vunpack.c.0.s8.s32 v3;
	s24 =	simm.s32 $0xA200;
	[tilespmem:$0x1FFF0] =	vst v20;
	[dreg:$0xa] =	wrdreg s0;
	s0 =	simm.s32 $0x0  }
.LBB2_35:
0x13: {  	s6 =	simm.s32 $0x1  }
0x14: {  	_ =	swait.ge [sflag:s6], $0x8000  }
0x15: {  	[sflag:s6] =	ssyncset.done $0x0  }
0x16: {  	[sflag:s6] =	ssyncadd.s32 $0xFFFF8000  }
0x17: {  	_ =	swait.ge [sflag:s28], $0x800  }
0x18: {  	[sflag:s28] =	ssyncset.done $0x0  }
0x19: {  	[sflag:s28] =	ssyncadd.s32 $0xFFFFF800  }
0x1a: {  	_ =	swait.ge [sflag:s6], $0x8000  }
.Ltmp1:
0x1b: {  	[sflag:s6] =	ssyncset.done $0x0;
	(pc) =	sbr.rel @!p0 .LBB2_36-.Ltmp1, $4  }
0x1c: {  	[sflag:s6] =	ssyncadd.s32 $0xFFFF8000  }
0x1d: {  	_ =	swait.ge [sflag:s28], $0x800  }
0x1e: {  	[sflag:s28] =	ssyncset.done $0x0  }
0x1f: {  	[sflag:s28] =	ssyncadd.s32 $0xFFFFF800  }
.LBB2_39:
0x20: {  	s0 =	sadd.s32 $0x1, s0;
	s6 =	rddreg [dreg:$0xa]  }
0x21: {  	p1 =	sne.s32 s0, s6  }
.Ltmp2:
0x22: {  	_ = 	snop;
	(pc) =	sbr.rel @!p1 .LBB2_40-.Ltmp2, $1  }
0x23: {  	_ =	sdelay $0x3  }
.LBB2_1:
0x24: {  	s6 =	simm.s32 $0x0  }
.LBB2_2:
0x25: {  	s7 =	sshll.u32 s6, $0x5  }
0x26: {  	s31 =	sor.u32 s9, s7  }
0x27: {  	s7 =	sshll.u32 s31, $0x7  }
0x28: {  	s7 =	sand.u32 $0x1FFFFF80, s7  }
0x29: {  	s7 =	sadd.s32 s2, s7  }
0x2a: {  	[tilespmem:s5], [sflag:$0x3] =	stream.strided.gather [hbm4b:s7+s14], $0x2000, s15, s14, $0x38;
	[tilespmem:$0x13A80] =	vst v63  }
0x2b: {  	s26 =	sshll.u32 s31, $0x6;
	_ =	swait.ge [sflag:s16], $0x2000  }
0x2c: {  	s7 =	sand.u32 $0x1FFFFFC0, s26;
	[sflag:s16] =	ssyncset.done $0x0  }
0x2d: {  	s7 =	sadd.s32 s1, s7;
	[sflag:s16] =	ssyncadd.s32 $0xFFFFE000  }
0x2e: {  	[tilespmem:s19], [sflag:$0x3] =	stream.strided.gather [hbm4b:s7+s17], $0x0, s18, s17, $0x38;
	[tilespmem:$0x13A80] =	vst v63  }
0x2f: {  	_ = 	snop  }
0x30: {  	[tilespmem:s19], [sflag:$0x3] =	stream.linear.gather [hbm4b:s7+s5], $0x180, $0x38;
	[tilespmem:$0x13A80] =	vst v63  }
0x31: {  	_ =	swait.ge [sflag:s16], $0x180  }
0x32: {  	p1 =	seq.s32 s6, $0x0;
	[sflag:s16] =	ssyncset.done $0x0  }
0x33: {  	s7 =	simm.s32 @!p1 $0x1;
	[sflag:s16] =	ssyncadd.s32 $0xFFFFFE80  }
0x34: {  	_ =	swait.ge @!p1 [sflag:s7], $0x8000  }
0x35: {  	[sflag:s7] =	ssyncset.done @!p1 $0x0  }
0x36: {  	[sflag:s7] =	ssyncadd.s32 @!p1 $0xFFFF8000;
	s7 =	simm.s32 @!p1 $0x2  }
0x37: {  	_ =	swait.ge @!p1 [sflag:s7], $0x800  }
0x38: {  	s8 =	simm.s32 $0x0;
	[sflag:s7] =	ssyncset.done @!p1 $0x0  }
0x39: {  	v26 =	vimm.s32 $0x0;
	s11 =	simm.s32 $0x0;
	[sflag:s7] =	ssyncadd.s32 @!p1 $0xFFFFF800;
	s7 =	simm.s32 $0x0  }
.LBB2_3:
0x3a: {  	v40 =	vshll.u32 v26, $0x7;
	v27 =	vadd.s32 $0x2, v0;
	v28 =	vadd.s32 $0x4, v0  }
0x3b: {  	v32 =	vadd.s32 $0xE, v0;
	v29 =	vadd.s32 $0x6, v0;
	v30 =	vadd.s32 $0x8, v0  }
0x3c: {  	v31 =	vadd.s32 $0xA, v0;
	v33 =	vadd.s32 $0xC, v0;
	v38 =	vand.u32 $0xFFFFFF80, v0  }
0x3d: {  	v47 =	vand.u32 $0x7F, v0;
	v25 =	vand.u32 $0xFFFFFF80, v32;
	v34 =	vand.u32 $0x7F, v32  }
0x3e: {  	v35 =	vand.u32 $0xFFFFFF80, v27;
	v36 =	vand.u32 $0xFFFFFF80, v29;
	v37 =	vand.u32 $0xFFFFFF80, v30  }
0x3f: {  	v39 =	vand.u32 $0xFFFFFF80, v31;
	v41 =	vand.u32 $0xFFFFFF80, v33;
	v38 =	vadd.s32 v40, v38  }
0x40: {  	v42 =	vand.u32 $0x7F, v27;
	v43 =	vand.u32 $0x7F, v28;
	v44 =	vand.u32 $0x7F, v29  }
0x41: {  	v45 =	vand.u32 $0x7F, v30;
	v46 =	vand.u32 $0x7F, v31;
	v60 =	vand.u32 $0x7F, v33  }
0x42: {  	v25 =	vadd.s32 v40, v25;
	v35 =	vadd.s32 v40, v35;
	v36 =	vadd.s32 v40, v36  }
0x43: {  	v37 =	vadd.s32 v40, v37;
	v39 =	vadd.s32 v40, v39;
	v41 =	vadd.s32 v40, v41  }
0x44: {  	v47 =	vor.u32 v47, v38;
	v34 =	vor.u32 v34, v25;
	v25 =	vand.u32 $0xFFFFFF80, v28  }
0x45: {  	v35 =	vor.u32 v42, v35;
	v44 =	vor.u32 v44, v36;
	v25 =	vadd.s32 v40, v25  }
0x46: {  	v45 =	vor.u32 v45, v37;
	v43 =	vor.u32 v43, v25;
	v25 =	vadd.s32 $0x10, v0  }
0x47: {  	v46 =	vor.u32 v46, v39;
	v42 =	vor.u32 v60, v41;
	v39 =	vadd.s32 $0x2, v25  }
0x48: {  	v38 =	vadd.s32 $0x4, v25;
	v41 =	vadd.s32 $0xE, v25;
	v36 =	vadd.s32 $0x6, v25  }
0x49: {  	s10 =	sshll.u32 s8, $0x2;
	s13 =	sand.u32 $0x7, s7;
	v37 =	vadd.s32 $0xC, v25;
	v55 =	vand.u32 $0xFFFFFF80, v25;
	v61 =	vand.u32 $0xFFFFFF80, v41;
	v48 =	vld.idx.msk [tilespmem:v34+s5+$0x0], $0xffff  }
0x4a: {  	s10 =	sand.u32 $0xFFFFC000, s10;
	s13 =	sshll.u32 s13, $0x9;
	v50 =	vand.u32 $0x7F, v41;
	v52 =	vand.u32 $0xFFFFFF80, v39;
	v49 =	vld.idx.msk [tilespmem:v35+s5+$0x0], $0xffff;
	v51 =	vadd.s32 v40, v61  }
0x4b: {  	s10 =	sor.u32 s13, s10;
	v62 =	vand.u32 $0xFFFFFF80, v38;
	v53 =	vand.u32 $0xFFFFFF80, v36;
	v44 =	vld.idx.msk [tilespmem:v44+s5+$0x0], $0xffff;
	v51 =	vor.u32 v50, v51  }
0x4c: {  	s10 =	sshrl.u32 s10, $0x2;
	v56 =	vand.u32 $0xFFFFFF80, v37;
	v55 =	vadd.s32 v40, v55;
	v59 =	vand.u32 $0x7F, v36;
	v45 =	vld.idx.msk [tilespmem:v45+s5+$0x0], $0xffff  }
0x4d: {  	s13 =	sadd.s32 $0x2240, s10;
	v34 =	vadd.s32 $0x8, v25;
	v57 =	vld.idx.msk [tilespmem:v46+s5+$0x0], $0xffff;
	v46 =	vadd.s32 v40, v52;
	v52 =	vadd.s32 v40, v62  }
0x4e: {  	v35 =	vadd.s32 $0xA, v25;
	v53 =	vadd.s32 v40, v53;
	v56 =	vadd.s32 v40, v56;
	v43 =	vld.idx.msk [tilespmem:v43+s5+$0x0], $0xffff;
	[tilespmem:s13+$0x30] =	vst v48  }
0x4f: {  	v58 =	vld.idx.msk [tilespmem:v42+s5+$0x0], $0xffff;
	v61 =	vand.u32 $0x7F, v25;
	v54 =	vand.u32 $0xFFFFFF80, v34;
	v63 =	vand.u32 $0xFFFFFF80, v35;
	[tilespmem:s13+$0xFFFFFFD0] =	vst v49  }
0x50: {  	v60 =	vand.u32 $0x7F, v35;
	v42 =	vadd.s32 v40, v54;
	v48 =	vand.u32 $0x7F, v39;
	[tilespmem:s13+$0xFFFFFFF0] =	vst v44;
	v51 =	vld.idx.msk [tilespmem:v51+s5+$0x0], $0xffff  }
0x51: {  	v54 =	vadd.s32 v40, v63;
	v49 =	vand.u32 $0x7F, v38;
	v44 =	vld.idx.msk [tilespmem:v47+s5+$0x0], $0xffff;
	[tilespmem:s13+$0x0] =	vst v45;
	v50 =	vor.u32 v48, v46  }
0x52: {  	v62 =	vand.u32 $0x7F, v37;
	[tilespmem:s13+$0x10] =	vst v57;
	v47 =	vor.u32 v60, v54;
	v49 =	vor.u32 v49, v52  }
0x53: {  	v45 =	vor.u32 v62, v56;
	v48 =	vor.u32 v59, v53;
	[tilespmem:s13+$0xFFFFFFE0] =	vst v43;
	v43 =	vand.u32 $0x7F, v34  }
0x54: {  	s26 =	simm.s32 $0x8;
	s10 =	sadd.s32 $0x400, s13;
	[tilespmem:s13+$0x20] =	vst v58;
	v46 =	vor.u32 v43, v42;
	v43 =	vor.u32 v61, v55;
	v42 =	vadd.s32 $0x10, v25  }
.LBB2_4:
0x55: {  	v52 =	vadd.s32 $0x2, v42;
	v53 =	vadd.s32 $0x4, v42;
	v54 =	vadd.s32 $0xE, v42;
	s26 =	sadd.s32 $0x8, s26;
	[tilespmem:s10+$0x30] =	vst v51  }
0x56: {  	v55 =	vadd.s32 $0x6, v42;
	v56 =	vadd.s32 $0x8, v42;
	v51 =	vand.u32 $0xFFFFFF80, v54;
	p2 =	slt.u32 s26, $0x18;
	v50 =	vld.idx.msk [tilespmem:v50+s5+$0x0], $0xffff;
	[tilespmem:s13+$0xFFFFFFC0] =	vst v44;
	s13 =	smov.u32 s10  }
0x57: {  	v57 =	vadd.s32 $0xA, v42;
	v44 =	vand.u32 $0x7F, v54;
	v51 =	vadd.s32 v40, v51;
	v49 =	vld.idx.msk [tilespmem:v49+s5+$0x0], $0xffff  }
0x58: {  	v58 =	vadd.s32 $0xC, v42;
	v54 =	vand.u32 $0xFFFFFF80, v52;
	v51 =	vor.u32 v44, v51;
	v48 =	vld.idx.msk [tilespmem:v48+s5+$0x0], $0xffff  }
0x59: {  	v59 =	vand.u32 $0xFFFFFF80, v55;
	v60 =	vand.u32 $0xFFFFFF80, v56;
	v44 =	vand.u32 $0xFFFFFF80, v53;
	v61 =	vld.idx.msk [tilespmem:v46+s5+$0x0], $0xffff  }
0x5a: {  	v62 =	vand.u32 $0xFFFFFF80, v57;
	v63 =	vand.u32 $0xFFFFFF80, v58;
	v46 =	vand.u32 $0xFFFFFF80, v42;
	v20 =	vld.idx.msk [tilespmem:v47+s5+$0x0], $0xffff  }
0x5b: {  	v59 =	vadd.s32 v40, v59;
	v47 =	vadd.s32 v40, v54;
	v54 =	vadd.s32 v40, v44;
	v21 =	vld.idx.msk [tilespmem:v45+s5+$0x0], $0xffff  }
0x5c: {  	v45 =	vadd.s32 v40, v60;
	v60 =	vadd.s32 v40, v62;
	v62 =	vadd.s32 v40, v63;
	v44 =	vld.idx.msk [tilespmem:v43+s5+$0x0], $0xffff  }
0x5d: {  	v43 =	vadd.s32 v40, v46;
	v46 =	vand.u32 $0x7F, v52;
	v52 =	vand.u32 $0x7F, v53;
	v51 =	vld.idx.msk [tilespmem:v51+s5+$0x0], $0xffff;
	[tilespmem:s10+$0xFFFFFFD0] =	vst v50  }
.Ltmp3:
0x5e: {  	v53 =	vand.u32 $0x7F, v55;
	v55 =	vand.u32 $0x7F, v56;
	v56 =	vand.u32 $0x7F, v57;
	[tilespmem:s10+$0xFFFFFFE0] =	vst v49;
	(pc) =	sbr.rel @p2 .LBB2_4-.Ltmp3, $4  }
0x5f: {  	v58 =	vand.u32 $0x7F, v58;
	v57 =	vand.u32 $0x7F, v42;
	v50 =	vor.u32 v46, v47;
	[tilespmem:s10+$0xFFFFFFF0] =	vst v48  }
0x60: {  	v46 =	vor.u32 v55, v45;
	v49 =	vor.u32 v52, v54;
	v48 =	vor.u32 v53, v59;
	[tilespmem:s10+$0x0] =	vst v61  }
0x61: {  	v43 =	vor.u32 v57, v43;
	v47 =	vor.u32 v56, v60;
	v45 =	vor.u32 v58, v62;
	[tilespmem:s10+$0x10] =	vst v20  }
0x62: {  	v42 =	vadd.s32 $0x10, v42;
	s10 =	sadd.s32 $0x400, s10;
	[tilespmem:s13+$0x20] =	vst v21  }
0x63: {  	_ =	sdelay $0x3  }
0x64: {  	v20 =	vld.idx.msk [tilespmem:v50+s5+$0x0], $0xffff  }
0x65: {  	v21 =	vld.idx.msk [tilespmem:v49+s5+$0x0], $0xffff  }
0x66: {  	v40 =	vld.idx.msk [tilespmem:v48+s5+$0x0], $0xffff  }
0x67: {  	[tilespmem:s10+$0x30] =	vst v51;
	v42 =	vld.idx.msk [tilespmem:v46+s5+$0x0], $0xffff  }
0x68: {  	[tilespmem:s13+$0xFFFFFFC0] =	vst v44;
	v63 =	vld.idx.msk [tilespmem:v47+s5+$0x0], $0xffff  }
0x69: {  	v45 =	vld.idx.msk [tilespmem:v45+s5+$0x0], $0xffff;
	s11 =	sadd.s32 $0x1, s11;
	[tilespmem:s10+$0xFFFFFFD0] =	vst v20  }
0x6a: {  	p2 =	sne.s32 s11, $0x40;
	v20 =	vld.idx.msk [tilespmem:v43+s5+$0x0], $0xffff;
	[tilespmem:s10+$0xFFFFFFE0] =	vst v21  }
.Ltmp4:
0x6b: {  	[tilespmem:s10+$0xFFFFFFF0] =	vst v40;
	(pc) =	sbr.rel @p2 .LBB2_3-.Ltmp4, $4  }
0x6c: {  	[tilespmem:s10+$0x0] =	vst v42  }
0x6d: {  	[tilespmem:s10+$0x10] =	vst v63  }
0x6e: {  	[tilespmem:s10+$0x20] =	vst v45  }
0x6f: {  	v26 =	vadd.s32 $0x1, v26;
	s8 =	sadd.s32 $0x200, s8;
	s7 =	sadd.s32 $0x1, s7;
	[tilespmem:s10+$0xFFFFFFC0] =	vst v20  }
0x70: {  	_ =	sdelay $0x3  }
0x71: {  	v20 =	vld.idx.msk [tilespmem:v0+s19+$0x0], $0xffff  }
0x72: {  	v21 =	vld.idx.msk [tilespmem:v32+s19+$0x0], $0xffff  }
0x73: {  	v26 =	vld.idx.msk [tilespmem:v27+s19+$0x0], $0xffff  }
0x74: {  	v27 =	vld.idx.msk [tilespmem:v28+s19+$0x0], $0xffff  }
0x75: {  	v28 =	vld.idx.msk [tilespmem:v29+s19+$0x0], $0xffff  }
0x76: {  	v29 =	vld.idx.msk [tilespmem:v30+s19+$0x0], $0xffff  }
0x77: {  	v31 =	vld.idx.msk [tilespmem:v31+s19+$0x0], $0xffff  }
0x78: {  	v58 =	vld.idx.msk [tilespmem:v33+s19+$0x0], $0xffff  }
0x79: {  	v40 =	vld.idx.msk [tilespmem:v25+s19+$0x0], $0xffff  }
0x7a: {  	v41 =	vld.idx.msk [tilespmem:v41+s19+$0x0], $0xffff  }
0x7b: {  	v39 =	vld.idx.msk [tilespmem:v39+s19+$0x0], $0xffff;
	v20 =	vshll.u32 v20, $0x1;
	v21 =	vshll.u32 v21, $0x1;
	v26 =	vshll.u32 v26, $0x1  }
0x7c: {  	v46 =	vld.idx.msk [tilespmem:v34+s19+$0x0], $0xffff;
	v28 =	vshll.u32 v28, $0x1;
	v59 =	vshll.u32 v29, $0x1;
	v60 =	vshll.u32 v31, $0x1  }
0x7d: {  	s7 =	simm.s32 $0x12240;
	v21 =	vor.u32 v1, v21;
	v30 =	vor.u32 v1, v26;
	v26 =	vshll.u32 v27, $0x1  }
0x7e: {  	v61 =	vshll.u32 v58, $0x1;
	v27 =	vor.u32 v1, v26;
	[tilespmem:s7+$0x30] =	vst v21;
	v26 =	vadd.s32 $0x10, v25  }
0x7f: {  	v47 =	vshll.u32 v40, $0x1;
	v28 =	vor.u32 v1, v28;
	v21 =	vld.idx.msk [tilespmem:v38+s19+$0x0], $0xffff;
	[tilespmem:s7+$0xFFFFFFD0] =	vst v30;
	v44 =	vadd.s32 $0xE, v26  }
0x80: {  	v45 =	vld.idx.msk [tilespmem:v36+s19+$0x0], $0xffff;
	v62 =	vshll.u32 v41, $0x1;
	v20 =	vor.u32 v1, v20;
	[tilespmem:s7+$0xFFFFFFF0] =	vst v28;
	v42 =	vadd.s32 $0x2, v26  }
0x81: {  	v31 =	vld.idx.msk [tilespmem:v37+s19+$0x0], $0xffff;
	v63 =	vshll.u32 v39, $0x1;
	v41 =	vshll.u32 v46, $0x1;
	[tilespmem:s7+$0xFFFFFFC0] =	vst v20;
	v43 =	vadd.s32 $0x4, v26  }
0x82: {  	s8 =	simm.s32 $0x12440;
	v36 =	vor.u32 v1, v62;
	v40 =	vor.u32 v1, v61;
	[tilespmem:s7+$0xFFFFFFE0] =	vst v27;
	v33 =	vadd.s32 $0x6, v26;
	v27 =	vld.idx.msk [tilespmem:v35+s19+$0x0], $0xffff  }
0x83: {  	v39 =	vor.u32 v1, v47;
	v20 =	vor.u32 v1, v59;
	[tilespmem:s8+$0x30] =	vst v36;
	v30 =	vadd.s32 $0x8, v26;
	v32 =	vld.idx.msk [tilespmem:v26+s19+$0x0], $0xffff  }
0x84: {  	v29 =	vadd.s32 $0xA, v26;
	[tilespmem:s7+$0x0] =	vst v20;
	v20 =	vor.u32 v1, v63;
	v21 =	vshll.u32 v21, $0x1;
	v34 =	vld.idx.msk [tilespmem:v44+s19+$0x0], $0xffff  }
0x85: {  	v28 =	vadd.s32 $0xC, v26;
	[tilespmem:s8+$0xFFFFFFD0] =	vst v20;
	v36 =	vld.idx.msk [tilespmem:v42+s19+$0x0], $0xffff;
	v20 =	vor.u32 v1, v21;
	v21 =	vshll.u32 v45, $0x1  }
0x86: {  	s10 =	simm.s32 $0x10;
	v38 =	vor.u32 v1, v60;
	v37 =	vadd.s32 $0x10, v26;
	v35 =	vld.idx.msk [tilespmem:v43+s19+$0x0], $0xffff;
	[tilespmem:s8+$0xFFFFFFE0] =	vst v20;
	v42 =	vor.u32 v1, v21  }
.LBB2_7:
0x87: {  	v20 =	vadd.s32 $0x2, v37;
	v21 =	vadd.s32 $0x4, v37;
	v43 =	vadd.s32 $0xE, v37;
	s10 =	sadd.s32 $0x8, s10;
	v44 =	vld.idx.msk [tilespmem:v33+s19+$0x0], $0xffff;
	[tilespmem:s8+$0xFFFFFFF0] =	vst v42  }
0x88: {  	v33 =	vadd.s32 $0x6, v37;
	v42 =	vadd.s32 $0xA, v37;
	p2 =	slt.u32 s10, $0x18;
	v45 =	vld.idx.msk [tilespmem:v30+s19+$0x0], $0xffff;
	v30 =	vadd.s32 $0x8, v37;
	[tilespmem:s7+$0x10] =	vst v38  }
0x89: {  	v46 =	vshll.u32 v27, $0x1;
	v47 =	vshll.u32 v31, $0x1;
	v38 =	vadd.s32 $0xC, v37;
	v27 =	vld.idx.msk [tilespmem:v29+s19+$0x0], $0xffff;
	[tilespmem:s7+$0x20] =	vst v40;
	v29 =	vmovc v42;
	s7 =	smov.u32 s8  }
.Ltmp5:
0x8a: {  	v42 =	vshll.u32 v32, $0x1;
	v34 =	vshll.u32 v34, $0x1;
	v31 =	vld.idx.msk [tilespmem:v28+s19+$0x0], $0xffff;
	[tilespmem:s8+$0xFFFFFFC0] =	vst v39;
	v39 =	vor.u32 v1, v41;
	v28 =	vmovc v38;
	(pc) =	sbr.rel @p2 .LBB2_7-.Ltmp5, $4  }
0x8b: {  	v36 =	vshll.u32 v36, $0x1;
	v40 =	vor.u32 v1, v34;
	v38 =	vor.u32 v1, v46;
	s8 =	sadd.s32 $0x200, s8;
	v32 =	vld.idx.msk [tilespmem:v37+s19+$0x0], $0xffff;
	[tilespmem:s7+$0x0] =	vst v39  }
0x8c: {  	v41 =	vor.u32 v1, v36;
	v35 =	vshll.u32 v35, $0x1;
	v34 =	vld.idx.msk [tilespmem:v43+s19+$0x0], $0xffff;
	[tilespmem:s8+$0x30] =	vst v40;
	v40 =	vor.u32 v1, v47  }
0x8d: {  	v39 =	vor.u32 v1, v42;
	v36 =	vld.idx.msk [tilespmem:v20+s19+$0x0], $0xffff;
	[tilespmem:s8+$0xFFFFFFD0] =	vst v41;
	v20 =	vor.u32 v1, v35;
	v41 =	vshll.u32 v44, $0x1  }
0x8e: {  	v37 =	vadd.s32 $0x10, v37;
	v35 =	vld.idx.msk [tilespmem:v21+s19+$0x0], $0xffff;
	[tilespmem:s8+$0xFFFFFFE0] =	vst v20;
	v42 =	vor.u32 v1, v41;
	v41 =	vshll.u32 v45, $0x1  }
0x8f: {  	_ =	sdelay $0x1  }
0x90: {  	[tilespmem:s8+$0xFFFFFFF0] =	vst v42  }
0x91: {  	[tilespmem:s7+$0x10] =	vst v38  }
0x92: {  	v20 =	vld.idx.msk [tilespmem:v33+s19+$0x0], $0xffff;
	[tilespmem:s7+$0x20] =	vst v40  }
0x93: {  	[tilespmem:s8+$0xFFFFFFC0] =	vst v39;
	v45 =	vor.u32 v1, v41;
	v27 =	vshll.u32 v27, $0x1;
	v28 =	vld.idx.msk [tilespmem:v28+s19+$0x0], $0xffff  }
0x94: {  	[tilespmem:s8+$0x0] =	vst v45;
	v27 =	vor.u32 v1, v27;
	v21 =	vshll.u32 v34, $0x1  }
0x95: {  	s26 =	sadd.s32 $0x200, s8;
	[tilespmem:s8+$0x10] =	vst v27;
	v46 =	vshll.u32 v36, $0x1;
	v21 =	vor.u32 v1, v21  }
0x96: {  	v30 =	vld.idx.msk [tilespmem:v30+s19+$0x0], $0xffff;
	v47 =	vor.u32 v1, v46;
	v48 =	vshll.u32 v35, $0x1;
	[tilespmem:s26+$0x30] =	vst v21  }
0x97: {  	v21 =	vld.idx.msk [tilespmem:v29+s19+$0x0], $0xffff;
	[tilespmem:s26+$0xFFFFFFD0] =	vst v47;
	v29 =	vor.u32 v1, v48;
	v20 =	vshll.u32 v20, $0x1  }
0x98: {  	v28 =	vshll.u32 v28, $0x1;
	[tilespmem:s26+$0xFFFFFFE0] =	vst v29;
	v20 =	vor.u32 v1, v20  }
0x99: {  	v29 =	vshll.u32 v31, $0x1;
	v28 =	vor.u32 v1, v28;
	[tilespmem:s26+$0xFFFFFFF0] =	vst v20  }
0x9a: {  	v20 =	vshll.u32 v32, $0x1;
	v29 =	vor.u32 v1, v29;
	[tilespmem:s26+$0x20] =	vst v28;
	v28 =	vadd.s32 $0x86, v0  }
0x9b: {  	v27 =	vshll.u32 v30, $0x1;
	v31 =	vadd.s32 $0x8A, v0;
	v20 =	vor.u32 v1, v20;
	[tilespmem:s8+$0x20] =	vst v29  }
0x9c: {  	v53 =	vadd.s32 $0x80, v25;
	v21 =	vshll.u32 v21, $0x1;
	[tilespmem:s26+$0xFFFFFFC0] =	vst v20;
	v20 =	vor.u32 v1, v27  }
0x9d: {  	v29 =	vadd.s32 $0x8E, v0;
	[tilespmem:s26+$0x0] =	vst v20;
	v20 =	vor.u32 v1, v21  }
0x9e: {  	v21 =	vadd.s32 $0x80, v0;
	[tilespmem:s26+$0x10] =	vst v20  }
0x9f: {  	v20 =	vadd.s32 $0x84, v0;
	v28 =	vld.idx.msk [tilespmem:v28+s19+$0x0], $0xffff  }
0xa0: {  	v27 =	vadd.s32 $0x82, v0;
	v31 =	vld.idx.msk [tilespmem:v31+s19+$0x0], $0xffff  }
0xa1: {  	v30 =	vadd.s32 $0x88, v0;
	v57 =	vld.idx.msk [tilespmem:v53+s19+$0x0], $0xffff  }
0xa2: {  	v49 =	vadd.s32 $0x8C, v0;
	v29 =	vld.idx.msk [tilespmem:v29+s19+$0x0], $0xffff  }
0xa3: {  	v50 =	vadd.s32 $0x8E, v25;
	v21 =	vld.idx.msk [tilespmem:v21+s19+$0x0], $0xffff  }
0xa4: {  	v51 =	vadd.s32 $0x82, v25;
	v52 =	vadd.s32 $0x84, v25;
	v20 =	vld.idx.msk [tilespmem:v20+s19+$0x0], $0xffff  }
0xa5: {  	v37 =	vadd.s32 $0x86, v25;
	v54 =	vadd.s32 $0x88, v25;
	v55 =	vadd.s32 $0x8A, v25;
	v27 =	vld.idx.msk [tilespmem:v27+s19+$0x0], $0xffff  }
0xa6: {  	v56 =	vadd.s32 $0x8C, v25;
	v59 =	vadd.s32 $0x8E, v26;
	v30 =	vld.idx.msk [tilespmem:v30+s19+$0x0], $0xffff;
	v34 =	vshll.u32 v57, $0x1  }
0xa7: {  	v60 =	vadd.s32 $0x84, v26;
	s8 =	simm.s32 $0x124F0;
	v32 =	vld.idx.msk [tilespmem:v49+s19+$0x0], $0xffff;
	v29 =	vshll.u32 v29, $0x1;
	v34 =	vor.u32 v2, v34  }
0xa8: {  	s7 =	simm.s32 $0x122F0;
	v43 =	vadd.s32 $0x80, v26;
	v33 =	vld.idx.msk [tilespmem:v50+s19+$0x0], $0xffff;
	v29 =	vor.u32 v2, v29;
	[tilespmem:s8+$0xFFFFFF90] =	vst v34;
	v21 =	vshll.u32 v21, $0x1  }
0xa9: {  	v28 =	vshll.u32 v28, $0x1;
	[tilespmem:s7+$0x0] =	vst v29;
	v29 =	vld.idx.msk [tilespmem:v51+s19+$0x0], $0xffff;
	v21 =	vor.u32 v2, v21;
	v20 =	vshll.u32 v20, $0x1  }
0xaa: {  	v58 =	vshll.u32 v31, $0x1;
	v27 =	vshll.u32 v27, $0x1;
	v20 =	vor.u32 v2, v20;
	[tilespmem:s7+$0xFFFFFF90] =	vst v21;
	v21 =	vld.idx.msk [tilespmem:v52+s19+$0x0], $0xffff  }
0xab: {  	v37 =	vld.idx.msk [tilespmem:v37+s19+$0x0], $0xffff;
	v31 =	vadd.s32 $0x86, v26;
	v27 =	vor.u32 v2, v27;
	[tilespmem:s7+$0xFFFFFFB0] =	vst v20;
	v20 =	vadd.s32 $0x82, v26  }
0xac: {  	v42 =	vld.idx.msk [tilespmem:v54+s19+$0x0], $0xffff;
	v63 =	vshll.u32 v32, $0x1;
	[tilespmem:s7+$0xFFFFFFA0] =	vst v27;
	v27 =	vor.u32 v2, v28;
	v28 =	vshll.u32 v30, $0x1  }
0xad: {  	v44 =	vld.idx.msk [tilespmem:v55+s19+$0x0], $0xffff;
	v38 =	vor.u32 v2, v58;
	v28 =	vor.u32 v2, v28;
	[tilespmem:s7+$0xFFFFFFC0] =	vst v27;
	v27 =	vshll.u32 v33, $0x1  }
0xae: {  	v36 =	vld.idx.msk [tilespmem:v43+s19+$0x0], $0xffff;
	v39 =	vor.u32 v2, v63;
	[tilespmem:s7+$0xFFFFFFD0] =	vst v28;
	v62 =	vor.u32 v2, v27;
	v61 =	vshll.u32 v29, $0x1  }
0xaf: {  	v32 =	vld.idx.msk [tilespmem:v59+s19+$0x0], $0xffff;
	v30 =	vadd.s32 $0x88, v26;
	[tilespmem:s8+$0x0] =	vst v62;
	v33 =	vor.u32 v2, v61;
	v21 =	vshll.u32 v21, $0x1  }
0xb0: {  	v28 =	vadd.s32 $0x8A, v26;
	[tilespmem:s8+$0xFFFFFFA0] =	vst v33;
	v35 =	vld.idx.msk [tilespmem:v20+s19+$0x0], $0xffff;
	v20 =	vor.u32 v2, v21;
	v21 =	vshll.u32 v37, $0x1  }
0xb1: {  	v27 =	vld.idx.msk [tilespmem:v56+s19+$0x0], $0xffff;
	v29 =	vadd.s32 $0x8C, v26;
	[tilespmem:s8+$0xFFFFFFB0] =	vst v20;
	v20 =	vor.u32 v2, v21;
	v21 =	vshll.u32 v42, $0x1  }
0xb2: {  	s10 =	simm.s32 $0x10;
	v34 =	vshll.u32 v44, $0x1;
	v33 =	vld.idx.msk [tilespmem:v60+s19+$0x0], $0xffff;
	v37 =	vadd.s32 $0x10, v26;
	[tilespmem:s8+$0xFFFFFFC0] =	vst v20;
	v40 =	vor.u32 v2, v21  }
.LBB2_9:
0xb3: {  	v20 =	vadd.s32 $0x82, v37;
	v21 =	vadd.s32 $0x84, v37;
	v41 =	vadd.s32 $0x8E, v37;
	s10 =	sadd.s32 $0x8, s10;
	v42 =	vld.idx.msk [tilespmem:v31+s19+$0x0], $0xffff;
	[tilespmem:s8+$0xFFFFFFD0] =	vst v40  }
0xb4: {  	v31 =	vadd.s32 $0x86, v37;
	v40 =	vadd.s32 $0x8A, v37;
	p2 =	slt.u32 s10, $0x18;
	v43 =	vld.idx.msk [tilespmem:v30+s19+$0x0], $0xffff;
	v30 =	vadd.s32 $0x88, v37;
	[tilespmem:s7+$0xFFFFFFE0] =	vst v38  }
0xb5: {  	v44 =	vadd.s32 $0x80, v37;
	v38 =	vadd.s32 $0x8C, v37;
	v32 =	vshll.u32 v32, $0x1;
	v45 =	vld.idx.msk [tilespmem:v28+s19+$0x0], $0xffff;
	[tilespmem:s7+$0xFFFFFFF0] =	vst v39;
	v28 =	vmovc v40;
	s7 =	smov.u32 s8  }
0xb6: {  	v35 =	vshll.u32 v35, $0x1;
	v32 =	vor.u32 v2, v32;
	v39 =	vshll.u32 v27, $0x1;
	s8 =	sadd.s32 $0x200, s8;
	v27 =	vld.idx.msk [tilespmem:v29+s19+$0x0], $0xffff;
	v29 =	vmovc v38  }
.Ltmp6:
0xb7: {  	v36 =	vshll.u32 v36, $0x1;
	v35 =	vor.u32 v2, v35;
	v38 =	vor.u32 v2, v34;
	[tilespmem:s8+$0x0] =	vst v32;
	(pc) =	sbr.rel @p2 .LBB2_9-.Ltmp6, $4  }
0xb8: {  	v39 =	vor.u32 v2, v39;
	v34 =	vor.u32 v2, v36;
	v33 =	vshll.u32 v33, $0x1;
	v32 =	vld.idx.msk [tilespmem:v41+s19+$0x0], $0xffff;
	[tilespmem:s8+$0xFFFFFFA0] =	vst v35  }
0xb9: {  	v35 =	vld.idx.msk [tilespmem:v20+s19+$0x0], $0xffff;
	[tilespmem:s8+$0xFFFFFF90] =	vst v34;
	v20 =	vor.u32 v2, v33;
	v33 =	vshll.u32 v42, $0x1  }
0xba: {  	v34 =	vshll.u32 v43, $0x1;
	v36 =	vld.idx.msk [tilespmem:v44+s19+$0x0], $0xffff;
	[tilespmem:s8+$0xFFFFFFB0] =	vst v20;
	v20 =	vor.u32 v2, v33  }
0xbb: {  	v37 =	vadd.s32 $0x10, v37;
	v40 =	vor.u32 v2, v34;
	v34 =	vshll.u32 v45, $0x1;
	v33 =	vld.idx.msk [tilespmem:v21+s19+$0x0], $0xffff;
	[tilespmem:s8+$0xFFFFFFC0] =	vst v20  }
0xbc: {  	_ =	sdelay $0x3  }
0xbd: {  	v20 =	vld.idx.msk [tilespmem:v31+s19+$0x0], $0xffff  }
0xbe: {  	[tilespmem:s8+$0xFFFFFFD0] =	vst v40;
	v21 =	vld.idx.msk [tilespmem:v30+s19+$0x0], $0xffff  }
0xbf: {  	[tilespmem:s7+$0xFFFFFFE0] =	vst v38;
	v28 =	vld.idx.msk [tilespmem:v28+s19+$0x0], $0xffff;
	v30 =	vshll.u32 v32, $0x1  }
0xc0: {  	[tilespmem:s7+$0xFFFFFFF0] =	vst v39;
	s26 =	sadd.s32 $0x200, s8;
	v31 =	vshll.u32 v35, $0x1;
	v30 =	vor.u32 v2, v30  }
0xc1: {  	v63 =	vshll.u32 v36, $0x1;
	v31 =	vor.u32 v2, v31;
	[tilespmem:s26+$0x0] =	vst v30  }
0xc2: {  	v30 =	vor.u32 v2, v63;
	[tilespmem:s26+$0xFFFFFFA0] =	vst v31;
	v31 =	vshll.u32 v33, $0x1  }
0xc3: {  	v29 =	vld.idx.msk [tilespmem:v29+s19+$0x0], $0xffff;
	[tilespmem:s26+$0xFFFFFF90] =	vst v30;
	v30 =	vor.u32 v2, v31;
	v20 =	vshll.u32 v20, $0x1  }
0xc4: {  	v28 =	vshll.u32 v28, $0x1;
	[tilespmem:s26+$0xFFFFFFB0] =	vst v30;
	v20 =	vor.u32 v2, v20  }
0xc5: {  	v21 =	vshll.u32 v21, $0x1;
	v28 =	vor.u32 v2, v28;
	[tilespmem:s26+$0xFFFFFFC0] =	vst v20  }
0xc6: {  	v31 =	vadd.s32 $0x100, v0;
	v20 =	vor.u32 v2, v21;
	v21 =	vshll.u32 v27, $0x1;
	[tilespmem:s26+$0xFFFFFFE0] =	vst v28  }
0xc7: {  	v28 =	vadd.s32 $0x104, v0;
	[tilespmem:s26+$0xFFFFFFD0] =	vst v20;
	v21 =	vor.u32 v2, v21  }
0xc8: {  	v27 =	vor.u32 v2, v34;
	v20 =	vadd.s32 $0x10E, v0;
	[tilespmem:s8+$0xFFFFFFF0] =	vst v21;
	v21 =	vshll.u32 v29, $0x1  }
0xc9: {  	p4 =	por $0x1, $0x1;
	[tilespmem:s8+$0xFFFFFFE0] =	vst v27;
	v27 =	vadd.s32 $0x102, v0;
	v21 =	vor.u32 v2, v21  }
.Ltmp7:
0xca: {  	[tilespmem:s26+$0xFFFFFFF0] =	vst v21;
	(pc) =	sbr.rel @!p4 .LBB2_11-.Ltmp7, $4  }
0xcb: {  	v31 =	vld.idx.msk [tilespmem:v31+s19+$0x0], $0xffff  }
0xcc: {  	v28 =	vld.idx.msk [tilespmem:v28+s19+$0x0], $0xffff  }
0xcd: {  	v32 =	vadd.s32 $0x10A, v0;
	v29 =	vld.idx.msk [tilespmem:v20+s19+$0x0], $0xffff  }
0xce: {  	s7 =	simm.s32 $0x12370;
	p2 =	por $0x0, $0x0;
	p3 =	por $0x0, $0x0;
	v33 =	vadd.s32 $0x10C, v0;
	v34 =	vadd.s32 $0x108, v0;
	v30 =	vld.idx.msk [tilespmem:v27+s19+$0x0], $0xffff;
	v27 =	vadd.s32 $0x106, v0  }
0xcf: {  	_ =	sdelay $0x2  }
0xd0: {  	v20 =	vadd.s32 $0x10E, v25  }
0xd1: {  	v21 =	vadd.s32 $0x102, v25;
	v35 =	vld.idx.msk [tilespmem:v27+s19+$0x0], $0xffff  }
0xd2: {  	v34 =	vld.idx.msk [tilespmem:v34+s19+$0x0], $0xffff;
	v37 =	vadd.s32 $0x100, v25;
	v27 =	vshll.u32 v29, $0x1  }
0xd3: {  	v38 =	vadd.s32 $0x104, v25;
	v40 =	vld.idx.msk [tilespmem:v32+s19+$0x0], $0xffff;
	p4 =	por $0x1, $0x1;
	v29 =	vshll.u32 v30, $0x1;
	v27 =	vor.u32 v3, v27  }
.Ltmp8:
0xd4: {  	v36 =	vld.idx.msk [tilespmem:v33+s19+$0x0], $0xffff;
	v30 =	vshll.u32 v31, $0x1;
	v31 =	vor.u32 v3, v29;
	[tilespmem:s7+$0x0] =	vst v27;
	(pc) =	sbr.rel @!p4 .LBB2_13-.Ltmp8, $4  }
0xd5: {  	v32 =	vadd.s32 $0x108, v25;
	v28 =	vshll.u32 v28, $0x1;
	v29 =	vld.idx.msk [tilespmem:v20+s19+$0x0], $0xffff;
	v20 =	vor.u32 v3, v30;
	[tilespmem:s7+$0xFFFFFFA0] =	vst v31  }
0xd6: {  	v33 =	vadd.s32 $0x10A, v25;
	v30 =	vld.idx.msk [tilespmem:v21+s19+$0x0], $0xffff;
	v21 =	vshll.u32 v35, $0x1;
	[tilespmem:s7+$0xFFFFFF90] =	vst v20;
	v20 =	vor.u32 v3, v28  }
0xd7: {  	v27 =	vadd.s32 $0x106, v25;
	v31 =	vld.idx.msk [tilespmem:v37+s19+$0x0], $0xffff;
	[tilespmem:s7+$0xFFFFFFB0] =	vst v20;
	v20 =	vor.u32 v3, v21;
	v21 =	vshll.u32 v34, $0x1  }
0xd8: {  	p2 =	por $0x1, $0x1;
	v35 =	vadd.s32 $0x10C, v25;
	v25 =	vshll.u32 v40, $0x1;
	v28 =	vld.idx.msk [tilespmem:v38+s19+$0x0], $0xffff;
	[tilespmem:s7+$0xFFFFFFC0] =	vst v20;
	v39 =	vor.u32 v3, v21  }
0xd9: {  	_ =	sdelay $0x2  }
0xda: {  	v20 =	vadd.s32 $0x10E, v26  }
0xdb: {  	v21 =	vld.idx.msk [tilespmem:v27+s19+$0x0], $0xffff;
	v38 =	vadd.s32 $0x102, v26;
	v40 =	vadd.s32 $0x104, v26;
	v27 =	vadd.s32 $0x106, v26  }
0xdc: {  	v34 =	vadd.s32 $0x108, v26;
	v41 =	vld.idx.msk [tilespmem:v32+s19+$0x0], $0xffff;
	v42 =	vadd.s32 $0x100, v26;
	v29 =	vshll.u32 v29, $0x1  }
0xdd: {  	[tilespmem:s7+$0xFFFFFFD0] =	vst v39;
	v32 =	vadd.s32 $0x10A, v26;
	v43 =	vld.idx.msk [tilespmem:v33+s19+$0x0], $0xffff;
	s8 =	simm.s32 $0x12570;
	p4 =	por $0x1, $0x1;
	v30 =	vshll.u32 v30, $0x1;
	v29 =	vor.u32 v3, v29  }
.Ltmp9:
0xde: {  	v33 =	vadd.s32 $0x10C, v26;
	v35 =	vld.idx.msk [tilespmem:v35+s19+$0x0], $0xffff;
	v31 =	vshll.u32 v31, $0x1;
	v30 =	vor.u32 v3, v30;
	[tilespmem:s8+$0x0] =	vst v29;
	(pc) =	sbr.rel @!p4 .LBB2_15-.Ltmp9, $4  }
0xdf: {  	v36 =	vshll.u32 v36, $0x1;
	[tilespmem:s8+$0xFFFFFFA0] =	vst v30;
	v28 =	vshll.u32 v28, $0x1;
	v29 =	vld.idx.msk [tilespmem:v20+s19+$0x0], $0xffff;
	v20 =	vor.u32 v3, v31  }
0xe0: {  	v37 =	vor.u32 v3, v25;
	v30 =	vld.idx.msk [tilespmem:v38+s19+$0x0], $0xffff;
	v21 =	vshll.u32 v21, $0x1;
	[tilespmem:s8+$0xFFFFFF90] =	vst v20;
	v20 =	vor.u32 v3, v28  }
0xe1: {  	v26 =	vadd.s32 $0x10, v26;
	v31 =	vld.idx.msk [tilespmem:v42+s19+$0x0], $0xffff;
	[tilespmem:s8+$0xFFFFFFB0] =	vst v20;
	v20 =	vor.u32 v3, v21;
	v21 =	vshll.u32 v41, $0x1  }
0xe2: {  	s11 =	simm.s32 $0x10;
	p3 =	por $0x1, $0x1;
	s10 =	simm.s32 $0x12370;
	v38 =	vor.u32 v3, v36;
	v25 =	vshll.u32 v43, $0x1;
	v28 =	vld.idx.msk [tilespmem:v40+s19+$0x0], $0xffff;
	[tilespmem:s8+$0xFFFFFFC0] =	vst v20;
	v39 =	vor.u32 v3, v21  }
.LBB2_16:
0xe3: {  	v20 =	vadd.s32 $0x102, v26;
	v21 =	vadd.s32 $0x104, v26;
	v36 =	vadd.s32 $0x10E, v26;
	s11 =	sadd.s32 $0x8, s11;
	v40 =	vld.idx.msk [tilespmem:v27+s19+$0x0], $0xffff;
	[tilespmem:s8+$0xFFFFFFD0] =	vst v39  }
0xe4: {  	v27 =	vadd.s32 $0x106, v26;
	v39 =	vadd.s32 $0x10A, v26;
	p4 =	slt.u32 s11, $0x18;
	v41 =	vld.idx.msk [tilespmem:v34+s19+$0x0], $0xffff;
	v34 =	vadd.s32 $0x108, v26;
	[tilespmem:s10+$0xFFFFFFE0] =	vst v37  }
0xe5: {  	v42 =	vadd.s32 $0x100, v26;
	v37 =	vadd.s32 $0x10C, v26;
	v29 =	vshll.u32 v29, $0x1;
	v43 =	vld.idx.msk [tilespmem:v32+s19+$0x0], $0xffff;
	[tilespmem:s10+$0xFFFFFFF0] =	vst v38;
	v32 =	vmovc v39;
	s10 =	smov.u32 s8  }
0xe6: {  	v30 =	vshll.u32 v30, $0x1;
	v29 =	vor.u32 v3, v29;
	v38 =	vshll.u32 v35, $0x1;
	s8 =	sadd.s32 $0x200, s8;
	v35 =	vld.idx.msk [tilespmem:v33+s19+$0x0], $0xffff;
	v33 =	vmovc v37  }
.Ltmp10:
0xe7: {  	v31 =	vshll.u32 v31, $0x1;
	v30 =	vor.u32 v3, v30;
	v37 =	vor.u32 v3, v25;
	[tilespmem:s8+$0x0] =	vst v29;
	(pc) =	sbr.rel @p4 .LBB2_16-.Ltmp10, $4  }
0xe8: {  	v38 =	vor.u32 v3, v38;
	v25 =	vor.u32 v3, v31;
	v28 =	vshll.u32 v28, $0x1;
	v29 =	vld.idx.msk [tilespmem:v36+s19+$0x0], $0xffff;
	[tilespmem:s8+$0xFFFFFFA0] =	vst v30  }
0xe9: {  	v30 =	vld.idx.msk [tilespmem:v20+s19+$0x0], $0xffff;
	[tilespmem:s8+$0xFFFFFF90] =	vst v25;
	v20 =	vor.u32 v3, v28;
	v25 =	vshll.u32 v40, $0x1  }
0xea: {  	v31 =	vld.idx.msk [tilespmem:v42+s19+$0x0], $0xffff;
	[tilespmem:s8+$0xFFFFFFB0] =	vst v20;
	v20 =	vor.u32 v3, v25;
	v25 =	vshll.u32 v41, $0x1  }
0xeb: {  	v26 =	vadd.s32 $0x10, v26;
	v28 =	vld.idx.msk [tilespmem:v21+s19+$0x0], $0xffff;
	[tilespmem:s8+$0xFFFFFFC0] =	vst v20;
	v39 =	vor.u32 v3, v25;
	v25 =	vshll.u32 v43, $0x1  }
0xec: {  	v36 =	vmov v35  }
.LBB2_18:
0xed: {  	_ =	sdelay $0x2  }
0xee: {  	[tilespmem:s10+$0xFFFFFFE0] =	vst @p3 v37  }
0xef: {  	v20 =	vld.idx.msk [tilespmem:v27+s19+$0x0], $0xffff;
	v26 =	vshll.u32 v29, $0x1;
	[tilespmem:s10+$0xFFFFFFF0] =	vst @p3 v38;
	s10 =	sadd.s32 @p2 $0x200, s8  }
0xf0: {  	v21 =	vld.idx.msk [tilespmem:v34+s19+$0x0], $0xffff;
	[tilespmem:s8+$0xFFFFFFD0] =	vst @p2 v39;
	v25 =	vor.u32 @p2 v3, v25;
	v26 =	vor.u32 v3, v26;
	s7 =	smov.u32 @p2 s10  }
0xf1: {  	s8 =	smov.u32 @p2 s8;
	v27 =	vshll.u32 v30, $0x1;
	v25 =	vpsel p2, v25, v0;
	[tilespmem:s7+$0x0] =	vst v26  }
0xf2: {  	v62 =	vshll.u32 v31, $0x1;
	v27 =	vor.u32 v3, v27;
	v26 =	vld.idx.msk [tilespmem:v32+s19+$0x0], $0xffff;
	[tilespmem:s8+$0xFFFFFFE0] =	vst @p2 v25  }
0xf3: {  	v63 =	vld.idx.msk [tilespmem:v33+s19+$0x0], $0xffff;
	v29 =	vor.u32 v3, v62;
	[tilespmem:s7+$0xFFFFFFA0] =	vst v27;
	v27 =	vshll.u32 v28, $0x1  }
0xf4: {  	[tilespmem:s7+$0xFFFFFF90] =	vst v29;
	v27 =	vor.u32 v3, v27;
	v20 =	vshll.u32 v20, $0x1  }
0xf5: {  	[tilespmem:s7+$0xFFFFFFB0] =	vst v27;
	v21 =	vshll.u32 v21, $0x1;
	v27 =	vshll.u32 @p2 v36, $0x1;
	v20 =	vor.u32 v3, v20  }
0xf6: {  	[tilespmem:s7+$0xFFFFFFC0] =	vst v20;
	v20 =	vor.u32 v3, v21;
	v21 =	vor.u32 @p2 v3, v27  }
0xf7: {  	[tilespmem:s7+$0xFFFFFFD0] =	vst v20;
	v20 =	vshll.u32 v26, $0x1;
	v21 =	vpsel p2, v21, v0  }
0xf8: {  	s11 =	sshll.u32 s31, $0xA;
	[tilespmem:s8+$0xFFFFFFF0] =	vst @p2 v21;
	v21 =	vshll.u32 v63, $0x1;
	v20 =	vor.u32 v3, v20  }
0xf9: {  	s26 =	sshll.u32 s31, $0x9;
	s8 =	sand.u32 $0x1FFFFC00, s11;
	v21 =	vor.u32 v3, v21;
	[tilespmem:s7+$0xFFFFFFE0] =	vst v20  }
0xfa: {  	s13 =	sadd.s32 s4, s8;
	[tilespmem:s7+$0xFFFFFFF0] =	vst v21;
	s7 =	sand.u32 $0x1FFFFE00, s26  }
0xfb: {  	[hbm4b:s13+s20] =	stream.strided.scatter [tilespmem:s22], [sflag:$0x1], $0x8000, s21, s20, $0x38;
	[tilespmem:$0x13A80] =	vst v63  }
0xfc: {  	s7 =	sadd.s32 s3, s7  }
0xfd: {  	[hbm4b:s7+s5] =	stream.linear.scatter [tilespmem:s23], [sflag:$0x2], $0x800, $0x38;
	[tilespmem:$0x13A80] =	vst v63  }
0xfe: {  	s7 =	simm.s32 @!p1 $0x1  }
0xff: {  	_ =	swait.ge @!p1 [sflag:s7], $0x8000  }
0x100: {  	[sflag:s7] =	ssyncset.done @!p1 $0x0  }
0x101: {  	[sflag:s7] =	ssyncadd.s32 @!p1 $0xFFFF8000;
	s7 =	simm.s32 @!p1 $0x2  }
0x102: {  	_ =	swait.ge @!p1 [sflag:s7], $0x800  }
0x103: {  	s11 =	simm.s32 $0x0;
	[sflag:s7] =	ssyncset.done @!p1 $0x0  }
0x104: {  	v26 =	vimm.s32 $0x0;
	s8 =	simm.s32 $0x0;
	[sflag:s7] =	ssyncadd.s32 @!p1 $0xFFFFF800;
	s7 =	simm.s32 $0x0  }
.LBB2_19:
0x105: {  	v40 =	vshll.u32 v26, $0x7;
	v27 =	vadd.s32 $0x2, v4;
	v28 =	vadd.s32 $0x4, v4  }
0x106: {  	v32 =	vadd.s32 $0xE, v4;
	v29 =	vadd.s32 $0x6, v4;
	v30 =	vadd.s32 $0x8, v4  }
0x107: {  	v31 =	vadd.s32 $0xA, v4;
	v33 =	vadd.s32 $0xC, v4;
	v36 =	vand.u32 $0xFFFFFF80, v4  }
0x108: {  	v45 =	vand.u32 $0x7F, v4;
	v20 =	vand.u32 $0xFFFFFF80, v32;
	v21 =	vand.u32 $0x7F, v32  }
0x109: {  	v25 =	vand.u32 $0xFFFFFF80, v27;
	v34 =	vand.u32 $0xFFFFFF80, v29;
	v35 =	vand.u32 $0xFFFFFF80, v30  }
0x10a: {  	v37 =	vand.u32 $0xFFFFFF80, v31;
	v38 =	vand.u32 $0xFFFFFF80, v33;
	v36 =	vadd.s32 v40, v36  }
0x10b: {  	v39 =	vand.u32 $0x7F, v27;
	v41 =	vand.u32 $0x7F, v28;
	v42 =	vand.u32 $0x7F, v29  }
0x10c: {  	v43 =	vand.u32 $0x7F, v30;
	v44 =	vand.u32 $0x7F, v31;
	v56 =	vand.u32 $0x7F, v33  }
0x10d: {  	v20 =	vadd.s32 v40, v20;
	v25 =	vadd.s32 v40, v25;
	v34 =	vadd.s32 v40, v34  }
0x10e: {  	v35 =	vadd.s32 v40, v35;
	v37 =	vadd.s32 v40, v37;
	v38 =	vadd.s32 v40, v38  }
0x10f: {  	v45 =	vor.u32 v45, v36;
	v20 =	vor.u32 v21, v20;
	v21 =	vand.u32 $0xFFFFFF80, v28  }
0x110: {  	v46 =	vor.u32 v39, v25;
	v42 =	vor.u32 v42, v34;
	v43 =	vor.u32 v43, v35  }
0x111: {  	v25 =	vadd.s32 $0x10, v4;
	v44 =	vor.u32 v44, v37;
	v47 =	vor.u32 v56, v38  }
0x112: {  	v21 =	vadd.s32 v40, v21;
	v39 =	vadd.s32 $0x2, v25;
	v38 =	vadd.s32 $0x4, v25  }
0x113: {  	v36 =	vadd.s32 $0x6, v25;
	v21 =	vor.u32 v41, v21;
	v41 =	vadd.s32 $0xE, v25  }
0x114: {  	s10 =	sshll.u32 s8, $0x2;
	s13 =	sand.u32 $0x7, s7;
	v34 =	vadd.s32 $0x8, v25;
	v35 =	vadd.s32 $0xA, v25;
	v57 =	vand.u32 $0xFFFFFF80, v41;
	v20 =	vld.idx.msk [tilespmem:v20+s5+$0x0], $0xffff  }
0x115: {  	s10 =	sand.u32 $0xFFFFC000, s10;
	s13 =	sshll.u32 s13, $0x9;
	v37 =	vadd.s32 $0xC, v25;
	v48 =	vand.u32 $0x7F, v41;
	v49 =	vadd.s32 v40, v57;
	v46 =	vld.idx.msk [tilespmem:v46+s5+$0x0], $0xffff  }
0x116: {  	s10 =	sor.u32 s13, s10;
	v53 =	vand.u32 $0xFFFFFF80, v25;
	v50 =	vand.u32 $0xFFFFFF80, v39;
	v51 =	vor.u32 v48, v49;
	v42 =	vld.idx.msk [tilespmem:v42+s5+$0x0], $0xffff  }
0x117: {  	s10 =	sshrl.u32 s10, $0x2;
	v58 =	vand.u32 $0xFFFFFF80, v38;
	v59 =	vand.u32 $0xFFFFFF80, v36;
	v52 =	vand.u32 $0xFFFFFF80, v34;
	v43 =	vld.idx.msk [tilespmem:v43+s5+$0x0], $0xffff  }
0x118: {  	s13 =	sadd.s32 $0xA240, s10;
	v54 =	vand.u32 $0xFFFFFF80, v37;
	v53 =	vadd.s32 v40, v53;
	v60 =	vand.u32 $0x7F, v39;
	v55 =	vld.idx.msk [tilespmem:v44+s5+$0x0], $0xffff  }
0x119: {  	v61 =	vand.u32 $0x7F, v38;
	v62 =	vand.u32 $0x7F, v36;
	v50 =	vadd.s32 v40, v50;
	v21 =	vld.idx.msk [tilespmem:v21+s5+$0x0], $0xffff;
	[tilespmem:s13+$0x30] =	vst v20  }
0x11a: {  	v63 =	vand.u32 $0x7F, v37;
	v56 =	vadd.s32 v40, v59;
	v50 =	vor.u32 v60, v50;
	v57 =	vld.idx.msk [tilespmem:v47+s5+$0x0], $0xffff;
	[tilespmem:s13+$0xFFFFFFD0] =	vst v46  }
0x11b: {  	v59 =	vand.u32 $0x7F, v25;
	v48 =	vadd.s32 v40, v58;
	v47 =	vadd.s32 v40, v52;
	[tilespmem:s13+$0xFFFFFFF0] =	vst v42;
	v51 =	vld.idx.msk [tilespmem:v51+s5+$0x0], $0xffff  }
0x11c: {  	v52 =	vadd.s32 v40, v54;
	v58 =	vand.u32 $0x7F, v35;
	v44 =	vld.idx.msk [tilespmem:v45+s5+$0x0], $0xffff;
	v49 =	vor.u32 v61, v48;
	[tilespmem:s13+$0x0] =	vst v43  }
0x11d: {  	v48 =	vor.u32 v62, v56;
	v45 =	vor.u32 v63, v52;
	v20 =	vand.u32 $0xFFFFFF80, v35;
	[tilespmem:s13+$0x10] =	vst v55  }
0x11e: {  	v43 =	vor.u32 v59, v53;
	v20 =	vadd.s32 v40, v20;
	[tilespmem:s13+$0xFFFFFFE0] =	vst v21;
	v21 =	vand.u32 $0x7F, v34  }
0x11f: {  	s26 =	simm.s32 $0x8;
	s10 =	sadd.s32 $0x400, s13;
	v42 =	vadd.s32 $0x10, v25;
	[tilespmem:s13+$0x20] =	vst v57;
	v46 =	vor.u32 v21, v47;
	v47 =	vor.u32 v58, v20  }
.LBB2_20:
0x120: {  	v20 =	vadd.s32 $0x2, v42;
	v21 =	vadd.s32 $0x4, v42;
	v52 =	vadd.s32 $0xE, v42;
	s26 =	sadd.s32 $0x8, s26;
	[tilespmem:s10+$0x30] =	vst v51  }
0x121: {  	v53 =	vadd.s32 $0x6, v42;
	v54 =	vadd.s32 $0x8, v42;
	v51 =	vand.u32 $0xFFFFFF80, v52;
	p1 =	slt.u32 s26, $0x18;
	v50 =	vld.idx.msk [tilespmem:v50+s5+$0x0], $0xffff;
	[tilespmem:s13+$0xFFFFFFC0] =	vst v44;
	s13 =	smov.u32 s10  }
0x122: {  	v55 =	vadd.s32 $0xA, v42;
	v44 =	vand.u32 $0x7F, v52;
	v51 =	vadd.s32 v40, v51;
	v49 =	vld.idx.msk [tilespmem:v49+s5+$0x0], $0xffff  }
0x123: {  	v56 =	vadd.s32 $0xC, v42;
	v52 =	vand.u32 $0xFFFFFF80, v20;
	v51 =	vor.u32 v44, v51;
	v48 =	vld.idx.msk [tilespmem:v48+s5+$0x0], $0xffff  }
0x124: {  	v57 =	vand.u32 $0xFFFFFF80, v53;
	v58 =	vand.u32 $0xFFFFFF80, v54;
	v44 =	vand.u32 $0xFFFFFF80, v21;
	v59 =	vld.idx.msk [tilespmem:v46+s5+$0x0], $0xffff  }
0x125: {  	v60 =	vand.u32 $0xFFFFFF80, v55;
	v61 =	vand.u32 $0xFFFFFF80, v56;
	v46 =	vand.u32 $0xFFFFFF80, v42;
	v62 =	vld.idx.msk [tilespmem:v47+s5+$0x0], $0xffff  }
0x126: {  	v57 =	vadd.s32 v40, v57;
	v47 =	vadd.s32 v40, v52;
	v52 =	vadd.s32 v40, v44;
	v63 =	vld.idx.msk [tilespmem:v45+s5+$0x0], $0xffff  }
0x127: {  	v45 =	vadd.s32 v40, v58;
	v58 =	vadd.s32 v40, v60;
	v60 =	vadd.s32 v40, v61;
	v44 =	vld.idx.msk [tilespmem:v43+s5+$0x0], $0xffff  }
0x128: {  	v20 =	vand.u32 $0x7F, v20;
	v21 =	vand.u32 $0x7F, v21;
	v43 =	vadd.s32 v40, v46;
	v51 =	vld.idx.msk [tilespmem:v51+s5+$0x0], $0xffff;
	[tilespmem:s10+$0xFFFFFFD0] =	vst v50  }
.Ltmp11:
0x129: {  	v46 =	vand.u32 $0x7F, v53;
	v53 =	vand.u32 $0x7F, v54;
	v54 =	vand.u32 $0x7F, v55;
	[tilespmem:s10+$0xFFFFFFE0] =	vst v49;
	(pc) =	sbr.rel @p1 .LBB2_20-.Ltmp11, $4  }
0x12a: {  	v55 =	vand.u32 $0x7F, v42;
	v50 =	vor.u32 v20, v47;
	v20 =	vand.u32 $0x7F, v56;
	[tilespmem:s10+$0xFFFFFFF0] =	vst v48  }
0x12b: {  	v49 =	vor.u32 v21, v52;
	v48 =	vor.u32 v46, v57;
	v46 =	vor.u32 v53, v45;
	[tilespmem:s10+$0x0] =	vst v59  }
0x12c: {  	v43 =	vor.u32 v55, v43;
	v47 =	vor.u32 v54, v58;
	v45 =	vor.u32 v20, v60;
	[tilespmem:s10+$0x10] =	vst v62  }
0x12d: {  	v42 =	vadd.s32 $0x10, v42;
	s10 =	sadd.s32 $0x400, s10;
	[tilespmem:s13+$0x20] =	vst v63  }
0x12e: {  	_ =	sdelay $0x3  }
0x12f: {  	v20 =	vld.idx.msk [tilespmem:v50+s5+$0x0], $0xffff  }
0x130: {  	v21 =	vld.idx.msk [tilespmem:v49+s5+$0x0], $0xffff  }
0x131: {  	v40 =	vld.idx.msk [tilespmem:v48+s5+$0x0], $0xffff  }
0x132: {  	[tilespmem:s10+$0x30] =	vst v51;
	v42 =	vld.idx.msk [tilespmem:v46+s5+$0x0], $0xffff  }
0x133: {  	[tilespmem:s13+$0xFFFFFFC0] =	vst v44;
	v63 =	vld.idx.msk [tilespmem:v47+s5+$0x0], $0xffff  }
0x134: {  	v45 =	vld.idx.msk [tilespmem:v45+s5+$0x0], $0xffff;
	s11 =	sadd.s32 $0x1, s11;
	[tilespmem:s10+$0xFFFFFFD0] =	vst v20  }
0x135: {  	p1 =	sne.s32 s11, $0x40;
	v20 =	vld.idx.msk [tilespmem:v43+s5+$0x0], $0xffff;
	[tilespmem:s10+$0xFFFFFFE0] =	vst v21  }
.Ltmp12:
0x136: {  	[tilespmem:s10+$0xFFFFFFF0] =	vst v40;
	(pc) =	sbr.rel @p1 .LBB2_19-.Ltmp12, $4  }
0x137: {  	[tilespmem:s10+$0x0] =	vst v42  }
0x138: {  	[tilespmem:s10+$0x10] =	vst v63  }
0x139: {  	[tilespmem:s10+$0x20] =	vst v45  }
0x13a: {  	v26 =	vadd.s32 $0x1, v26;
	s8 =	sadd.s32 $0x200, s8;
	s7 =	sadd.s32 $0x1, s7;
	[tilespmem:s10+$0xFFFFFFC0] =	vst v20  }
0x13b: {  	_ =	sdelay $0x3  }
0x13c: {  	v20 =	vld.idx.msk [tilespmem:v4+s19+$0x0], $0xffff  }
0x13d: {  	v21 =	vld.idx.msk [tilespmem:v32+s19+$0x0], $0xffff  }
0x13e: {  	v26 =	vld.idx.msk [tilespmem:v27+s19+$0x0], $0xffff  }
0x13f: {  	v27 =	vld.idx.msk [tilespmem:v28+s19+$0x0], $0xffff  }
0x140: {  	v28 =	vld.idx.msk [tilespmem:v29+s19+$0x0], $0xffff  }
0x141: {  	v29 =	vld.idx.msk [tilespmem:v30+s19+$0x0], $0xffff  }
0x142: {  	v31 =	vld.idx.msk [tilespmem:v31+s19+$0x0], $0xffff  }
0x143: {  	v58 =	vld.idx.msk [tilespmem:v33+s19+$0x0], $0xffff  }
0x144: {  	v40 =	vld.idx.msk [tilespmem:v25+s19+$0x0], $0xffff  }
0x145: {  	v41 =	vld.idx.msk [tilespmem:v41+s19+$0x0], $0xffff  }
0x146: {  	v39 =	vld.idx.msk [tilespmem:v39+s19+$0x0], $0xffff;
	v20 =	vshll.u32 v20, $0x1;
	v21 =	vshll.u32 v21, $0x1;
	v26 =	vshll.u32 v26, $0x1  }
0x147: {  	v46 =	vld.idx.msk [tilespmem:v34+s19+$0x0], $0xffff;
	v28 =	vshll.u32 v28, $0x1;
	v59 =	vshll.u32 v29, $0x1;
	v60 =	vshll.u32 v31, $0x1  }
0x148: {  	s7 =	simm.s32 $0x12A40;
	v21 =	vor.u32 v1, v21;
	v30 =	vor.u32 v1, v26;
	v26 =	vshll.u32 v27, $0x1  }
0x149: {  	v61 =	vshll.u32 v58, $0x1;
	v27 =	vor.u32 v1, v26;
	[tilespmem:s7+$0x30] =	vst v21;
	v26 =	vadd.s32 $0x10, v25  }
0x14a: {  	v47 =	vshll.u32 v40, $0x1;
	v28 =	vor.u32 v1, v28;
	v21 =	vld.idx.msk [tilespmem:v38+s19+$0x0], $0xffff;
	[tilespmem:s7+$0xFFFFFFD0] =	vst v30;
	v44 =	vadd.s32 $0xE, v26  }
0x14b: {  	v45 =	vld.idx.msk [tilespmem:v36+s19+$0x0], $0xffff;
	v62 =	vshll.u32 v41, $0x1;
	v20 =	vor.u32 v1, v20;
	[tilespmem:s7+$0xFFFFFFF0] =	vst v28;
	v42 =	vadd.s32 $0x2, v26  }
0x14c: {  	v31 =	vld.idx.msk [tilespmem:v37+s19+$0x0], $0xffff;
	v63 =	vshll.u32 v39, $0x1;
	v41 =	vshll.u32 v46, $0x1;
	[tilespmem:s7+$0xFFFFFFC0] =	vst v20;
	v43 =	vadd.s32 $0x4, v26  }
0x14d: {  	s8 =	simm.s32 $0x12C40;
	v36 =	vor.u32 v1, v62;
	v40 =	vor.u32 v1, v61;
	[tilespmem:s7+$0xFFFFFFE0] =	vst v27;
	v33 =	vadd.s32 $0x6, v26;
	v27 =	vld.idx.msk [tilespmem:v35+s19+$0x0], $0xffff  }
0x14e: {  	v39 =	vor.u32 v1, v47;
	v20 =	vor.u32 v1, v59;
	[tilespmem:s8+$0x30] =	vst v36;
	v30 =	vadd.s32 $0x8, v26;
	v32 =	vld.idx.msk [tilespmem:v26+s19+$0x0], $0xffff  }
0x14f: {  	v29 =	vadd.s32 $0xA, v26;
	[tilespmem:s7+$0x0] =	vst v20;
	v20 =	vor.u32 v1, v63;
	v21 =	vshll.u32 v21, $0x1;
	v34 =	vld.idx.msk [tilespmem:v44+s19+$0x0], $0xffff  }
0x150: {  	v28 =	vadd.s32 $0xC, v26;
	[tilespmem:s8+$0xFFFFFFD0] =	vst v20;
	v36 =	vld.idx.msk [tilespmem:v42+s19+$0x0], $0xffff;
	v20 =	vor.u32 v1, v21;
	v21 =	vshll.u32 v45, $0x1  }
0x151: {  	s10 =	simm.s32 $0x10;
	v38 =	vor.u32 v1, v60;
	v37 =	vadd.s32 $0x10, v26;
	v35 =	vld.idx.msk [tilespmem:v43+s19+$0x0], $0xffff;
	[tilespmem:s8+$0xFFFFFFE0] =	vst v20;
	v42 =	vor.u32 v1, v21  }
.LBB2_23:
0x152: {  	v20 =	vadd.s32 $0x2, v37;
	v21 =	vadd.s32 $0x4, v37;
	v43 =	vadd.s32 $0xE, v37;
	s10 =	sadd.s32 $0x8, s10;
	v44 =	vld.idx.msk [tilespmem:v33+s19+$0x0], $0xffff;
	[tilespmem:s8+$0xFFFFFFF0] =	vst v42  }
0x153: {  	v33 =	vadd.s32 $0x6, v37;
	v42 =	vadd.s32 $0xA, v37;
	p1 =	slt.u32 s10, $0x18;
	v45 =	vld.idx.msk [tilespmem:v30+s19+$0x0], $0xffff;
	v30 =	vadd.s32 $0x8, v37;
	[tilespmem:s7+$0x10] =	vst v38  }
0x154: {  	v46 =	vshll.u32 v27, $0x1;
	v47 =	vshll.u32 v31, $0x1;
	v38 =	vadd.s32 $0xC, v37;
	v27 =	vld.idx.msk [tilespmem:v29+s19+$0x0], $0xffff;
	[tilespmem:s7+$0x20] =	vst v40;
	v29 =	vmovc v42;
	s7 =	smov.u32 s8  }
.Ltmp13:
0x155: {  	v42 =	vshll.u32 v32, $0x1;
	v34 =	vshll.u32 v34, $0x1;
	v31 =	vld.idx.msk [tilespmem:v28+s19+$0x0], $0xffff;
	[tilespmem:s8+$0xFFFFFFC0] =	vst v39;
	v39 =	vor.u32 v1, v41;
	v28 =	vmovc v38;
	(pc) =	sbr.rel @p1 .LBB2_23-.Ltmp13, $4  }
0x156: {  	v36 =	vshll.u32 v36, $0x1;
	v40 =	vor.u32 v1, v34;
	v38 =	vor.u32 v1, v46;
	s8 =	sadd.s32 $0x200, s8;
	v32 =	vld.idx.msk [tilespmem:v37+s19+$0x0], $0xffff;
	[tilespmem:s7+$0x0] =	vst v39  }
0x157: {  	v41 =	vor.u32 v1, v36;
	v35 =	vshll.u32 v35, $0x1;
	v34 =	vld.idx.msk [tilespmem:v43+s19+$0x0], $0xffff;
	[tilespmem:s8+$0x30] =	vst v40;
	v40 =	vor.u32 v1, v47  }
0x158: {  	v39 =	vor.u32 v1, v42;
	v36 =	vld.idx.msk [tilespmem:v20+s19+$0x0], $0xffff;
	[tilespmem:s8+$0xFFFFFFD0] =	vst v41;
	v20 =	vor.u32 v1, v35;
	v41 =	vshll.u32 v44, $0x1  }
0x159: {  	v37 =	vadd.s32 $0x10, v37;
	v35 =	vld.idx.msk [tilespmem:v21+s19+$0x0], $0xffff;
	[tilespmem:s8+$0xFFFFFFE0] =	vst v20;
	v42 =	vor.u32 v1, v41;
	v41 =	vshll.u32 v45, $0x1  }
0x15a: {  	_ =	sdelay $0x1  }
0x15b: {  	[tilespmem:s8+$0xFFFFFFF0] =	vst v42  }
0x15c: {  	[tilespmem:s7+$0x10] =	vst v38  }
0x15d: {  	v20 =	vld.idx.msk [tilespmem:v33+s19+$0x0], $0xffff;
	[tilespmem:s7+$0x20] =	vst v40  }
0x15e: {  	[tilespmem:s8+$0xFFFFFFC0] =	vst v39;
	v45 =	vor.u32 v1, v41;
	v27 =	vshll.u32 v27, $0x1;
	v28 =	vld.idx.msk [tilespmem:v28+s19+$0x0], $0xffff  }
0x15f: {  	[tilespmem:s8+$0x0] =	vst v45;
	v27 =	vor.u32 v1, v27;
	v21 =	vshll.u32 v34, $0x1  }
0x160: {  	s26 =	sadd.s32 $0x200, s8;
	[tilespmem:s8+$0x10] =	vst v27;
	v46 =	vshll.u32 v36, $0x1;
	v21 =	vor.u32 v1, v21  }
0x161: {  	v30 =	vld.idx.msk [tilespmem:v30+s19+$0x0], $0xffff;
	v47 =	vor.u32 v1, v46;
	v48 =	vshll.u32 v35, $0x1;
	[tilespmem:s26+$0x30] =	vst v21  }
0x162: {  	v21 =	vld.idx.msk [tilespmem:v29+s19+$0x0], $0xffff;
	[tilespmem:s26+$0xFFFFFFD0] =	vst v47;
	v29 =	vor.u32 v1, v48;
	v20 =	vshll.u32 v20, $0x1  }
0x163: {  	v28 =	vshll.u32 v28, $0x1;
	[tilespmem:s26+$0xFFFFFFE0] =	vst v29;
	v20 =	vor.u32 v1, v20  }
0x164: {  	v29 =	vshll.u32 v31, $0x1;
	v28 =	vor.u32 v1, v28;
	[tilespmem:s26+$0xFFFFFFF0] =	vst v20  }
0x165: {  	v20 =	vshll.u32 v32, $0x1;
	v29 =	vor.u32 v1, v29;
	[tilespmem:s26+$0x20] =	vst v28;
	v28 =	vadd.s32 $0x86, v4  }
0x166: {  	v27 =	vshll.u32 v30, $0x1;
	v31 =	vadd.s32 $0x8A, v4;
	v20 =	vor.u32 v1, v20;
	[tilespmem:s8+$0x20] =	vst v29  }
0x167: {  	v53 =	vadd.s32 $0x80, v25;
	v21 =	vshll.u32 v21, $0x1;
	[tilespmem:s26+$0xFFFFFFC0] =	vst v20;
	v20 =	vor.u32 v1, v27  }
0x168: {  	v29 =	vadd.s32 $0x8E, v4;
	[tilespmem:s26+$0x0] =	vst v20;
	v20 =	vor.u32 v1, v21  }
0x169: {  	v21 =	vadd.s32 $0x80, v4;
	[tilespmem:s26+$0x10] =	vst v20  }
0x16a: {  	v20 =	vadd.s32 $0x84, v4;
	v28 =	vld.idx.msk [tilespmem:v28+s19+$0x0], $0xffff  }
0x16b: {  	v27 =	vadd.s32 $0x82, v4;
	v31 =	vld.idx.msk [tilespmem:v31+s19+$0x0], $0xffff  }
0x16c: {  	v30 =	vadd.s32 $0x88, v4;
	v57 =	vld.idx.msk [tilespmem:v53+s19+$0x0], $0xffff  }
0x16d: {  	v49 =	vadd.s32 $0x8C, v4;
	v29 =	vld.idx.msk [tilespmem:v29+s19+$0x0], $0xffff  }
0x16e: {  	v50 =	vadd.s32 $0x8E, v25;
	v21 =	vld.idx.msk [tilespmem:v21+s19+$0x0], $0xffff  }
0x16f: {  	v51 =	vadd.s32 $0x82, v25;
	v52 =	vadd.s32 $0x84, v25;
	v20 =	vld.idx.msk [tilespmem:v20+s19+$0x0], $0xffff  }
0x170: {  	v37 =	vadd.s32 $0x86, v25;
	v54 =	vadd.s32 $0x88, v25;
	v55 =	vadd.s32 $0x8A, v25;
	v27 =	vld.idx.msk [tilespmem:v27+s19+$0x0], $0xffff  }
0x171: {  	v56 =	vadd.s32 $0x8C, v25;
	v59 =	vadd.s32 $0x8E, v26;
	v30 =	vld.idx.msk [tilespmem:v30+s19+$0x0], $0xffff;
	v34 =	vshll.u32 v57, $0x1  }
0x172: {  	v60 =	vadd.s32 $0x84, v26;
	s8 =	simm.s32 $0x12CF0;
	v32 =	vld.idx.msk [tilespmem:v49+s19+$0x0], $0xffff;
	v29 =	vshll.u32 v29, $0x1;
	v34 =	vor.u32 v2, v34  }
0x173: {  	s7 =	simm.s32 $0x12AF0;
	v43 =	vadd.s32 $0x80, v26;
	v33 =	vld.idx.msk [tilespmem:v50+s19+$0x0], $0xffff;
	v29 =	vor.u32 v2, v29;
	[tilespmem:s8+$0xFFFFFF90] =	vst v34;
	v21 =	vshll.u32 v21, $0x1  }
0x174: {  	v28 =	vshll.u32 v28, $0x1;
	[tilespmem:s7+$0x0] =	vst v29;
	v29 =	vld.idx.msk [tilespmem:v51+s19+$0x0], $0xffff;
	v21 =	vor.u32 v2, v21;
	v20 =	vshll.u32 v20, $0x1  }
0x175: {  	v58 =	vshll.u32 v31, $0x1;
	v27 =	vshll.u32 v27, $0x1;
	v20 =	vor.u32 v2, v20;
	[tilespmem:s7+$0xFFFFFF90] =	vst v21;
	v21 =	vld.idx.msk [tilespmem:v52+s19+$0x0], $0xffff  }
0x176: {  	v37 =	vld.idx.msk [tilespmem:v37+s19+$0x0], $0xffff;
	v31 =	vadd.s32 $0x86, v26;
	v27 =	vor.u32 v2, v27;
	[tilespmem:s7+$0xFFFFFFB0] =	vst v20;
	v20 =	vadd.s32 $0x82, v26  }
0x177: {  	v42 =	vld.idx.msk [tilespmem:v54+s19+$0x0], $0xffff;
	v63 =	vshll.u32 v32, $0x1;
	[tilespmem:s7+$0xFFFFFFA0] =	vst v27;
	v27 =	vor.u32 v2, v28;
	v28 =	vshll.u32 v30, $0x1  }
0x178: {  	v44 =	vld.idx.msk [tilespmem:v55+s19+$0x0], $0xffff;
	v38 =	vor.u32 v2, v58;
	v28 =	vor.u32 v2, v28;
	[tilespmem:s7+$0xFFFFFFC0] =	vst v27;
	v27 =	vshll.u32 v33, $0x1  }
0x179: {  	v36 =	vld.idx.msk [tilespmem:v43+s19+$0x0], $0xffff;
	v39 =	vor.u32 v2, v63;
	[tilespmem:s7+$0xFFFFFFD0] =	vst v28;
	v62 =	vor.u32 v2, v27;
	v61 =	vshll.u32 v29, $0x1  }
0x17a: {  	v32 =	vld.idx.msk [tilespmem:v59+s19+$0x0], $0xffff;
	v30 =	vadd.s32 $0x88, v26;
	[tilespmem:s8+$0x0] =	vst v62;
	v33 =	vor.u32 v2, v61;
	v21 =	vshll.u32 v21, $0x1  }
0x17b: {  	v28 =	vadd.s32 $0x8A, v26;
	[tilespmem:s8+$0xFFFFFFA0] =	vst v33;
	v35 =	vld.idx.msk [tilespmem:v20+s19+$0x0], $0xffff;
	v20 =	vor.u32 v2, v21;
	v21 =	vshll.u32 v37, $0x1  }
0x17c: {  	v27 =	vld.idx.msk [tilespmem:v56+s19+$0x0], $0xffff;
	v29 =	vadd.s32 $0x8C, v26;
	[tilespmem:s8+$0xFFFFFFB0] =	vst v20;
	v20 =	vor.u32 v2, v21;
	v21 =	vshll.u32 v42, $0x1  }
0x17d: {  	s10 =	simm.s32 $0x10;
	v34 =	vshll.u32 v44, $0x1;
	v33 =	vld.idx.msk [tilespmem:v60+s19+$0x0], $0xffff;
	v37 =	vadd.s32 $0x10, v26;
	[tilespmem:s8+$0xFFFFFFC0] =	vst v20;
	v40 =	vor.u32 v2, v21  }
.LBB2_25:
0x17e: {  	v20 =	vadd.s32 $0x82, v37;
	v21 =	vadd.s32 $0x84, v37;
	v41 =	vadd.s32 $0x8E, v37;
	s10 =	sadd.s32 $0x8, s10;
	v42 =	vld.idx.msk [tilespmem:v31+s19+$0x0], $0xffff;
	[tilespmem:s8+$0xFFFFFFD0] =	vst v40  }
0x17f: {  	v31 =	vadd.s32 $0x86, v37;
	v40 =	vadd.s32 $0x8A, v37;
	p1 =	slt.u32 s10, $0x18;
	v43 =	vld.idx.msk [tilespmem:v30+s19+$0x0], $0xffff;
	v30 =	vadd.s32 $0x88, v37;
	[tilespmem:s7+$0xFFFFFFE0] =	vst v38  }
0x180: {  	v44 =	vadd.s32 $0x80, v37;
	v38 =	vadd.s32 $0x8C, v37;
	v32 =	vshll.u32 v32, $0x1;
	v45 =	vld.idx.msk [tilespmem:v28+s19+$0x0], $0xffff;
	[tilespmem:s7+$0xFFFFFFF0] =	vst v39;
	v28 =	vmovc v40;
	s7 =	smov.u32 s8  }
0x181: {  	v35 =	vshll.u32 v35, $0x1;
	v32 =	vor.u32 v2, v32;
	v39 =	vshll.u32 v27, $0x1;
	s8 =	sadd.s32 $0x200, s8;
	v27 =	vld.idx.msk [tilespmem:v29+s19+$0x0], $0xffff;
	v29 =	vmovc v38  }
.Ltmp14:
0x182: {  	v36 =	vshll.u32 v36, $0x1;
	v35 =	vor.u32 v2, v35;
	v38 =	vor.u32 v2, v34;
	[tilespmem:s8+$0x0] =	vst v32;
	(pc) =	sbr.rel @p1 .LBB2_25-.Ltmp14, $4  }
0x183: {  	v39 =	vor.u32 v2, v39;
	v34 =	vor.u32 v2, v36;
	v33 =	vshll.u32 v33, $0x1;
	v32 =	vld.idx.msk [tilespmem:v41+s19+$0x0], $0xffff;
	[tilespmem:s8+$0xFFFFFFA0] =	vst v35  }
0x184: {  	v35 =	vld.idx.msk [tilespmem:v20+s19+$0x0], $0xffff;
	[tilespmem:s8+$0xFFFFFF90] =	vst v34;
	v20 =	vor.u32 v2, v33;
	v33 =	vshll.u32 v42, $0x1  }
0x185: {  	v34 =	vshll.u32 v43, $0x1;
	v36 =	vld.idx.msk [tilespmem:v44+s19+$0x0], $0xffff;
	[tilespmem:s8+$0xFFFFFFB0] =	vst v20;
	v20 =	vor.u32 v2, v33  }
0x186: {  	v37 =	vadd.s32 $0x10, v37;
	v40 =	vor.u32 v2, v34;
	v34 =	vshll.u32 v45, $0x1;
	v33 =	vld.idx.msk [tilespmem:v21+s19+$0x0], $0xffff;
	[tilespmem:s8+$0xFFFFFFC0] =	vst v20  }
0x187: {  	_ =	sdelay $0x3  }
0x188: {  	v20 =	vld.idx.msk [tilespmem:v31+s19+$0x0], $0xffff  }
0x189: {  	[tilespmem:s8+$0xFFFFFFD0] =	vst v40;
	v21 =	vld.idx.msk [tilespmem:v30+s19+$0x0], $0xffff  }
0x18a: {  	[tilespmem:s7+$0xFFFFFFE0] =	vst v38;
	v28 =	vld.idx.msk [tilespmem:v28+s19+$0x0], $0xffff;
	v30 =	vshll.u32 v32, $0x1  }
0x18b: {  	[tilespmem:s7+$0xFFFFFFF0] =	vst v39;
	s26 =	sadd.s32 $0x200, s8;
	v31 =	vshll.u32 v35, $0x1;
	v30 =	vor.u32 v2, v30  }
0x18c: {  	v63 =	vshll.u32 v36, $0x1;
	v31 =	vor.u32 v2, v31;
	[tilespmem:s26+$0x0] =	vst v30  }
0x18d: {  	v30 =	vor.u32 v2, v63;
	[tilespmem:s26+$0xFFFFFFA0] =	vst v31;
	v31 =	vshll.u32 v33, $0x1  }
0x18e: {  	v29 =	vld.idx.msk [tilespmem:v29+s19+$0x0], $0xffff;
	[tilespmem:s26+$0xFFFFFF90] =	vst v30;
	v30 =	vor.u32 v2, v31;
	v20 =	vshll.u32 v20, $0x1  }
0x18f: {  	v28 =	vshll.u32 v28, $0x1;
	[tilespmem:s26+$0xFFFFFFB0] =	vst v30;
	v20 =	vor.u32 v2, v20  }
0x190: {  	v21 =	vshll.u32 v21, $0x1;
	v28 =	vor.u32 v2, v28;
	[tilespmem:s26+$0xFFFFFFC0] =	vst v20  }
0x191: {  	v31 =	vadd.s32 $0x100, v4;
	v20 =	vor.u32 v2, v21;
	v21 =	vshll.u32 v27, $0x1;
	[tilespmem:s26+$0xFFFFFFE0] =	vst v28  }
0x192: {  	v28 =	vadd.s32 $0x104, v4;
	[tilespmem:s26+$0xFFFFFFD0] =	vst v20;
	v21 =	vor.u32 v2, v21  }
0x193: {  	v27 =	vor.u32 v2, v34;
	v20 =	vadd.s32 $0x10E, v4;
	[tilespmem:s8+$0xFFFFFFF0] =	vst v21;
	v21 =	vshll.u32 v29, $0x1  }
0x194: {  	p3 =	por $0x1, $0x1;
	[tilespmem:s8+$0xFFFFFFE0] =	vst v27;
	v27 =	vadd.s32 $0x102, v4;
	v21 =	vor.u32 v2, v21  }
.Ltmp15:
0x195: {  	[tilespmem:s26+$0xFFFFFFF0] =	vst v21;
	(pc) =	sbr.rel @!p3 .LBB2_27-.Ltmp15, $4  }
0x196: {  	v31 =	vld.idx.msk [tilespmem:v31+s19+$0x0], $0xffff  }
0x197: {  	v28 =	vld.idx.msk [tilespmem:v28+s19+$0x0], $0xffff  }
0x198: {  	v32 =	vadd.s32 $0x10A, v4;
	v29 =	vld.idx.msk [tilespmem:v20+s19+$0x0], $0xffff  }
0x199: {  	s7 =	simm.s32 $0x12B70;
	p1 =	por $0x0, $0x0;
	p2 =	por $0x0, $0x0;
	v33 =	vadd.s32 $0x10C, v4;
	v34 =	vadd.s32 $0x108, v4;
	v30 =	vld.idx.msk [tilespmem:v27+s19+$0x0], $0xffff;
	v27 =	vadd.s32 $0x106, v4  }
0x19a: {  	_ =	sdelay $0x2  }
0x19b: {  	v20 =	vadd.s32 $0x10E, v25  }
0x19c: {  	v21 =	vadd.s32 $0x102, v25;
	v35 =	vld.idx.msk [tilespmem:v27+s19+$0x0], $0xffff  }
0x19d: {  	v34 =	vld.idx.msk [tilespmem:v34+s19+$0x0], $0xffff;
	v37 =	vadd.s32 $0x100, v25;
	v27 =	vshll.u32 v29, $0x1  }
0x19e: {  	v38 =	vadd.s32 $0x104, v25;
	v40 =	vld.idx.msk [tilespmem:v32+s19+$0x0], $0xffff;
	p3 =	por $0x1, $0x1;
	v29 =	vshll.u32 v30, $0x1;
	v27 =	vor.u32 v3, v27  }
.Ltmp16:
0x19f: {  	v36 =	vld.idx.msk [tilespmem:v33+s19+$0x0], $0xffff;
	v30 =	vshll.u32 v31, $0x1;
	v31 =	vor.u32 v3, v29;
	[tilespmem:s7+$0x0] =	vst v27;
	(pc) =	sbr.rel @!p3 .LBB2_29-.Ltmp16, $4  }
0x1a0: {  	v32 =	vadd.s32 $0x108, v25;
	v28 =	vshll.u32 v28, $0x1;
	v29 =	vld.idx.msk [tilespmem:v20+s19+$0x0], $0xffff;
	v20 =	vor.u32 v3, v30;
	[tilespmem:s7+$0xFFFFFFA0] =	vst v31  }
0x1a1: {  	v33 =	vadd.s32 $0x10A, v25;
	v30 =	vld.idx.msk [tilespmem:v21+s19+$0x0], $0xffff;
	v21 =	vshll.u32 v35, $0x1;
	[tilespmem:s7+$0xFFFFFF90] =	vst v20;
	v20 =	vor.u32 v3, v28  }
0x1a2: {  	v27 =	vadd.s32 $0x106, v25;
	v31 =	vld.idx.msk [tilespmem:v37+s19+$0x0], $0xffff;
	[tilespmem:s7+$0xFFFFFFB0] =	vst v20;
	v20 =	vor.u32 v3, v21;
	v21 =	vshll.u32 v34, $0x1  }
0x1a3: {  	p1 =	por $0x1, $0x1;
	v35 =	vadd.s32 $0x10C, v25;
	v25 =	vshll.u32 v40, $0x1;
	v28 =	vld.idx.msk [tilespmem:v38+s19+$0x0], $0xffff;
	[tilespmem:s7+$0xFFFFFFC0] =	vst v20;
	v39 =	vor.u32 v3, v21  }
0x1a4: {  	_ =	sdelay $0x2  }
0x1a5: {  	v20 =	vadd.s32 $0x10E, v26  }
0x1a6: {  	v21 =	vld.idx.msk [tilespmem:v27+s19+$0x0], $0xffff;
	v38 =	vadd.s32 $0x102, v26;
	v40 =	vadd.s32 $0x104, v26;
	v27 =	vadd.s32 $0x106, v26  }
0x1a7: {  	v34 =	vadd.s32 $0x108, v26;
	v41 =	vld.idx.msk [tilespmem:v32+s19+$0x0], $0xffff;
	v42 =	vadd.s32 $0x100, v26;
	v29 =	vshll.u32 v29, $0x1  }
0x1a8: {  	[tilespmem:s7+$0xFFFFFFD0] =	vst v39;
	v32 =	vadd.s32 $0x10A, v26;
	v43 =	vld.idx.msk [tilespmem:v33+s19+$0x0], $0xffff;
	s8 =	simm.s32 $0x12D70;
	p3 =	por $0x1, $0x1;
	v30 =	vshll.u32 v30, $0x1;
	v29 =	vor.u32 v3, v29  }
.Ltmp17:
0x1a9: {  	v33 =	vadd.s32 $0x10C, v26;
	v35 =	vld.idx.msk [tilespmem:v35+s19+$0x0], $0xffff;
	v31 =	vshll.u32 v31, $0x1;
	v30 =	vor.u32 v3, v30;
	[tilespmem:s8+$0x0] =	vst v29;
	(pc) =	sbr.rel @!p3 .LBB2_31-.Ltmp17, $4  }
0x1aa: {  	v36 =	vshll.u32 v36, $0x1;
	[tilespmem:s8+$0xFFFFFFA0] =	vst v30;
	v28 =	vshll.u32 v28, $0x1;
	v29 =	vld.idx.msk [tilespmem:v20+s19+$0x0], $0xffff;
	v20 =	vor.u32 v3, v31  }
0x1ab: {  	v37 =	vor.u32 v3, v25;
	v30 =	vld.idx.msk [tilespmem:v38+s19+$0x0], $0xffff;
	v21 =	vshll.u32 v21, $0x1;
	[tilespmem:s8+$0xFFFFFF90] =	vst v20;
	v20 =	vor.u32 v3, v28  }
0x1ac: {  	v26 =	vadd.s32 $0x10, v26;
	v31 =	vld.idx.msk [tilespmem:v42+s19+$0x0], $0xffff;
	[tilespmem:s8+$0xFFFFFFB0] =	vst v20;
	v20 =	vor.u32 v3, v21;
	v21 =	vshll.u32 v41, $0x1  }
0x1ad: {  	s11 =	simm.s32 $0x10;
	p2 =	por $0x1, $0x1;
	s10 =	simm.s32 $0x12B70;
	v38 =	vor.u32 v3, v36;
	v25 =	vshll.u32 v43, $0x1;
	v28 =	vld.idx.msk [tilespmem:v40+s19+$0x0], $0xffff;
	[tilespmem:s8+$0xFFFFFFC0] =	vst v20;
	v39 =	vor.u32 v3, v21  }
.LBB2_32:
0x1ae: {  	v20 =	vadd.s32 $0x102, v26;
	v21 =	vadd.s32 $0x104, v26;
	v36 =	vadd.s32 $0x10E, v26;
	s11 =	sadd.s32 $0x8, s11;
	v40 =	vld.idx.msk [tilespmem:v27+s19+$0x0], $0xffff;
	[tilespmem:s8+$0xFFFFFFD0] =	vst v39  }
0x1af: {  	v27 =	vadd.s32 $0x106, v26;
	v39 =	vadd.s32 $0x10A, v26;
	p3 =	slt.u32 s11, $0x18;
	v41 =	vld.idx.msk [tilespmem:v34+s19+$0x0], $0xffff;
	v34 =	vadd.s32 $0x108, v26;
	[tilespmem:s10+$0xFFFFFFE0] =	vst v37  }
0x1b0: {  	v42 =	vadd.s32 $0x100, v26;
	v37 =	vadd.s32 $0x10C, v26;
	v29 =	vshll.u32 v29, $0x1;
	v43 =	vld.idx.msk [tilespmem:v32+s19+$0x0], $0xffff;
	[tilespmem:s10+$0xFFFFFFF0] =	vst v38;
	v32 =	vmovc v39;
	s10 =	smov.u32 s8  }
0x1b1: {  	v30 =	vshll.u32 v30, $0x1;
	v29 =	vor.u32 v3, v29;
	v38 =	vshll.u32 v35, $0x1;
	s8 =	sadd.s32 $0x200, s8;
	v35 =	vld.idx.msk [tilespmem:v33+s19+$0x0], $0xffff;
	v33 =	vmovc v37  }
.Ltmp18:
0x1b2: {  	v31 =	vshll.u32 v31, $0x1;
	v30 =	vor.u32 v3, v30;
	v37 =	vor.u32 v3, v25;
	[tilespmem:s8+$0x0] =	vst v29;
	(pc) =	sbr.rel @p3 .LBB2_32-.Ltmp18, $4  }
0x1b3: {  	v38 =	vor.u32 v3, v38;
	v25 =	vor.u32 v3, v31;
	v28 =	vshll.u32 v28, $0x1;
	v29 =	vld.idx.msk [tilespmem:v36+s19+$0x0], $0xffff;
	[tilespmem:s8+$0xFFFFFFA0] =	vst v30  }
0x1b4: {  	v30 =	vld.idx.msk [tilespmem:v20+s19+$0x0], $0xffff;
	[tilespmem:s8+$0xFFFFFF90] =	vst v25;
	v20 =	vor.u32 v3, v28;
	v25 =	vshll.u32 v40, $0x1  }
0x1b5: {  	v31 =	vld.idx.msk [tilespmem:v42+s19+$0x0], $0xffff;
	[tilespmem:s8+$0xFFFFFFB0] =	vst v20;
	v20 =	vor.u32 v3, v25;
	v25 =	vshll.u32 v41, $0x1  }
0x1b6: {  	v26 =	vadd.s32 $0x10, v26;
	v28 =	vld.idx.msk [tilespmem:v21+s19+$0x0], $0xffff;
	[tilespmem:s8+$0xFFFFFFC0] =	vst v20;
	v39 =	vor.u32 v3, v25;
	v25 =	vshll.u32 v43, $0x1  }
0x1b7: {  	v36 =	vmov v35  }
.LBB2_34:
0x1b8: {  	_ =	sdelay $0x2  }
0x1b9: {  	[tilespmem:s10+$0xFFFFFFE0] =	vst @p2 v37  }
0x1ba: {  	v20 =	vld.idx.msk [tilespmem:v27+s19+$0x0], $0xffff;
	v26 =	vshll.u32 v29, $0x1;
	[tilespmem:s10+$0xFFFFFFF0] =	vst @p2 v38;
	s10 =	sadd.s32 @p1 $0x200, s8  }
0x1bb: {  	v21 =	vld.idx.msk [tilespmem:v34+s19+$0x0], $0xffff;
	[tilespmem:s8+$0xFFFFFFD0] =	vst @p1 v39;
	v25 =	vor.u32 @p1 v3, v25;
	v26 =	vor.u32 v3, v26;
	s7 =	smov.u32 @p1 s10  }
0x1bc: {  	s8 =	smov.u32 @p1 s8;
	v27 =	vshll.u32 v30, $0x1;
	v25 =	vpsel p1, v25, v0;
	[tilespmem:s7+$0x0] =	vst v26  }
0x1bd: {  	v62 =	vshll.u32 v31, $0x1;
	v27 =	vor.u32 v3, v27;
	v26 =	vld.idx.msk [tilespmem:v32+s19+$0x0], $0xffff;
	[tilespmem:s8+$0xFFFFFFE0] =	vst @p1 v25  }
0x1be: {  	v63 =	vld.idx.msk [tilespmem:v33+s19+$0x0], $0xffff;
	v29 =	vor.u32 v3, v62;
	[tilespmem:s7+$0xFFFFFFA0] =	vst v27;
	v27 =	vshll.u32 v28, $0x1  }
0x1bf: {  	[tilespmem:s7+$0xFFFFFF90] =	vst v29;
	v27 =	vor.u32 v3, v27;
	v20 =	vshll.u32 v20, $0x1  }
0x1c0: {  	s31 =	sshll.u32 s31, $0x3;
	[tilespmem:s7+$0xFFFFFFB0] =	vst v27;
	v21 =	vshll.u32 v21, $0x1;
	v27 =	vshll.u32 @p1 v36, $0x1;
	v20 =	vor.u32 v3, v20  }
0x1c1: {  	s10 =	sand.u32 $0x1FFFFF8, s31;
	[tilespmem:s7+$0xFFFFFFC0] =	vst v20;
	v20 =	vor.u32 v3, v21;
	v21 =	vor.u32 @p1 v3, v27  }
0x1c2: {  	s10 =	sor.u32 $0x4, s10;
	[tilespmem:s7+$0xFFFFFFD0] =	vst v20;
	v20 =	vshll.u32 v26, $0x1;
	v21 =	vpsel p1, v21, v0  }
0x1c3: {  	s31 =	sadd.s32 $0x1, s6;
	s11 =	sshll.u32 s10, $0x7;
	[tilespmem:s8+$0xFFFFFFF0] =	vst @p1 v21;
	v21 =	vshll.u32 v63, $0x1;
	v20 =	vor.u32 v3, v20;
	p1 =	sne.s32 s6, s12  }
.Ltmp19:
0x1c4: {  	s26 =	sshll.u32 s10, $0x6;
	s8 =	sand.u32 $0x1FFFFE00, s11;
	v21 =	vor.u32 v3, v21;
	[tilespmem:s7+$0xFFFFFFE0] =	vst v20;
	(pc) =	sbr.rel @p1 .LBB2_2-.Ltmp19, $4  }
.Ltmp20:
0x1c5: {  	s13 =	sadd.s32 s4, s8;
	[tilespmem:s7+$0xFFFFFFF0] =	vst v21;
	s7 =	sand.u32 $0x1FFFFF00, s26;
	(pc) =	sbr.rel @!p1 .LBB2_35-.Ltmp20, $4  }
0x1c6: {  	[hbm4b:s13+s20] =	stream.strided.scatter [tilespmem:s24], [sflag:$0x1], $0x8000, s21, s20, $0x38;
	[tilespmem:$0x13A80] =	vst v63  }
0x1c7: {  	s6 =	smov.u32 s31;
	s7 =	sadd.s32 s3, s7  }
0x1c8: {  	[hbm4b:s7+s5] =	stream.linear.scatter [tilespmem:s25], [sflag:$0x2], $0x800, $0x38;
	[tilespmem:$0x13A80] =	vst v63  }
0x1c9: {  	_ = 	snop  }
.LBB2_11:
.Ltmp21:
0x1ca: {  	(pc) =	sbr.rel .LBB2_18-.Ltmp21, $2  }
0x1cb: {  	_ =	sdelay $0x2  }
0x1cc: {  	s8 =	simm.s32 $0x12370  }
.LBB2_27:
.Ltmp22:
0x1cd: {  	(pc) =	sbr.rel .LBB2_34-.Ltmp22, $2  }
0x1ce: {  	_ =	sdelay $0x2  }
0x1cf: {  	s8 =	simm.s32 $0x12B70  }
.LBB2_13:
.Ltmp23:
0x1d0: {  	(pc) =	sbr.rel .LBB2_18-.Ltmp23, $2  }
0x1d1: {  	_ =	sdelay $0x2  }
0x1d2: {  	s8 =	simm.s32 $0x12370;
	v34 =	vmov v32;
	v32 =	vmov v33;
	v33 =	vmov v35  }
.LBB2_29:
.Ltmp24:
0x1d3: {  	(pc) =	sbr.rel .LBB2_34-.Ltmp24, $2  }
0x1d4: {  	_ =	sdelay $0x2  }
0x1d5: {  	s8 =	simm.s32 $0x12B70;
	v34 =	vmov v32;
	v32 =	vmov v33;
	v33 =	vmov v35  }
.LBB2_15:
.Ltmp25:
0x1d6: {  	(pc) =	sbr.rel .LBB2_18-.Ltmp25, $2  }
0x1d7: {  	_ =	sdelay $0x2  }
0x1d8: {  	s10 =	simm.s32 $0x12370;
	v36 =	vmov v35  }
.LBB2_31:
.Ltmp26:
0x1d9: {  	(pc) =	sbr.rel .LBB2_34-.Ltmp26, $2  }
0x1da: {  	_ =	sdelay $0x2  }
0x1db: {  	s10 =	simm.s32 $0x12B70;
	v36 =	vmov v35  }
.LBB2_36:
0x1dc: {  	s6 =	simm.s32 $0x0;
	s7 =	rddreg [dreg:$0x6]  }
0x1dd: {  	[tilespmem:s29], [sflag:$0x3] =	stream.linear.gather [hbm4b:s7+s6], $0x800, $0x38;
	[tilespmem:$0x13A80] =	vst v63  }
0x1de: {  	_ =	swait.ge [sflag:s16], $0x800  }
0x1df: {  	v20 =	vimm.s32 $0x0;
	[sflag:s16] =	ssyncset.done $0x0  }
0x1e0: {  	v21 =	vor.u32 v0, v20;
	s26 =	rddreg [dreg:$0x7];
	[sflag:s16] =	ssyncadd.s32 $0xFFFFF800  }
0x1e1: {  	[tilespmem:s30], [sflag:$0x3] =	stream.linear.gather [hbm4b:s26+s6], $0x80, $0x38;
	[tilespmem:$0x13A80] =	vst v63  }
0x1e2: {  	_ =	swait.ge [sflag:s16], $0x80  }
0x1e3: {  	[sflag:s16] =	ssyncset.done $0x0  }
0x1e4: {  	[sflag:s16] =	ssyncadd.s32 $0xFFFFFF80  }
0x1e5: {  	v21 =	vld.idx.msk [tilespmem:v21+s29+$0x0], $0xffff  }
0x1e6: {  	v25 =	vor.u32 v5, v20;
	_ =	sdelay $0x1  }
0x1e7: {  	s31 =	sand.u32 $0x7000, s6;
	s8 =	sand.u32 $0x380, s6  }
0x1e8: {  	s7 =	sor.u32 s8, s31  }
0x1e9: {  	[tilespmem:s7+$0x2200] =	vst v21  }
0x1ea: {  	v21 =	vld.idx.msk [tilespmem:v25+s29+$0x0], $0xffff  }
0x1eb: {  	v25 =	vor.u32 v6, v20;
	_ =	sdelay $0x3  }
0x1ec: {  	[tilespmem:s7+$0x2210] =	vst v21  }
0x1ed: {  	v21 =	vld.idx.msk [tilespmem:v25+s29+$0x0], $0xffff  }
0x1ee: {  	v25 =	vor.u32 v7, v20;
	_ =	sdelay $0x3  }
0x1ef: {  	[tilespmem:s7+$0x2220] =	vst v21  }
0x1f0: {  	v21 =	vld.idx.msk [tilespmem:v25+s29+$0x0], $0xffff  }
0x1f1: {  	v25 =	vor.u32 v8, v20;
	_ =	sdelay $0x3  }
0x1f2: {  	[tilespmem:s7+$0x2230] =	vst v21  }
0x1f3: {  	v21 =	vld.idx.msk [tilespmem:v25+s29+$0x0], $0xffff  }
0x1f4: {  	v25 =	vor.u32 v9, v20;
	_ =	sdelay $0x3  }
0x1f5: {  	[tilespmem:s7+$0x2240] =	vst v21  }
0x1f6: {  	v21 =	vld.idx.msk [tilespmem:v25+s29+$0x0], $0xffff  }
0x1f7: {  	v25 =	vor.u32 v10, v20;
	_ =	sdelay $0x3  }
0x1f8: {  	[tilespmem:s7+$0x2250] =	vst v21  }
0x1f9: {  	v21 =	vld.idx.msk [tilespmem:v25+s29+$0x0], $0xffff  }
0x1fa: {  	v25 =	vor.u32 v11, v20;
	_ =	sdelay $0x3  }
0x1fb: {  	[tilespmem:s7+$0x2260] =	vst v21  }
0x1fc: {  	v21 =	vld.idx.msk [tilespmem:v25+s29+$0x0], $0xffff  }
0x1fd: {  	v25 =	vor.u32 v12, v20;
	_ =	sdelay $0x3  }
0x1fe: {  	[tilespmem:s7+$0x2270] =	vst v21  }
0x1ff: {  	v21 =	vld.idx.msk [tilespmem:v25+s29+$0x0], $0xffff  }
0x200: {  	v25 =	vor.u32 v13, v20;
	_ =	sdelay $0x3  }
0x201: {  	[tilespmem:s7+$0x2600] =	vst v21  }
0x202: {  	v21 =	vld.idx.msk [tilespmem:v25+s29+$0x0], $0xffff  }
0x203: {  	v25 =	vor.u32 v14, v20;
	_ =	sdelay $0x3  }
0x204: {  	[tilespmem:s7+$0x2610] =	vst v21  }
0x205: {  	v21 =	vld.idx.msk [tilespmem:v25+s29+$0x0], $0xffff  }
0x206: {  	v25 =	vor.u32 v15, v20;
	_ =	sdelay $0x3  }
0x207: {  	[tilespmem:s7+$0x2620] =	vst v21  }
0x208: {  	v21 =	vld.idx.msk [tilespmem:v25+s29+$0x0], $0xffff  }
0x209: {  	v25 =	vor.u32 v16, v20;
	_ =	sdelay $0x3  }
0x20a: {  	[tilespmem:s7+$0x2630] =	vst v21  }
0x20b: {  	v21 =	vld.idx.msk [tilespmem:v25+s29+$0x0], $0xffff  }
0x20c: {  	v25 =	vor.u32 v17, v20;
	_ =	sdelay $0x3  }
0x20d: {  	[tilespmem:s7+$0x2640] =	vst v21  }
0x20e: {  	v21 =	vld.idx.msk [tilespmem:v25+s29+$0x0], $0xffff  }
0x20f: {  	v25 =	vor.u32 v18, v20;
	_ =	sdelay $0x3  }
0x210: {  	[tilespmem:s7+$0x2650] =	vst v21  }
0x211: {  	v21 =	vld.idx.msk [tilespmem:v25+s29+$0x0], $0xffff  }
0x212: {  	v26 =	vor.u32 v19, v20;
	_ =	sdelay $0x3  }
0x213: {  	[tilespmem:s7+$0x2660] =	vst v21  }
0x214: {  	v25 =	vadd.s32 $0x20, v20;
	v26 =	vld.idx.msk [tilespmem:v26+s29+$0x0], $0xffff  }
0x215: {  	s11 =	simm.s32 $0x400;
	s8 =	simm.s32 $0x200;
	v27 =	vor.u32 v0, v25  }
.LBB2_37:
0x216: {  	p1 =	sne.s32 s11, $0x7E00;
	_ =	sdelay $0x2  }
0x217: {  	[tilespmem:s7+$0x2670] =	vst v26  }
0x218: {  	v20 =	vld.idx.msk [tilespmem:v27+s29+$0x0], $0xffff;
	_ =	sdelay $0x1  }
0x219: {  	v21 =	vor.u32 v5, v25  }
0x21a: {  	s6 =	sadd.s32 $0x80, s6  }
0x21b: {  	s10 =	sand.u32 $0x380, s6;
	s7 =	sand.u32 $0x7000, s8;
	s8 =	smov.u32 s11  }
0x21c: {  	s7 =	sor.u32 s10, s7  }
0x21d: {  	[tilespmem:s7+$0x2200] =	vst v20  }
0x21e: {  	v20 =	vld.idx.msk [tilespmem:v21+s29+$0x0], $0xffff;
	_ =	sdelay $0x1  }
0x21f: {  	v21 =	vor.u32 v6, v25;
	_ =	sdelay $0x3  }
0x220: {  	[tilespmem:s7+$0x2210] =	vst v20  }
0x221: {  	v20 =	vld.idx.msk [tilespmem:v21+s29+$0x0], $0xffff;
	_ =	sdelay $0x1  }
0x222: {  	v21 =	vor.u32 v7, v25;
	_ =	sdelay $0x3  }
0x223: {  	[tilespmem:s7+$0x2220] =	vst v20  }
0x224: {  	v20 =	vld.idx.msk [tilespmem:v21+s29+$0x0], $0xffff;
	_ =	sdelay $0x1  }
0x225: {  	v21 =	vor.u32 v8, v25;
	_ =	sdelay $0x3  }
0x226: {  	[tilespmem:s7+$0x2230] =	vst v20  }
0x227: {  	v20 =	vld.idx.msk [tilespmem:v21+s29+$0x0], $0xffff;
	_ =	sdelay $0x1  }
0x228: {  	v21 =	vor.u32 v9, v25;
	_ =	sdelay $0x3  }
0x229: {  	[tilespmem:s7+$0x2240] =	vst v20  }
0x22a: {  	v20 =	vld.idx.msk [tilespmem:v21+s29+$0x0], $0xffff;
	_ =	sdelay $0x1  }
0x22b: {  	v21 =	vor.u32 v10, v25;
	_ =	sdelay $0x3  }
0x22c: {  	[tilespmem:s7+$0x2250] =	vst v20  }
0x22d: {  	v20 =	vld.idx.msk [tilespmem:v21+s29+$0x0], $0xffff;
	_ =	sdelay $0x1  }
0x22e: {  	v21 =	vor.u32 v11, v25;
	_ =	sdelay $0x3  }
0x22f: {  	[tilespmem:s7+$0x2260] =	vst v20  }
0x230: {  	v20 =	vld.idx.msk [tilespmem:v21+s29+$0x0], $0xffff;
	_ =	sdelay $0x1  }
0x231: {  	v21 =	vor.u32 v12, v25;
	_ =	sdelay $0x3  }
0x232: {  	[tilespmem:s7+$0x2270] =	vst v20  }
0x233: {  	v20 =	vld.idx.msk [tilespmem:v21+s29+$0x0], $0xffff;
	_ =	sdelay $0x1  }
0x234: {  	v21 =	vor.u32 v13, v25;
	_ =	sdelay $0x3  }
0x235: {  	[tilespmem:s7+$0x2600] =	vst v20  }
0x236: {  	v20 =	vld.idx.msk [tilespmem:v21+s29+$0x0], $0xffff;
	_ =	sdelay $0x1  }
0x237: {  	v21 =	vor.u32 v14, v25;
	_ =	sdelay $0x3  }
0x238: {  	[tilespmem:s7+$0x2610] =	vst v20  }
0x239: {  	v20 =	vld.idx.msk [tilespmem:v21+s29+$0x0], $0xffff;
	_ =	sdelay $0x1  }
0x23a: {  	v21 =	vor.u32 v15, v25;
	_ =	sdelay $0x3  }
0x23b: {  	[tilespmem:s7+$0x2620] =	vst v20  }
0x23c: {  	v20 =	vld.idx.msk [tilespmem:v21+s29+$0x0], $0xffff;
	_ =	sdelay $0x1  }
0x23d: {  	v21 =	vor.u32 v16, v25;
	_ =	sdelay $0x3  }
0x23e: {  	[tilespmem:s7+$0x2630] =	vst v20  }
0x23f: {  	v20 =	vld.idx.msk [tilespmem:v21+s29+$0x0], $0xffff;
	_ =	sdelay $0x1  }
0x240: {  	v21 =	vor.u32 v17, v25;
	_ =	sdelay $0x3  }
0x241: {  	[tilespmem:s7+$0x2640] =	vst v20  }
0x242: {  	v20 =	vld.idx.msk [tilespmem:v21+s29+$0x0], $0xffff;
	_ =	sdelay $0x1  }
0x243: {  	v21 =	vor.u32 v18, v25;
	_ =	sdelay $0x3  }
0x244: {  	[tilespmem:s7+$0x2650] =	vst v20  }
0x245: {  	v20 =	vld.idx.msk [tilespmem:v21+s29+$0x0], $0xffff;
	_ =	sdelay $0x1  }
0x246: {  	v21 =	vor.u32 v19, v25;
	_ =	sdelay $0x2  }
.Ltmp27:
0x247: {  	(pc) =	sbr.rel @p1 .LBB2_37-.Ltmp27, $4  }
0x248: {  	[tilespmem:s7+$0x2660] =	vst v20  }
0x249: {  	v26 =	vld.idx.msk [tilespmem:v21+s29+$0x0], $0xffff  }
0x24a: {  	v25 =	vadd.s32 $0x20, v25  }
0x24b: {  	s11 =	sadd.s32 $0x200, s11;
	v27 =	vor.u32 v0, v25  }
0x24c: {  	_ =	sdelay $0x2  }
0x24d: {  	[tilespmem:s7+$0x2670] =	vst v26  }
0x24e: {  	v20 =	vld.idx.msk [tilespmem:v27+s29+$0x0], $0xffff  }
0x24f: {  	v21 =	vor.u32 v5, v25  }
0x250: {  	s6 =	sadd.s32 $0x80, s6  }
0x251: {  	s10 =	sand.u32 $0x7000, s8;
	s6 =	sand.u32 $0x380, s6  }
0x252: {  	s6 =	sor.u32 s6, s10  }
0x253: {  	[tilespmem:s6+$0x2200] =	vst v20  }
0x254: {  	v20 =	vld.idx.msk [tilespmem:v21+s29+$0x0], $0xffff  }
0x255: {  	v21 =	vor.u32 v6, v25;
	_ =	sdelay $0x3  }
0x256: {  	[tilespmem:s6+$0x2210] =	vst v20  }
0x257: {  	v20 =	vld.idx.msk [tilespmem:v21+s29+$0x0], $0xffff  }
0x258: {  	v21 =	vor.u32 v7, v25;
	_ =	sdelay $0x3  }
0x259: {  	[tilespmem:s6+$0x2220] =	vst v20  }
0x25a: {  	v20 =	vld.idx.msk [tilespmem:v21+s29+$0x0], $0xffff  }
0x25b: {  	v21 =	vor.u32 v8, v25;
	_ =	sdelay $0x3  }
0x25c: {  	[tilespmem:s6+$0x2230] =	vst v20  }
0x25d: {  	v20 =	vld.idx.msk [tilespmem:v21+s29+$0x0], $0xffff  }
0x25e: {  	v21 =	vor.u32 v9, v25;
	_ =	sdelay $0x3  }
0x25f: {  	[tilespmem:s6+$0x2240] =	vst v20  }
0x260: {  	v20 =	vld.idx.msk [tilespmem:v21+s29+$0x0], $0xffff  }
0x261: {  	v21 =	vor.u32 v10, v25;
	_ =	sdelay $0x3  }
0x262: {  	[tilespmem:s6+$0x2250] =	vst v20  }
0x263: {  	v20 =	vld.idx.msk [tilespmem:v21+s29+$0x0], $0xffff  }
0x264: {  	v21 =	vor.u32 v11, v25;
	_ =	sdelay $0x3  }
0x265: {  	[tilespmem:s6+$0x2260] =	vst v20  }
0x266: {  	v20 =	vld.idx.msk [tilespmem:v21+s29+$0x0], $0xffff  }
0x267: {  	v21 =	vor.u32 v12, v25;
	_ =	sdelay $0x3  }
0x268: {  	[tilespmem:s6+$0x2270] =	vst v20  }
0x269: {  	v20 =	vld.idx.msk [tilespmem:v21+s29+$0x0], $0xffff  }
0x26a: {  	v21 =	vor.u32 v13, v25;
	_ =	sdelay $0x3  }
0x26b: {  	[tilespmem:s6+$0x2600] =	vst v20  }
0x26c: {  	v20 =	vld.idx.msk [tilespmem:v21+s29+$0x0], $0xffff  }
0x26d: {  	v21 =	vor.u32 v14, v25;
	_ =	sdelay $0x3  }
0x26e: {  	[tilespmem:s6+$0x2610] =	vst v20  }
0x26f: {  	v20 =	vld.idx.msk [tilespmem:v21+s29+$0x0], $0xffff  }
0x270: {  	v21 =	vor.u32 v15, v25;
	_ =	sdelay $0x3  }
0x271: {  	[tilespmem:s6+$0x2620] =	vst v20  }
0x272: {  	v20 =	vld.idx.msk [tilespmem:v21+s29+$0x0], $0xffff  }
0x273: {  	v21 =	vor.u32 v16, v25;
	_ =	sdelay $0x3  }
0x274: {  	[tilespmem:s6+$0x2630] =	vst v20  }
0x275: {  	v20 =	vld.idx.msk [tilespmem:v21+s29+$0x0], $0xffff  }
0x276: {  	v21 =	vor.u32 v17, v25;
	_ =	sdelay $0x3  }
0x277: {  	[tilespmem:s6+$0x2640] =	vst v20  }
0x278: {  	v20 =	vld.idx.msk [tilespmem:v21+s29+$0x0], $0xffff  }
0x279: {  	v21 =	vor.u32 v18, v25;
	_ =	sdelay $0x3  }
0x27a: {  	[tilespmem:s6+$0x2650] =	vst v20  }
0x27b: {  	v20 =	vld.idx.msk [tilespmem:v21+s29+$0x0], $0xffff  }
0x27c: {  	v21 =	vor.u32 v19, v25;
	_ =	sdelay $0x3  }
0x27d: {  	[tilespmem:s6+$0x2660] =	vst v20  }
0x27e: {  	v20 =	vld.idx.msk [tilespmem:v21+s29+$0x0], $0xffff;
	_ =	sdelay $0x4  }
0x27f: {  	[tilespmem:s6+$0x2670] =	vst v20  }
0x280: {  	v20 =	vld.idx.msk [tilespmem:v0+s30+$0x0], $0xffff;
	_ =	sdelay $0x4  }
0x281: {  	v20 =	vshll.u32 v20, $0x1  }
0x282: {  	v20 =	vor.u32 v1, v20  }
0x283: {  	[tilespmem:$0x12200] =	vst v20  }
0x284: {  	v20 =	vld.idx.msk [tilespmem:v5+s30+$0x0], $0xffff;
	_ =	sdelay $0x4  }
0x285: {  	v20 =	vshll.u32 v20, $0x1  }
0x286: {  	v20 =	vor.u32 v1, v20  }
0x287: {  	[tilespmem:$0x12210] =	vst v20  }
0x288: {  	v20 =	vld.idx.msk [tilespmem:v6+s30+$0x0], $0xffff;
	_ =	sdelay $0x4  }
0x289: {  	v20 =	vshll.u32 v20, $0x1  }
0x28a: {  	v20 =	vor.u32 v1, v20  }
0x28b: {  	[tilespmem:$0x12220] =	vst v20  }
0x28c: {  	v20 =	vld.idx.msk [tilespmem:v7+s30+$0x0], $0xffff;
	_ =	sdelay $0x4  }
0x28d: {  	v20 =	vshll.u32 v20, $0x1  }
0x28e: {  	v20 =	vor.u32 v1, v20  }
0x28f: {  	[tilespmem:$0x12230] =	vst v20  }
0x290: {  	v20 =	vld.idx.msk [tilespmem:v8+s30+$0x0], $0xffff;
	_ =	sdelay $0x4  }
0x291: {  	v20 =	vshll.u32 v20, $0x1  }
0x292: {  	v20 =	vor.u32 v1, v20  }
0x293: {  	[tilespmem:$0x12240] =	vst v20  }
0x294: {  	v20 =	vld.idx.msk [tilespmem:v9+s30+$0x0], $0xffff;
	_ =	sdelay $0x4  }
0x295: {  	v20 =	vshll.u32 v20, $0x1  }
0x296: {  	v20 =	vor.u32 v1, v20  }
0x297: {  	[tilespmem:$0x12250] =	vst v20  }
0x298: {  	v20 =	vld.idx.msk [tilespmem:v10+s30+$0x0], $0xffff;
	_ =	sdelay $0x4  }
0x299: {  	v20 =	vshll.u32 v20, $0x1  }
0x29a: {  	v20 =	vor.u32 v1, v20  }
0x29b: {  	[tilespmem:$0x12260] =	vst v20  }
0x29c: {  	v20 =	vld.idx.msk [tilespmem:v11+s30+$0x0], $0xffff;
	_ =	sdelay $0x4  }
0x29d: {  	v20 =	vshll.u32 v20, $0x1  }
0x29e: {  	v20 =	vor.u32 v1, v20  }
0x29f: {  	[tilespmem:$0x12270] =	vst v20  }
0x2a0: {  	v20 =	vld.idx.msk [tilespmem:v12+s30+$0x0], $0xffff;
	_ =	sdelay $0x4  }
0x2a1: {  	v20 =	vshll.u32 v20, $0x1  }
0x2a2: {  	v20 =	vor.u32 v1, v20  }
0x2a3: {  	[tilespmem:$0x12400] =	vst v20  }
0x2a4: {  	v20 =	vld.idx.msk [tilespmem:v13+s30+$0x0], $0xffff;
	_ =	sdelay $0x4  }
0x2a5: {  	v20 =	vshll.u32 v20, $0x1  }
0x2a6: {  	v20 =	vor.u32 v1, v20  }
0x2a7: {  	[tilespmem:$0x12410] =	vst v20  }
0x2a8: {  	v20 =	vld.idx.msk [tilespmem:v14+s30+$0x0], $0xffff;
	_ =	sdelay $0x4  }
0x2a9: {  	v20 =	vshll.u32 v20, $0x1  }
0x2aa: {  	v20 =	vor.u32 v1, v20  }
0x2ab: {  	[tilespmem:$0x12420] =	vst v20  }
0x2ac: {  	v20 =	vld.idx.msk [tilespmem:v15+s30+$0x0], $0xffff;
	_ =	sdelay $0x4  }
0x2ad: {  	v20 =	vshll.u32 v20, $0x1  }
0x2ae: {  	v20 =	vor.u32 v1, v20  }
0x2af: {  	[tilespmem:$0x12430] =	vst v20  }
0x2b0: {  	v20 =	vld.idx.msk [tilespmem:v16+s30+$0x0], $0xffff;
	_ =	sdelay $0x4  }
0x2b1: {  	v20 =	vshll.u32 v20, $0x1  }
0x2b2: {  	v20 =	vor.u32 v1, v20  }
0x2b3: {  	[tilespmem:$0x12440] =	vst v20  }
0x2b4: {  	v20 =	vld.idx.msk [tilespmem:v17+s30+$0x0], $0xffff;
	_ =	sdelay $0x4  }
0x2b5: {  	v20 =	vshll.u32 v20, $0x1  }
0x2b6: {  	v20 =	vor.u32 v1, v20  }
0x2b7: {  	[tilespmem:$0x12450] =	vst v20  }
0x2b8: {  	v20 =	vld.idx.msk [tilespmem:v18+s30+$0x0], $0xffff;
	_ =	sdelay $0x4  }
0x2b9: {  	v20 =	vshll.u32 v20, $0x1  }
0x2ba: {  	v20 =	vor.u32 v1, v20  }
0x2bb: {  	[tilespmem:$0x12460] =	vst v20  }
0x2bc: {  	v20 =	vld.idx.msk [tilespmem:v19+s30+$0x0], $0xffff;
	_ =	sdelay $0x4  }
0x2bd: {  	v20 =	vshll.u32 v20, $0x1  }
0x2be: {  	v20 =	vor.u32 v1, v20  }
0x2bf: {  	[tilespmem:$0x12470] =	vst v20;
	v20 =	vld [tilespmem:$0x1FFE0];
	_ =	sdelay $0x7  }
0x2c0: {  	v20 =	vld.idx.msk [tilespmem:v20+s30+$0x0], $0xffff;
	_ =	sdelay $0x4  }
0x2c1: {  	v20 =	vshll.u32 v20, $0x1  }
0x2c2: {  	v20 =	vor.u32 v2, v20  }
0x2c3: {  	[tilespmem:$0x12280] =	vst v20;
	v20 =	vld [tilespmem:$0x1FFF0];
	_ =	sdelay $0x7  }
0x2c4: {  	v20 =	vld.idx.msk [tilespmem:v20+s30+$0x0], $0xffff;
	_ =	sdelay $0x4  }
0x2c5: {  	v20 =	vshll.u32 v20, $0x1  }
0x2c6: {  	v20 =	vor.u32 v2, v20  }
0x2c7: {  	[tilespmem:$0x12290] =	vst v20  }
0x2c8: {  	v20 =	vld.idx.msk [tilespmem:v22+s30+$0x0], $0xffff;
	_ =	sdelay $0x4  }
0x2c9: {  	v20 =	vshll.u32 v20, $0x1  }
0x2ca: {  	v20 =	vor.u32 v2, v20  }
0x2cb: {  	[tilespmem:$0x122A0] =	vst v20  }
0x2cc: {  	v20 =	vld.idx.msk [tilespmem:v23+s30+$0x0], $0xffff;
	_ =	sdelay $0x4  }
0x2cd: {  	v20 =	vshll.u32 v20, $0x1  }
0x2ce: {  	v20 =	vor.u32 v2, v20  }
0x2cf: {  	[tilespmem:$0x122B0] =	vst v20  }
0x2d0: {  	v20 =	vld.idx.msk [tilespmem:v24+s30+$0x0], $0xffff;
	_ =	sdelay $0x2  }
0x2d1: {  	v21 =	vor.u32 $0x2A, v0;
	_ =	sdelay $0x1  }
0x2d2: {  	v20 =	vshll.u32 v20, $0x1  }
0x2d3: {  	v20 =	vor.u32 v2, v20  }
0x2d4: {  	[tilespmem:$0x122C0] =	vst v20  }
0x2d5: {  	v20 =	vld.idx.msk [tilespmem:v21+s30+$0x0], $0xffff;
	_ =	sdelay $0x2  }
0x2d6: {  	v21 =	vor.u32 $0x2C, v0;
	_ =	sdelay $0x1  }
0x2d7: {  	v20 =	vshll.u32 v20, $0x1  }
0x2d8: {  	v20 =	vor.u32 v2, v20  }
0x2d9: {  	[tilespmem:$0x122D0] =	vst v20  }
0x2da: {  	v20 =	vld.idx.msk [tilespmem:v21+s30+$0x0], $0xffff;
	_ =	sdelay $0x2  }
0x2db: {  	v21 =	vor.u32 $0x2E, v0;
	_ =	sdelay $0x1  }
0x2dc: {  	v20 =	vshll.u32 v20, $0x1  }
0x2dd: {  	v20 =	vor.u32 v2, v20  }
0x2de: {  	[tilespmem:$0x122E0] =	vst v20  }
0x2df: {  	v20 =	vld.idx.msk [tilespmem:v21+s30+$0x0], $0xffff;
	_ =	sdelay $0x2  }
0x2e0: {  	v21 =	vor.u32 $0x30, v0;
	_ =	sdelay $0x1  }
0x2e1: {  	v20 =	vshll.u32 v20, $0x1  }
0x2e2: {  	v20 =	vor.u32 v2, v20  }
0x2e3: {  	[tilespmem:$0x122F0] =	vst v20  }
0x2e4: {  	v20 =	vld.idx.msk [tilespmem:v21+s30+$0x0], $0xffff;
	_ =	sdelay $0x2  }
0x2e5: {  	v21 =	vor.u32 $0x32, v0;
	_ =	sdelay $0x1  }
0x2e6: {  	v20 =	vshll.u32 v20, $0x1  }
0x2e7: {  	v20 =	vor.u32 v2, v20  }
0x2e8: {  	[tilespmem:$0x12480] =	vst v20  }
0x2e9: {  	v20 =	vld.idx.msk [tilespmem:v21+s30+$0x0], $0xffff;
	_ =	sdelay $0x2  }
0x2ea: {  	v21 =	vor.u32 $0x34, v0;
	_ =	sdelay $0x1  }
0x2eb: {  	v20 =	vshll.u32 v20, $0x1  }
0x2ec: {  	v20 =	vor.u32 v2, v20  }
0x2ed: {  	[tilespmem:$0x12490] =	vst v20  }
0x2ee: {  	v20 =	vld.idx.msk [tilespmem:v21+s30+$0x0], $0xffff;
	_ =	sdelay $0x2  }
0x2ef: {  	v21 =	vor.u32 $0x36, v0;
	_ =	sdelay $0x1  }
0x2f0: {  	v20 =	vshll.u32 v20, $0x1  }
0x2f1: {  	v20 =	vor.u32 v2, v20  }
0x2f2: {  	[tilespmem:$0x124A0] =	vst v20  }
0x2f3: {  	v20 =	vld.idx.msk [tilespmem:v21+s30+$0x0], $0xffff;
	_ =	sdelay $0x2  }
0x2f4: {  	v21 =	vor.u32 $0x38, v0;
	_ =	sdelay $0x1  }
0x2f5: {  	v20 =	vshll.u32 v20, $0x1  }
0x2f6: {  	v20 =	vor.u32 v2, v20  }
0x2f7: {  	[tilespmem:$0x124B0] =	vst v20  }
0x2f8: {  	v20 =	vld.idx.msk [tilespmem:v21+s30+$0x0], $0xffff;
	_ =	sdelay $0x2  }
0x2f9: {  	v21 =	vor.u32 $0x3A, v0;
	_ =	sdelay $0x1  }
0x2fa: {  	v20 =	vshll.u32 v20, $0x1  }
0x2fb: {  	v20 =	vor.u32 v2, v20  }
0x2fc: {  	[tilespmem:$0x124C0] =	vst v20  }
0x2fd: {  	v20 =	vld.idx.msk [tilespmem:v21+s30+$0x0], $0xffff;
	_ =	sdelay $0x2  }
0x2fe: {  	v21 =	vor.u32 $0x3C, v0;
	_ =	sdelay $0x1  }
0x2ff: {  	v20 =	vshll.u32 v20, $0x1  }
0x300: {  	v20 =	vor.u32 v2, v20  }
0x301: {  	[tilespmem:$0x124D0] =	vst v20  }
0x302: {  	v20 =	vld.idx.msk [tilespmem:v21+s30+$0x0], $0xffff;
	_ =	sdelay $0x2  }
0x303: {  	v21 =	vor.u32 $0x3E, v0;
	_ =	sdelay $0x1  }
0x304: {  	v20 =	vshll.u32 v20, $0x1  }
0x305: {  	v20 =	vor.u32 v2, v20  }
0x306: {  	[tilespmem:$0x124E0] =	vst v20  }
0x307: {  	v20 =	vld.idx.msk [tilespmem:v21+s30+$0x0], $0xffff;
	_ =	sdelay $0x4  }
0x308: {  	v20 =	vshll.u32 v20, $0x1  }
0x309: {  	v20 =	vor.u32 v2, v20  }
0x30a: {  	[tilespmem:$0x124F0] =	vst v20  }
0x30b: {  	v20 =	vld.idx.msk [tilespmem:v4+s30+$0x0], $0xffff;
	_ =	sdelay $0x2  }
0x30c: {  	v21 =	vor.u32 $0x42, v0;
	_ =	sdelay $0x1  }
0x30d: {  	v20 =	vshll.u32 v20, $0x1  }
0x30e: {  	v20 =	vor.u32 v3, v20  }
0x30f: {  	[tilespmem:$0x12300] =	vst v20  }
0x310: {  	v20 =	vld.idx.msk [tilespmem:v21+s30+$0x0], $0xffff;
	_ =	sdelay $0x2  }
0x311: {  	v21 =	vor.u32 $0x44, v0;
	_ =	sdelay $0x1  }
0x312: {  	v20 =	vshll.u32 v20, $0x1  }
0x313: {  	v20 =	vor.u32 v3, v20  }
0x314: {  	[tilespmem:$0x12310] =	vst v20  }
0x315: {  	v20 =	vld.idx.msk [tilespmem:v21+s30+$0x0], $0xffff;
	_ =	sdelay $0x2  }
0x316: {  	v21 =	vor.u32 $0x46, v0;
	_ =	sdelay $0x1  }
0x317: {  	v20 =	vshll.u32 v20, $0x1  }
0x318: {  	v20 =	vor.u32 v3, v20  }
0x319: {  	[tilespmem:$0x12320] =	vst v20  }
0x31a: {  	v20 =	vld.idx.msk [tilespmem:v21+s30+$0x0], $0xffff;
	_ =	sdelay $0x2  }
0x31b: {  	v21 =	vor.u32 $0x48, v0;
	_ =	sdelay $0x1  }
0x31c: {  	v20 =	vshll.u32 v20, $0x1  }
0x31d: {  	v20 =	vor.u32 v3, v20  }
0x31e: {  	[tilespmem:$0x12330] =	vst v20  }
0x31f: {  	v20 =	vld.idx.msk [tilespmem:v21+s30+$0x0], $0xffff;
	_ =	sdelay $0x2  }
0x320: {  	v21 =	vor.u32 $0x4A, v0;
	_ =	sdelay $0x1  }
0x321: {  	v20 =	vshll.u32 v20, $0x1  }
0x322: {  	v20 =	vor.u32 v3, v20  }
0x323: {  	[tilespmem:$0x12340] =	vst v20  }
0x324: {  	v20 =	vld.idx.msk [tilespmem:v21+s30+$0x0], $0xffff;
	_ =	sdelay $0x2  }
0x325: {  	v21 =	vor.u32 $0x4C, v0;
	_ =	sdelay $0x1  }
0x326: {  	v20 =	vshll.u32 v20, $0x1  }
0x327: {  	v20 =	vor.u32 v3, v20  }
0x328: {  	[tilespmem:$0x12350] =	vst v20  }
0x329: {  	v20 =	vld.idx.msk [tilespmem:v21+s30+$0x0], $0xffff;
	_ =	sdelay $0x2  }
0x32a: {  	v21 =	vor.u32 $0x4E, v0;
	_ =	sdelay $0x1  }
0x32b: {  	v20 =	vshll.u32 v20, $0x1  }
0x32c: {  	v20 =	vor.u32 v3, v20  }
0x32d: {  	[tilespmem:$0x12360] =	vst v20  }
0x32e: {  	v20 =	vld.idx.msk [tilespmem:v21+s30+$0x0], $0xffff;
	_ =	sdelay $0x2  }
0x32f: {  	v21 =	vor.u32 $0x50, v0;
	_ =	sdelay $0x1  }
0x330: {  	v20 =	vshll.u32 v20, $0x1  }
0x331: {  	v20 =	vor.u32 v3, v20  }
0x332: {  	[tilespmem:$0x12370] =	vst v20  }
0x333: {  	v20 =	vld.idx.msk [tilespmem:v21+s30+$0x0], $0xffff;
	_ =	sdelay $0x2  }
0x334: {  	v21 =	vor.u32 $0x52, v0;
	_ =	sdelay $0x1  }
0x335: {  	v20 =	vshll.u32 v20, $0x1  }
0x336: {  	v20 =	vor.u32 v3, v20  }
0x337: {  	[tilespmem:$0x12500] =	vst v20  }
0x338: {  	v20 =	vld.idx.msk [tilespmem:v21+s30+$0x0], $0xffff;
	_ =	sdelay $0x2  }
0x339: {  	v21 =	vor.u32 $0x54, v0;
	_ =	sdelay $0x1  }
0x33a: {  	v20 =	vshll.u32 v20, $0x1  }
0x33b: {  	v20 =	vor.u32 v3, v20  }
0x33c: {  	[tilespmem:$0x12510] =	vst v20  }
0x33d: {  	v20 =	vld.idx.msk [tilespmem:v21+s30+$0x0], $0xffff;
	_ =	sdelay $0x2  }
0x33e: {  	v21 =	vor.u32 $0x56, v0;
	_ =	sdelay $0x1  }
0x33f: {  	v20 =	vshll.u32 v20, $0x1  }
0x340: {  	v20 =	vor.u32 v3, v20  }
0x341: {  	[tilespmem:$0x12520] =	vst v20  }
0x342: {  	v20 =	vld.idx.msk [tilespmem:v21+s30+$0x0], $0xffff;
	_ =	sdelay $0x2  }
0x343: {  	v21 =	vor.u32 $0x58, v0;
	_ =	sdelay $0x1  }
0x344: {  	v20 =	vshll.u32 v20, $0x1  }
0x345: {  	v20 =	vor.u32 v3, v20  }
0x346: {  	[tilespmem:$0x12530] =	vst v20  }
0x347: {  	v20 =	vld.idx.msk [tilespmem:v21+s30+$0x0], $0xffff;
	_ =	sdelay $0x2  }
0x348: {  	v21 =	vor.u32 $0x5A, v0;
	_ =	sdelay $0x1  }
0x349: {  	v20 =	vshll.u32 v20, $0x1  }
0x34a: {  	v20 =	vor.u32 v3, v20  }
0x34b: {  	[tilespmem:$0x12540] =	vst v20  }
0x34c: {  	v20 =	vld.idx.msk [tilespmem:v21+s30+$0x0], $0xffff;
	_ =	sdelay $0x2  }
0x34d: {  	v21 =	vor.u32 $0x5C, v0;
	_ =	sdelay $0x1  }
0x34e: {  	v20 =	vshll.u32 v20, $0x1  }
0x34f: {  	v20 =	vor.u32 v3, v20  }
0x350: {  	[tilespmem:$0x12550] =	vst v20  }
0x351: {  	v20 =	vld.idx.msk [tilespmem:v21+s30+$0x0], $0xffff;
	_ =	sdelay $0x2  }
0x352: {  	v21 =	vor.u32 $0x5E, v0;
	_ =	sdelay $0x1  }
0x353: {  	v20 =	vshll.u32 v20, $0x1  }
0x354: {  	v20 =	vor.u32 v3, v20  }
0x355: {  	[tilespmem:$0x12560] =	vst v20  }
0x356: {  	v20 =	vld.idx.msk [tilespmem:v21+s30+$0x0], $0xffff;
	_ =	sdelay $0x4  }
0x357: {  	v20 =	vshll.u32 v20, $0x1  }
0x358: {  	v20 =	vor.u32 v3, v20  }
0x359: {  	s7 =	rddreg [dreg:$0x8];
	[tilespmem:$0x12570] =	vst v20  }
0x35a: {  	[hbm4b:s7+s5] =	stream.linear.scatter [tilespmem:s22], [sflag:$0x3], $0x800, $0x38;
	[tilespmem:$0x13A80] =	vst v63  }
0x35b: {  	s13 =	simm.s32 $0x3200;
	s11 =	sadd.s32 $0xC3500, s7  }
0x35c: {  	[hbm4b:s11+s5] =	stream.linear.scatter [tilespmem:s13], [sflag:$0x3], $0x800, $0x38;
	[tilespmem:$0x13A80] =	vst v63  }
0x35d: {  	s31 =	simm.s32 $0x4200;
	s26 =	sadd.s32 $0x186A00, s7  }
0x35e: {  	[hbm4b:s26+s5] =	stream.linear.scatter [tilespmem:s31], [sflag:$0x3], $0x800, $0x38;
	[tilespmem:$0x13A80] =	vst v63  }
0x35f: {  	s10 =	simm.s32 $0x5200;
	s8 =	sadd.s32 $0x249F00, s7  }
0x360: {  	[hbm4b:s8+s5] =	stream.linear.scatter [tilespmem:s10], [sflag:$0x3], $0x800, $0x38;
	[tilespmem:$0x13A80] =	vst v63  }
0x361: {  	s11 =	sadd.s32 $0x30D400, s7;
	s13 =	simm.s32 $0x6200  }
0x362: {  	[hbm4b:s11+s5] =	stream.linear.scatter [tilespmem:s13], [sflag:$0x3], $0x800, $0x38;
	[tilespmem:$0x13A80] =	vst v63  }
0x363: {  	s26 =	sadd.s32 $0x3D0900, s7;
	s31 =	simm.s32 $0x7200  }
0x364: {  	[hbm4b:s26+s5] =	stream.linear.scatter [tilespmem:s31], [sflag:$0x3], $0x800, $0x38;
	[tilespmem:$0x13A80] =	vst v63  }
0x365: {  	s10 =	sadd.s32 $0x493E00, s7;
	s11 =	simm.s32 $0x8200  }
0x366: {  	[hbm4b:s10+s5] =	stream.linear.scatter [tilespmem:s11], [sflag:$0x3], $0x800, $0x38;
	[tilespmem:$0x13A80] =	vst v63  }
0x367: {  	s13 =	sadd.s32 $0x557300, s7;
	s26 =	simm.s32 $0x9200  }
0x368: {  	[hbm4b:s13+s5] =	stream.linear.scatter [tilespmem:s26], [sflag:$0x3], $0x800, $0x38;
	[tilespmem:$0x13A80] =	vst v63  }
0x369: {  	_ =	swait.ge [sflag:s16], $0x4000  }
0x36a: {  	[sflag:s16] =	ssyncset.done $0x0  }
.Ltmp28:
0x36b: {  	s31 =	rddreg [dreg:$0x9];
	[sflag:s16] =	ssyncadd.s32 $0xFFFFC000;
	(pc) =	sbr.rel .LBB2_39-.Ltmp28, $4  }
0x36c: {  	[hbm4b:s31+s5] =	stream.linear.scatter [tilespmem:s23], [sflag:$0x3], $0x400, $0x38;
	[tilespmem:$0x13A80] =	vst v63  }
0x36d: {  	_ =	swait.ge [sflag:s16], $0x400  }
0x36e: {  	[sflag:s16] =	ssyncset.done $0x0  }
0x36f: {  	[sflag:s16] =	ssyncadd.s32 $0xFFFFFC00  }
.LBB2_40:
0x370: {  	_ =	sfence.sel $0x180000  }
0x371: {  	[bflag:$0x0] =	sbarrier.arrive $0xFFFF  }
0x372: {  	_ =	strace $0x90000047  }
0x373: {  	s0 =	stileid.u32;
	[bflag:$0x2] =	sbarrier.arrive $0xFFFF  }
0x374: {  	p0 =	sne.s32 s0, $0x0;
	s0 =	rddreg [dreg:$0x5]  }
0x375: {  	s0 =	sadd.s32 @!p0 $0x100000, s0  }
0x376: {  	[sflag:s0] =	ssyncadd.tile.s32 @!p0 $0x1;
	_ =	shalt  }
.Lfunc_end2:
_tile_overlayer_lowered:
.L_overlay_start_2:
0x377: {  	(tag) =	ssettag $0x2  }
0x378: {  	s0 =	rddreg [dreg:$0x0];
	s2 =	stileid.u32  }
0x379: {  	s1 =	rddreg [dreg:$0x1];
	p0 =	sne.s32 s2, $0x0  }
0x37a: {  	s3 =	rddreg [dreg:$0x2];
	[bflag:$0x3] =	sbarrier.arrive $0xFFFF;
	s2 =	simm.s32 @!p0 $0x1C03  }
0x37b: {  	[timem:s3], [sflag:s2] =	dma.local @!p0 [hbm:s0], s1  }
0x37c: {  	s0 =	simm.s32 @!p0 $0x3  }
0x37d: {  	_ =	swait.ge @!p0 [sflag:s0], s1  }
0x37e: {  	s1 =	ssub.s32 @!p0 $0x0, s1;
	[sflag:s0] =	ssyncset.done @!p0 $0x0  }
0x37f: {  	[sflag:s0] =	ssyncadd.s32 @!p0 s1  }
0x380: {  	[bflag:$0x3] =	sbarrier.arrive $0xFFFF  }
0x381: {  	_ =	shalt  }

</sc_bundles>
